<compile_context>
chip_gen: v7x
topology: tpu7x:2x2x1
jax: 0.10.2.dev20260603
libtpu: 0.0.44.dev20260713+nightly
codegen_flags: <defaults>
</compile_context>

<pallas_src>
import functools

import jax
import jax.numpy as jnp
from jax import lax
from jax.experimental import pallas as pl
from jax.experimental.pallas import tpu as pltpu
from jax.experimental.pallas import tpu_sc as plsc

E = 320000
D = 128
R = 16
K = 160000

NROW = 157
CHUNK = NROW * 128
EP = 16 * CHUNK
LSUB = CHUNK // 16
PAD_KEY = 0x3FFFFFFF
NBIN = 1024


def _gather_body(table_hbm, ids_hbm, out_hbm, idx_v, rows_v, sem):
    nc = 2
    wid = lax.axis_index("s") * nc + lax.axis_index("c")
    b_per_w = E // 32
    base = wid * b_per_w
    pltpu.sync_copy(ids_hbm.at[pl.ds(base, b_per_w)], idx_v)

    def chunk(c, _):
        cb = c * 1000
        cp = pltpu.async_copy(
            table_hbm.at[idx_v.at[pl.ds(cb, 1000)]], rows_v, sem)
        cp.wait()
        pltpu.sync_copy(rows_v, out_hbm.at[pl.ds(base + cb, 1000)])
        return 0

    lax.fori_loop(0, 10, chunk, 0)


def _gather_factors(edge_factors, edge_ids):
    mesh = plsc.VectorSubcoreMesh(core_axis_name="c", subcore_axis_name="s")
    return pl.kernel(
        _gather_body,
        out_type=jax.ShapeDtypeStruct((E, R), jnp.float32),
        mesh=mesh,
        compiler_params=pltpu.CompilerParams(use_tc_tiling_on_sc=False),
        scratch_types=[
            pltpu.VMEM((E // 32,), jnp.int32),
            pltpu.VMEM((1000, R), jnp.float32),
            pltpu.SemaphoreType.DMA,
        ],
    )(edge_factors, edge_ids)



_SB = 2000
_SGRID = E // _SB


def _score_body(ef_ref, w_ref, W_ref, p_out, k_out):
    x = ef_ref[...]
    Wm = W_ref[...]
    dn = (((1,), (1,)), ((), ()))
    u = lax.dot_general(x, Wm, dn, preferred_element_type=jnp.float32)
    v = u * w_ref[...]
    s = v[:, :8] + v[:, 8:]
    s = s[:, :4] + s[:, 4:]
    s = s[:, :2] + s[:, 2:]
    l = s[:, 0] + s[:, 1]
    p = jax.nn.sigmoid(l)
    p_out[0, 0, :] = p
    bits = lax.bitcast_convert_type(p, jnp.int32)
    k_out[0, 0, :] = 0x3F800000 - bits


def _score(edge_feat, w, W_node):
    p3, k3 = pl.pallas_call(
        _score_body,
        grid=(_SGRID,),
        in_specs=[
            pl.BlockSpec((_SB, D), lambda i: (i, 0)),
            pl.BlockSpec((_SB, R), lambda i: (i, 0)),
            pl.BlockSpec((R, D), lambda i: (0, 0)),
        ],
        out_specs=[
            pl.BlockSpec((1, 1, _SB), lambda i: (i, 0, 0)),
            pl.BlockSpec((1, 1, _SB), lambda i: (i, 0, 0)),
        ],
        out_shape=[
            jax.ShapeDtypeStruct((_SGRID, 1, _SB), jnp.float32),
            jax.ShapeDtypeStruct((_SGRID, 1, _SB), jnp.int32),
        ],
    )(edge_feat, w, W_node)
    return p3, k3



def _make_pass_body(shift, gen_v):
    def body(src_k, src_v, dst_k, dst_v,
             tdc_sh, kin, vin, buf, hist, basev, tdcl, sem):
        wid = lax.axis_index("s")
        lane = jnp.arange(16, dtype=jnp.int32)
        zeros16 = jnp.zeros((16,), jnp.int32)
        ones16 = jnp.ones((16,), jnp.int32)
        cbase = wid * CHUNK

        pltpu.sync_copy(src_k.at[pl.ds(cbase, CHUNK)], kin)
        if not gen_v:
            pltpu.sync_copy(src_v.at[pl.ds(cbase, CHUNK)], vin)

        def zbody(i, _):
            hist[pl.ds(i * 16, 16)] = zeros16
            return 0
        lax.fori_loop(0, NBIN, zbody, 0)

        def hbody(j, _):
            idx = lane * LSUB + j
            kv = plsc.load_gather(kin, [idx])
            d = lax.shift_right_logical(kv, shift) & (NBIN - 1)
            plsc.addupdate_scatter(hist, [lane * NBIN + d], ones16)
            return 0
        lax.fori_loop(0, LSUB, hbody, 0)

        def tbody(g, _):
            acc = zeros16
            for l in range(16):
                acc = acc + hist[pl.ds(l * NBIN + g * 16, 16)]
            gi = g * 16 + lane
            plsc.store_scatter(tdcl, [lax.shift_right_logical(gi, 7),
                                      gi & 127], acc)
            return 0
        lax.fori_loop(0, NBIN // 16, tbody, 0)

        pltpu.sync_copy(tdcl, tdc_sh.at[pl.ds(wid * 8, 8)])
        plsc.subcore_barrier()
        pltpu.sync_copy(tdc_sh, buf.at[pl.ds(0, 128)])

        def bbody(d, gp):
            dd = jnp.full((16,), d & 127, dtype=jnp.int32)
            col = plsc.load_gather(
                buf, [lane * 8 + lax.shift_right_logical(d, 7), dd])
            cc = plsc.cumsum(col)
            tile_excl = cc - col
            my_excl = jnp.sum(jnp.where(lane == wid, tile_excl, 0))
            tot = jnp.sum(col)
            hv = plsc.load_gather(hist, [lane * NBIN + d])
            hc = plsc.cumsum(hv)
            lane_excl = hc - hv
            basev[pl.ds(d * 16, 16)] = lane_excl + (gp + my_excl)
            return gp + tot
        lax.fori_loop(0, NBIN, bbody, jnp.int32(0))

        def pbody(j, _):
            idx = lane * LSUB + j
            kv = plsc.load_gather(kin, [idx])
            d = lax.shift_right_logical(kv, shift) & (NBIN - 1)
            h = d * 16 + lane
            pos = plsc.load_gather(basev, [h])
            plsc.store_scatter(basev, [h], pos + 1)
            plsc.store_scatter(buf, [lax.shift_right_logical(idx, 7),
                                     idx & 127], pos)
            if gen_v:
                plsc.store_scatter(vin, [idx], cbase + idx)
            return 0
        lax.fori_loop(0, LSUB, pbody, 0)

        def obody(i, _):
            pltpu.async_copy(kin.at[pl.ds(i * 128, 128)],
                             dst_k.at[buf.at[i]], sem)
            pltpu.async_copy(vin.at[pl.ds(i * 128, 128)],
                             dst_v.at[buf.at[i]], sem)
            return 0
        lax.fori_loop(0, NROW, obody, 0)

        def dbody(i, _):
            pltpu.make_async_copy(kin.at[pl.ds(i * 128, 128)],
                                  dst_k.at[buf.at[i]], sem).wait()
            pltpu.make_async_copy(vin.at[pl.ds(i * 128, 128)],
                                  dst_v.at[buf.at[i]], sem).wait()
            return 0
        lax.fori_loop(0, NROW, dbody, 0)
        plsc.subcore_barrier()

    return body


def _sort_pass(shift, gen_v, src_k, src_v):
    mesh = plsc.VectorSubcoreMesh(core_axis_name="c", subcore_axis_name="s",
                                  num_cores=1)
    return pl.kernel(
        _make_pass_body(shift, gen_v),
        out_type=[
            jax.ShapeDtypeStruct((EP,), jnp.int32),
            jax.ShapeDtypeStruct((EP,), jnp.int32),
        ],
        mesh=mesh,
        compiler_params=pltpu.CompilerParams(needs_layout_passes=False),
        scratch_types=[
            pltpu.VMEM_SHARED((128, 128), jnp.int32),
            pltpu.VMEM((CHUNK,), jnp.int32),
            pltpu.VMEM((CHUNK,), jnp.int32),
            pltpu.VMEM((160, 128), jnp.int32),
            pltpu.VMEM((16 * NBIN,), jnp.int32),
            pltpu.VMEM((16 * NBIN,), jnp.int32),
            pltpu.VMEM((8, 128), jnp.int32),
            pltpu.SemaphoreType.DMA,
        ],
    )(src_k, src_v)


def _radix_sort(keys_pad):
    ka, va = _sort_pass(0, True, keys_pad, keys_pad)
    kb, vb = _sort_pass(10, False, ka, va)
    sk, sv = _sort_pass(20, False, kb, vb)
    return sk, sv



def _mask_body(p_ref, k_ref, ks_ref, vs_ref, h_out, s_out, m_out):
    i = pl.program_id(0)
    p = p_ref[0, 0, :]
    kv = k_ref[0, 0, :]
    kstar = ks_ref[0, 0]
    vstar = vs_ref[0, 0]
    eidx = lax.broadcasted_iota(jnp.int32, (_SB,), 0) + i * _SB
    sel = (kv < kstar) | ((kv == kstar) & (eidx <= vstar))
    hard = jnp.where(sel, jnp.float32(1.0), jnp.float32(0.0))
    soft = (hard - p) + p
    h_out[0, 0, :] = hard
    s_out[0, 0, :] = soft
    m_out[0, 0, :] = soft > 0.0


def _mask(p3, k3, kstar, vstar):
    return pl.pallas_call(
        _mask_body,
        grid=(_SGRID,),
        in_specs=[
            pl.BlockSpec((1, 1, _SB), lambda i: (i, 0, 0)),
            pl.BlockSpec((1, 1, _SB), lambda i: (i, 0, 0)),
            pl.BlockSpec((1, 1), lambda i: (0, 0)),
            pl.BlockSpec((1, 1), lambda i: (0, 0)),
        ],
        out_specs=[
            pl.BlockSpec((1, 1, _SB), lambda i: (i, 0, 0)),
            pl.BlockSpec((1, 1, _SB), lambda i: (i, 0, 0)),
            pl.BlockSpec((1, 1, _SB), lambda i: (i, 0, 0)),
        ],
        out_shape=[
            jax.ShapeDtypeStruct((_SGRID, 1, _SB), jnp.float32),
            jax.ShapeDtypeStruct((_SGRID, 1, _SB), jnp.float32),
            jax.ShapeDtypeStruct((_SGRID, 1, _SB), jnp.bool_),
        ],
    )(p3, k3, kstar, vstar)



def kernel(edge_feat, edge_ids, is_test, W_node, edge_factors):
    del is_test
    w = _gather_factors(edge_factors, edge_ids)
    p3, k3 = _score(edge_feat, w, W_node)
    keys = k3.reshape(E)
    keys_pad = jnp.concatenate(
        [keys, jnp.full((EP - E,), PAD_KEY, jnp.int32)])
    sk, sv = _radix_sort(keys_pad)
    kstar = sk[K - 1:K].reshape(1, 1)
    vstar = sv[K - 1:K].reshape(1, 1)
    h3, s3, m3 = _mask(p3, k3, kstar, vstar)
    probs = p3.reshape(E)
    hard = h3.reshape(E)
    soft = s3.reshape(E)
    keep_mask = m3.reshape(E)
    keep_ids = sv[:K]
    return probs, hard, soft, keep_mask, keep_ids

# --- scband reference (transcript-rebuilt; emitter-appended) ---
"""Pipeline reference for scband-ehgnnchard-edge-pruner-45921790329381 (READ-ONLY COPY).

The authoritative reference and input builder live on the scoring server;
editing this copy changes nothing except your own understanding.
"""

import jax, jax.numpy as jnp
import numpy as np

E = 320000
D = 128
R = 16
KEEP_RATIO = 0.5

def setup_inputs(seed: int = 0) -> dict:
    key = jax.random.key(seed)
    k1, k2, k3, k4 = jax.random.split(key, 4)
    edge_feat = jax.random.normal(k1, (E, D), dtype=jnp.float32)
    edge_ids = jax.random.randint(k2, (E,), 0, E, dtype=jnp.int32)
    # Learned params sized per init_kwargs
    W_node = jax.random.normal(k3, (R, D), dtype=jnp.float32) * (1.0 / np.sqrt(D))  # nn.Linear(D, R, bias=False)
    edge_factors = jax.random.normal(k4, (E, R), dtype=jnp.float32)                  # nn.Parameter(randn(num_edges, rank))
    return {"edge_feat": edge_feat, "edge_ids": edge_ids, "is_test": 1,
            "W_node": W_node, "edge_factors": edge_factors}

def reference(edge_feat, edge_ids, is_test, W_node, edge_factors):
    # score_edges
    u = edge_feat @ W_node.T                      # [E, R]
    w = jnp.take(edge_factors, edge_ids, axis=0)  # gather [E, R]
    logits = jnp.sum(u * w, axis=-1)              # [E]
    probs = jax.nn.sigmoid(logits)
    m = probs.shape[0]
    k = max(1, int(KEEP_RATIO * m))
    k = min(k, m)
    # is_test=True path: deterministic top-k selection
    _, keep_ids = jax.lax.top_k(probs, k)
    hard = jnp.zeros_like(probs).at[keep_ids].set(1.0)
    soft = jax.lax.stop_gradient(hard - probs) + probs  # STE
    keep_mask = soft > 0.0
    return probs, hard, soft, keep_mask, keep_ids

if __name__ == "__main__":
    import jax
    _d = setup_inputs()
    print(jax.jit(kernel)(*tuple(_d.values())))

</pallas_src>

<mosaic_0001>
#map = affine_map<(d0, d1) -> (0, 0)>
#map1 = affine_map<(d0, d1) -> (0)>
module attributes {stable_mosaic.version = 14 : i64} {
  func.func @_gather_body(%arg0: i32, %arg1: i32, %arg2: memref<320000x16xf32, #tpu.memory_space<hbm>>, %arg3: memref<320000xi32, #tpu.memory_space<hbm>>, %arg4: memref<320000x16xf32, #tpu.memory_space<hbm>>, %arg5: memref<10000xi32, #tpu.memory_space<vmem>>, %arg6: memref<1000x16xf32, #tpu.memory_space<vmem>>, %arg7: memref<!tpu.dma_semaphore, #tpu.memory_space<semaphore_mem>>) attributes {dimension_semantics = [#tpu.dimension_semantics<core_parallel>, #tpu.dimension_semantics<subcore_parallel>], iteration_bounds = array<i64: 2, 16>, scalar_prefetch = 0 : i64, scratch_operands = 3 : i64, tpu.core_type = #tpu.core_type<sc_vector_subcore>, window_params = [{transform_indices = #map}, {transform_indices = #map1}, {transform_indices = #map}]} {
    %mul3A = arith.constant 2 : i32
    %mul3A_0 = arith.muli %arg1, %mul3A : i32
    %add3A = arith.addi %mul3A_0, %arg0 : i32
    %mul3A_1 = arith.constant 10000 : i32
    %mul3A_2 = arith.muli %add3A, %mul3A_1 : i32
    "tpu.region"() ({
      %run_scoped3A = tpu.sem_alloc : memref<!tpu.dma_semaphore, #tpu.memory_space<semaphore_mem>>
      %dma_start3A = tpu.memref_slice %arg3[%mul3A_2] : memref<320000xi32, #tpu.memory_space<hbm>> -> memref<10000xi32, #tpu.memory_space<hbm>>
      %dma_start3A_9 = tpu.memref_slice %arg3[%mul3A_2] : memref<320000xi32, #tpu.memory_space<hbm>> -> memref<10000xi32, #tpu.memory_space<hbm>>
      tpu.enqueue_dma source(%dma_start3A_9 : memref<10000xi32, #tpu.memory_space<hbm>>) target(%arg5 : memref<10000xi32, #tpu.memory_space<vmem>>) target_semaphore(%run_scoped3A : memref<!tpu.dma_semaphore, #tpu.memory_space<semaphore_mem>>)
      %dma_wait3A = tpu.memref_slice %arg3[%mul3A_2] : memref<320000xi32, #tpu.memory_space<hbm>> -> memref<10000xi32, #tpu.memory_space<hbm>>
      %dma_wait3A_10 = tpu.memref_slice %arg3[%mul3A_2] : memref<320000xi32, #tpu.memory_space<hbm>> -> memref<10000xi32, #tpu.memory_space<hbm>>
      tpu.wait_dma2 semaphore(%run_scoped3A : memref<!tpu.dma_semaphore, #tpu.memory_space<semaphore_mem>>) src(%dma_wait3A_10 : memref<10000xi32, #tpu.memory_space<hbm>>) dst(%arg5 : memref<10000xi32, #tpu.memory_space<vmem>>)
      tpu.yield
    }) : () -> ()
    %scan3A = arith.constant 0 : i32
    %scan3A_3 = arith.constant 0 : i32
    %scan3A_4 = arith.constant 10 : i32
    %scan3A_5 = arith.addi %scan3A_3, %scan3A_4 : i32
    %scan3A_6 = arith.constant 1 : i32
    %scan3A_7 = scf.for %scan3A_9 = %scan3A_3 to %scan3A_5 step %scan3A_6 iter_args(%scan3A_10 = %scan3A) -> (i32)  : i32 {
      %mul3A_11 = arith.constant 1000 : i32
      %mul3A_12 = arith.muli %scan3A_9, %mul3A_11 : i32
      %dma_start3A = tpu.memref_slice %arg5[%mul3A_12] : memref<10000xi32, #tpu.memory_space<vmem>> -> memref<1000xi32, #tpu.memory_space<vmem>>
      %dma_start3A_13 = arith.constant 0 : i32
      %dma_start3A_14 = arith.constant 0 : i32
      %dma_start3A_15 = tpu.memref_slice %arg2[%dma_start3A_13, %dma_start3A_14] : memref<320000x16xf32, #tpu.memory_space<hbm>> -> memref<320000x16xf32, #tpu.memory_space<hbm>>
      tpu.enqueue_indirect_dma source(%dma_start3A_15 : memref<320000x16xf32, #tpu.memory_space<hbm>>) target(%arg6 : memref<1000x16xf32, #tpu.memory_space<vmem>>) offsets(%dma_start3A : memref<1000xi32, #tpu.memory_space<vmem>>) semaphore(%arg7 : memref<!tpu.dma_semaphore, #tpu.memory_space<semaphore_mem>>)
      %dma_wait3A = tpu.memref_slice %arg5[%mul3A_12] : memref<10000xi32, #tpu.memory_space<vmem>> -> memref<1000xi32, #tpu.memory_space<vmem>>
      %dma_wait3A_16 = arith.constant 0 : i32
      %dma_wait3A_17 = arith.constant 0 : i32
      %dma_wait3A_18 = tpu.memref_slice %arg2[%dma_wait3A_16, %dma_wait3A_17] : memref<320000x16xf32, #tpu.memory_space<hbm>> -> memref<320000x16xf32, #tpu.memory_space<hbm>>
      tpu.wait_indirect_dma semaphore(%arg7 : memref<!tpu.dma_semaphore, #tpu.memory_space<semaphore_mem>>) src(%dma_wait3A_18 : memref<320000x16xf32, #tpu.memory_space<hbm>>) dst(%arg6 : memref<1000x16xf32, #tpu.memory_space<vmem>>)
      %add3A_19 = arith.addi %mul3A_2, %mul3A_12 : i32
      "tpu.region"() ({
        %run_scoped3A = tpu.sem_alloc : memref<!tpu.dma_semaphore, #tpu.memory_space<semaphore_mem>>
        %dma_start3A_21 = arith.constant 0 : i32
        %dma_start3A_22 = tpu.memref_slice %arg4[%add3A_19, %dma_start3A_21] : memref<320000x16xf32, #tpu.memory_space<hbm>> -> memref<1000x16xf32, #tpu.memory_space<hbm>>
        %dma_start3A_23 = arith.constant 0 : i32
        %dma_start3A_24 = tpu.memref_slice %arg4[%add3A_19, %dma_start3A_23] : memref<320000x16xf32, #tpu.memory_space<hbm>> -> memref<1000x16xf32, #tpu.memory_space<hbm>>
        tpu.enqueue_dma source(%arg6 : memref<1000x16xf32, #tpu.memory_space<vmem>>) target(%dma_start3A_24 : memref<1000x16xf32, #tpu.memory_space<hbm>>) target_semaphore(%run_scoped3A : memref<!tpu.dma_semaphore, #tpu.memory_space<semaphore_mem>>)
        %dma_wait3A_25 = arith.constant 0 : i32
        %dma_wait3A_26 = tpu.memref_slice %arg4[%add3A_19, %dma_wait3A_25] : memref<320000x16xf32, #tpu.memory_space<hbm>> -> memref<1000x16xf32, #tpu.memory_space<hbm>>
        %dma_wait3A_27 = arith.constant 0 : i32
        %dma_wait3A_28 = tpu.memref_slice %arg4[%add3A_19, %dma_wait3A_27] : memref<320000x16xf32, #tpu.memory_space<hbm>> -> memref<1000x16xf32, #tpu.memory_space<hbm>>
        tpu.wait_dma2 semaphore(%run_scoped3A : memref<!tpu.dma_semaphore, #tpu.memory_space<semaphore_mem>>) src(%arg6 : memref<1000x16xf32, #tpu.memory_space<vmem>>) dst(%dma_wait3A_28 : memref<1000x16xf32, #tpu.memory_space<hbm>>)
        tpu.yield
      }) : () -> ()
      %scan3A_20 = arith.constant 0 : i32
      scf.yield %scan3A_20 : i32
    }
    %scan3A_8 = arith.constant 10 : i32
    return
  }
}

#map = affine_map<(d0, d1) -> (0)>
module attributes {stable_mosaic.version = 14 : i64} {
  func.func @body(%arg0: i32, %arg1: i32, %arg2: memref<321536xi32, #tpu.memory_space<hbm>>, %arg3: memref<321536xi32, #tpu.memory_space<hbm>>, %arg4: memref<321536xi32, #tpu.memory_space<hbm>>, %arg5: memref<321536xi32, #tpu.memory_space<hbm>>, %arg6: memref<128x128xi32, #tpu.memory_space<vmem_shared>>, %arg7: memref<20096xi32, #tpu.memory_space<vmem>>, %arg8: memref<20096xi32, #tpu.memory_space<vmem>>, %arg9: memref<160x128xi32, #tpu.memory_space<vmem>>, %arg10: memref<16384xi32, #tpu.memory_space<vmem>>, %arg11: memref<16384xi32, #tpu.memory_space<vmem>>, %arg12: memref<8x128xi32, #tpu.memory_space<vmem>>, %arg13: memref<!tpu.dma_semaphore, #tpu.memory_space<semaphore_mem>>) attributes {dimension_semantics = [#tpu.dimension_semantics<core_parallel>, #tpu.dimension_semantics<subcore_parallel>], iteration_bounds = array<i64: 1, 16>, scalar_prefetch = 0 : i64, scratch_operands = 8 : i64, tpu.core_type = #tpu.core_type<sc_vector_subcore>, window_params = [{transform_indices = #map}, {transform_indices = #map}, {transform_indices = #map}, {transform_indices = #map}]} {
    %iota3A = tpu.iota {dimensions = array<i32: 0>} : vector<16xi32>
    %broadcast_in_dim3A = arith.constant 0 : i32
    %broadcast_in_dim3A_0 = vector.broadcast %broadcast_in_dim3A : i32 to vector<16xi32>
    %broadcast_in_dim3A_1 = arith.constant 1 : i32
    %broadcast_in_dim3A_2 = vector.broadcast %broadcast_in_dim3A_1 : i32 to vector<16xi32>
    %mul3A = arith.constant 20096 : i32
    %mul3A_3 = arith.muli %arg1, %mul3A : i32
    "tpu.region"() ({
      %run_scoped3A = tpu.sem_alloc : memref<!tpu.dma_semaphore, #tpu.memory_space<semaphore_mem>>
      %dma_start3A = tpu.memref_slice %arg2[%mul3A_3] : memref<321536xi32, #tpu.memory_space<hbm>> -> memref<20096xi32, #tpu.memory_space<hbm>>
      %dma_start3A_55 = tpu.memref_slice %arg2[%mul3A_3] : memref<321536xi32, #tpu.memory_space<hbm>> -> memref<20096xi32, #tpu.memory_space<hbm>>
      tpu.enqueue_dma source(%dma_start3A_55 : memref<20096xi32, #tpu.memory_space<hbm>>) target(%arg7 : memref<20096xi32, #tpu.memory_space<vmem>>) target_semaphore(%run_scoped3A : memref<!tpu.dma_semaphore, #tpu.memory_space<semaphore_mem>>)
      %dma_wait3A = tpu.memref_slice %arg2[%mul3A_3] : memref<321536xi32, #tpu.memory_space<hbm>> -> memref<20096xi32, #tpu.memory_space<hbm>>
      %dma_wait3A_56 = tpu.memref_slice %arg2[%mul3A_3] : memref<321536xi32, #tpu.memory_space<hbm>> -> memref<20096xi32, #tpu.memory_space<hbm>>
      tpu.wait_dma2 semaphore(%run_scoped3A : memref<!tpu.dma_semaphore, #tpu.memory_space<semaphore_mem>>) src(%dma_wait3A_56 : memref<20096xi32, #tpu.memory_space<hbm>>) dst(%arg7 : memref<20096xi32, #tpu.memory_space<vmem>>)
      tpu.yield
    }) : () -> ()
    "tpu.region"() ({
      %run_scoped3A = tpu.sem_alloc : memref<!tpu.dma_semaphore, #tpu.memory_space<semaphore_mem>>
      %dma_start3A = tpu.memref_slice %arg3[%mul3A_3] : memref<321536xi32, #tpu.memory_space<hbm>> -> memref<20096xi32, #tpu.memory_space<hbm>>
      %dma_start3A_55 = tpu.memref_slice %arg3[%mul3A_3] : memref<321536xi32, #tpu.memory_space<hbm>> -> memref<20096xi32, #tpu.memory_space<hbm>>
      tpu.enqueue_dma source(%dma_start3A_55 : memref<20096xi32, #tpu.memory_space<hbm>>) target(%arg8 : memref<20096xi32, #tpu.memory_space<vmem>>) target_semaphore(%run_scoped3A : memref<!tpu.dma_semaphore, #tpu.memory_space<semaphore_mem>>)
      %dma_wait3A = tpu.memref_slice %arg3[%mul3A_3] : memref<321536xi32, #tpu.memory_space<hbm>> -> memref<20096xi32, #tpu.memory_space<hbm>>
      %dma_wait3A_56 = tpu.memref_slice %arg3[%mul3A_3] : memref<321536xi32, #tpu.memory_space<hbm>> -> memref<20096xi32, #tpu.memory_space<hbm>>
      tpu.wait_dma2 semaphore(%run_scoped3A : memref<!tpu.dma_semaphore, #tpu.memory_space<semaphore_mem>>) src(%dma_wait3A_56 : memref<20096xi32, #tpu.memory_space<hbm>>) dst(%arg8 : memref<20096xi32, #tpu.memory_space<vmem>>)
      tpu.yield
    }) : () -> ()
    %scan3A = arith.constant 0 : i32
    %scan3A_4 = arith.constant 0 : i32
    %scan3A_5 = arith.constant 1024 : i32
    %scan3A_6 = arith.addi %scan3A_4, %scan3A_5 : i32
    %scan3A_7 = arith.constant 1 : i32
    %scan3A_8 = scf.for %scan3A_55 = %scan3A_4 to %scan3A_6 step %scan3A_7 iter_args(%scan3A_56 = %scan3A) -> (i32)  : i32 {
      %mul3A_57 = arith.constant 16 : i32
      %mul3A_58 = arith.muli %scan3A_55, %mul3A_57 : i32
      %swap3A = arith.index_cast %mul3A_58 : i32 to index
      %swap3A_59 = tpu.vector_load %arg10[%swap3A] {strides = array<i32>} : memref<16384xi32, #tpu.memory_space<vmem>>, vector<16xi32>,
      tpu.vector_store %arg10[%swap3A], %broadcast_in_dim3A_0 {strides = array<i32>} : memref<16384xi32, #tpu.memory_space<vmem>>, vector<16xi32>,
      %scan3A_60 = arith.constant 0 : i32
      scf.yield %scan3A_60 : i32
    }
    %scan3A_9 = arith.constant 1024 : i32
    %scan3A_10 = arith.constant 0 : i32
    %scan3A_11 = arith.constant 0 : i32
    %scan3A_12 = arith.constant 1256 : i32
    %scan3A_13 = arith.addi %scan3A_11, %scan3A_12 : i32
    %scan3A_14 = arith.constant 1 : i32
    %scan3A_15 = scf.for %scan3A_55 = %scan3A_11 to %scan3A_13 step %scan3A_14 iter_args(%scan3A_56 = %scan3A_10) -> (i32)  : i32 {
      %mul3A_57 = arith.constant 1256 : i32
      %mul3A_58 = vector.broadcast %mul3A_57 : i32 to vector<16xi32>
      %mul3A_59 = arith.muli %iota3A, %mul3A_58 : vector<16xi32>
      %add3A = vector.broadcast %scan3A_55 : i32 to vector<16xi32>
      %add3A_60 = arith.addi %mul3A_59, %add3A : vector<16xi32>
      %gather3A = tpu.vector_load_idx %arg7[%add3A_60] : memref<20096xi32, #tpu.memory_space<vmem>>[vector<16xi32>], vector<16xi32>,
      %shift_right_logical3A = arith.constant 10 : i32
      %shift_right_logical3A_61 = vector.broadcast %shift_right_logical3A : i32 to vector<16xi32>
      %shift_right_logical3A_62 = arith.shrui %gather3A, %shift_right_logical3A_61 : vector<16xi32>
      %and3A = arith.constant 1023 : i32
      %and3A_63 = vector.broadcast %and3A : i32 to vector<16xi32>
      %and3A_64 = arith.andi %shift_right_logical3A_62, %and3A_63 : vector<16xi32>
      %mul3A_65 = arith.constant 1024 : i32
      %mul3A_66 = vector.broadcast %mul3A_65 : i32 to vector<16xi32>
      %mul3A_67 = arith.muli %iota3A, %mul3A_66 : vector<16xi32>
      %add3A_68 = arith.addi %mul3A_67, %and3A_64 : vector<16xi32>
      tpu.vector_store_idx %arg10[%add3A_68], %broadcast_in_dim3A_2 {add = true} : memref<16384xi32, #tpu.memory_space<vmem>>[vector<16xi32>], vector<16xi32>,
      %scan3A_69 = arith.constant 0 : i32
      scf.yield %scan3A_69 : i32
    }
    %scan3A_16 = arith.constant 1256 : i32
    %scan3A_17 = arith.constant 0 : i32
    %scan3A_18 = arith.constant 0 : i32
    %scan3A_19 = arith.constant 64 : i32
    %scan3A_20 = arith.addi %scan3A_18, %scan3A_19 : i32
    %scan3A_21 = arith.constant 1 : i32
    %scan3A_22 = scf.for %scan3A_55 = %scan3A_18 to %scan3A_20 step %scan3A_21 iter_args(%scan3A_56 = %scan3A_17) -> (i32)  : i32 {
      %mul3A_57 = arith.constant 16 : i32
      %mul3A_58 = arith.muli %scan3A_55, %mul3A_57 : i32
      %add3A = arith.constant 0 : i32
      %add3A_59 = arith.addi %add3A, %mul3A_58 : i32
      %get3A = arith.index_cast %add3A_59 : i32 to index
      %get3A_60 = tpu.vector_load %arg10[%get3A] {strides = array<i32>} : memref<16384xi32, #tpu.memory_space<vmem>>, vector<16xi32>,
      %add3A_61 = arith.addi %broadcast_in_dim3A_0, %get3A_60 : vector<16xi32>
      %mul3A_62 = arith.constant 16 : i32
      %mul3A_63 = arith.muli %scan3A_55, %mul3A_62 : i32
      %add3A_64 = arith.constant 1024 : i32
      %add3A_65 = arith.addi %add3A_64, %mul3A_63 : i32
      %get3A_66 = arith.index_cast %add3A_65 : i32 to index
      %get3A_67 = tpu.vector_load %arg10[%get3A_66] {strides = array<i32>} : memref<16384xi32, #tpu.memory_space<vmem>>, vector<16xi32>,
      %add3A_68 = arith.addi %add3A_61, %get3A_67 : vector<16xi32>
      %mul3A_69 = arith.constant 16 : i32
      %mul3A_70 = arith.muli %scan3A_55, %mul3A_69 : i32
      %add3A_71 = arith.constant 2048 : i32
      %add3A_72 = arith.addi %add3A_71, %mul3A_70 : i32
      %get3A_73 = arith.index_cast %add3A_72 : i32 to index
      %get3A_74 = tpu.vector_load %arg10[%get3A_73] {strides = array<i32>} : memref<16384xi32, #tpu.memory_space<vmem>>, vector<16xi32>,
      %add3A_75 = arith.addi %add3A_68, %get3A_74 : vector<16xi32>
      %mul3A_76 = arith.constant 16 : i32
      %mul3A_77 = arith.muli %scan3A_55, %mul3A_76 : i32
      %add3A_78 = arith.constant 3072 : i32
      %add3A_79 = arith.addi %add3A_78, %mul3A_77 : i32
      %get3A_80 = arith.index_cast %add3A_79 : i32 to index
      %get3A_81 = tpu.vector_load %arg10[%get3A_80] {strides = array<i32>} : memref<16384xi32, #tpu.memory_space<vmem>>, vector<16xi32>,
      %add3A_82 = arith.addi %add3A_75, %get3A_81 : vector<16xi32>
      %mul3A_83 = arith.constant 16 : i32
      %mul3A_84 = arith.muli %scan3A_55, %mul3A_83 : i32
      %add3A_85 = arith.constant 4096 : i32
      %add3A_86 = arith.addi %add3A_85, %mul3A_84 : i32
      %get3A_87 = arith.index_cast %add3A_86 : i32 to index
      %get3A_88 = tpu.vector_load %arg10[%get3A_87] {strides = array<i32>} : memref<16384xi32, #tpu.memory_space<vmem>>, vector<16xi32>,
      %add3A_89 = arith.addi %add3A_82, %get3A_88 : vector<16xi32>
      %mul3A_90 = arith.constant 16 : i32
      %mul3A_91 = arith.muli %scan3A_55, %mul3A_90 : i32
      %add3A_92 = arith.constant 5120 : i32
      %add3A_93 = arith.addi %add3A_92, %mul3A_91 : i32
      %get3A_94 = arith.index_cast %add3A_93 : i32 to index
      %get3A_95 = tpu.vector_load %arg10[%get3A_94] {strides = array<i32>} : memref<16384xi32, #tpu.memory_space<vmem>>, vector<16xi32>,
      %add3A_96 = arith.addi %add3A_89, %get3A_95 : vector<16xi32>
      %mul3A_97 = arith.constant 16 : i32
      %mul3A_98 = arith.muli %scan3A_55, %mul3A_97 : i32
      %add3A_99 = arith.constant 6144 : i32
      %add3A_100 = arith.addi %add3A_99, %mul3A_98 : i32
      %get3A_101 = arith.index_cast %add3A_100 : i32 to index
      %get3A_102 = tpu.vector_load %arg10[%get3A_101] {strides = array<i32>} : memref<16384xi32, #tpu.memory_space<vmem>>, vector<16xi32>,
      %add3A_103 = arith.addi %add3A_96, %get3A_102 : vector<16xi32>
      %mul3A_104 = arith.constant 16 : i32
      %mul3A_105 = arith.muli %scan3A_55, %mul3A_104 : i32
      %add3A_106 = arith.constant 7168 : i32
      %add3A_107 = arith.addi %add3A_106, %mul3A_105 : i32
      %get3A_108 = arith.index_cast %add3A_107 : i32 to index
      %get3A_109 = tpu.vector_load %arg10[%get3A_108] {strides = array<i32>} : memref<16384xi32, #tpu.memory_space<vmem>>, vector<16xi32>,
      %add3A_110 = arith.addi %add3A_103, %get3A_109 : vector<16xi32>
      %mul3A_111 = arith.constant 16 : i32
      %mul3A_112 = arith.muli %scan3A_55, %mul3A_111 : i32
      %add3A_113 = arith.constant 8192 : i32
      %add3A_114 = arith.addi %add3A_113, %mul3A_112 : i32
      %get3A_115 = arith.index_cast %add3A_114 : i32 to index
      %get3A_116 = tpu.vector_load %arg10[%get3A_115] {strides = array<i32>} : memref<16384xi32, #tpu.memory_space<vmem>>, vector<16xi32>,
      %add3A_117 = arith.addi %add3A_110, %get3A_116 : vector<16xi32>
      %mul3A_118 = arith.constant 16 : i32
      %mul3A_119 = arith.muli %scan3A_55, %mul3A_118 : i32
      %add3A_120 = arith.constant 9216 : i32
      %add3A_121 = arith.addi %add3A_120, %mul3A_119 : i32
      %get3A_122 = arith.index_cast %add3A_121 : i32 to index
      %get3A_123 = tpu.vector_load %arg10[%get3A_122] {strides = array<i32>} : memref<16384xi32, #tpu.memory_space<vmem>>, vector<16xi32>,
      %add3A_124 = arith.addi %add3A_117, %get3A_123 : vector<16xi32>
      %mul3A_125 = arith.constant 16 : i32
      %mul3A_126 = arith.muli %scan3A_55, %mul3A_125 : i32
      %add3A_127 = arith.constant 10240 : i32
      %add3A_128 = arith.addi %add3A_127, %mul3A_126 : i32
      %get3A_129 = arith.index_cast %add3A_128 : i32 to index
      %get3A_130 = tpu.vector_load %arg10[%get3A_129] {strides = array<i32>} : memref<16384xi32, #tpu.memory_space<vmem>>, vector<16xi32>,
      %add3A_131 = arith.addi %add3A_124, %get3A_130 : vector<16xi32>
      %mul3A_132 = arith.constant 16 : i32
      %mul3A_133 = arith.muli %scan3A_55, %mul3A_132 : i32
      %add3A_134 = arith.constant 11264 : i32
      %add3A_135 = arith.addi %add3A_134, %mul3A_133 : i32
      %get3A_136 = arith.index_cast %add3A_135 : i32 to index
      %get3A_137 = tpu.vector_load %arg10[%get3A_136] {strides = array<i32>} : memref<16384xi32, #tpu.memory_space<vmem>>, vector<16xi32>,
      %add3A_138 = arith.addi %add3A_131, %get3A_137 : vector<16xi32>
      %mul3A_139 = arith.constant 16 : i32
      %mul3A_140 = arith.muli %scan3A_55, %mul3A_139 : i32
      %add3A_141 = arith.constant 12288 : i32
      %add3A_142 = arith.addi %add3A_141, %mul3A_140 : i32
      %get3A_143 = arith.index_cast %add3A_142 : i32 to index
      %get3A_144 = tpu.vector_load %arg10[%get3A_143] {strides = array<i32>} : memref<16384xi32, #tpu.memory_space<vmem>>, vector<16xi32>,
      %add3A_145 = arith.addi %add3A_138, %get3A_144 : vector<16xi32>
      %mul3A_146 = arith.constant 16 : i32
      %mul3A_147 = arith.muli %scan3A_55, %mul3A_146 : i32
      %add3A_148 = arith.constant 13312 : i32
      %add3A_149 = arith.addi %add3A_148, %mul3A_147 : i32
      %get3A_150 = arith.index_cast %add3A_149 : i32 to index
      %get3A_151 = tpu.vector_load %arg10[%get3A_150] {strides = array<i32>} : memref<16384xi32, #tpu.memory_space<vmem>>, vector<16xi32>,
      %add3A_152 = arith.addi %add3A_145, %get3A_151 : vector<16xi32>
      %mul3A_153 = arith.constant 16 : i32
      %mul3A_154 = arith.muli %scan3A_55, %mul3A_153 : i32
      %add3A_155 = arith.constant 14336 : i32
      %add3A_156 = arith.addi %add3A_155, %mul3A_154 : i32
      %get3A_157 = arith.index_cast %add3A_156 : i32 to index
      %get3A_158 = tpu.vector_load %arg10[%get3A_157] {strides = array<i32>} : memref<16384xi32, #tpu.memory_space<vmem>>, vector<16xi32>,
      %add3A_159 = arith.addi %add3A_152, %get3A_158 : vector<16xi32>
      %mul3A_160 = arith.constant 16 : i32
      %mul3A_161 = arith.muli %scan3A_55, %mul3A_160 : i32
      %add3A_162 = arith.constant 15360 : i32
      %add3A_163 = arith.addi %add3A_162, %mul3A_161 : i32
      %get3A_164 = arith.index_cast %add3A_163 : i32 to index
      %get3A_165 = tpu.vector_load %arg10[%get3A_164] {strides = array<i32>} : memref<16384xi32, #tpu.memory_space<vmem>>, vector<16xi32>,
      %add3A_166 = arith.addi %add3A_159, %get3A_165 : vector<16xi32>
      %mul3A_167 = arith.constant 16 : i32
      %mul3A_168 = arith.muli %scan3A_55, %mul3A_167 : i32
      %add3A_169 = vector.broadcast %mul3A_168 : i32 to vector<16xi32>
      %add3A_170 = arith.addi %add3A_169, %iota3A : vector<16xi32>
      %shift_right_logical3A = arith.constant 7 : i32
      %shift_right_logical3A_171 = vector.broadcast %shift_right_logical3A : i32 to vector<16xi32>
      %shift_right_logical3A_172 = arith.shrui %add3A_170, %shift_right_logical3A_171 : vector<16xi32>
      %and3A = arith.constant 127 : i32
      %and3A_173 = vector.broadcast %and3A : i32 to vector<16xi32>
      %and3A_174 = arith.andi %add3A_170, %and3A_173 : vector<16xi32>
      tpu.vector_store_idx %arg12[%shift_right_logical3A_172, %and3A_174], %add3A_166 : memref<8x128xi32, #tpu.memory_space<vmem>>[vector<16xi32>, vector<16xi32>], vector<16xi32>,
      %scan3A_175 = arith.constant 0 : i32
      scf.yield %scan3A_175 : i32
    }
    %scan3A_23 = arith.constant 64 : i32
    %mul3A_24 = arith.constant 8 : i32
    %mul3A_25 = arith.muli %arg1, %mul3A_24 : i32
    "tpu.region"() ({
      %run_scoped3A = tpu.sem_alloc : memref<!tpu.dma_semaphore, #tpu.memory_space<semaphore_mem>>
      %dma_start3A = arith.constant 0 : i32
      %dma_start3A_55 = tpu.memref_slice %arg6[%mul3A_25, %dma_start3A] : memref<128x128xi32, #tpu.memory_space<vmem_shared>> -> memref<8x128xi32, #tpu.memory_space<vmem_shared>>
      %dma_start3A_56 = arith.constant 0 : i32
      %dma_start3A_57 = tpu.memref_slice %arg6[%mul3A_25, %dma_start3A_56] : memref<128x128xi32, #tpu.memory_space<vmem_shared>> -> memref<8x128xi32, #tpu.memory_space<vmem_shared>>
      tpu.enqueue_dma source(%arg12 : memref<8x128xi32, #tpu.memory_space<vmem>>) target(%dma_start3A_57 : memref<8x128xi32, #tpu.memory_space<vmem_shared>>) target_semaphore(%run_scoped3A : memref<!tpu.dma_semaphore, #tpu.memory_space<semaphore_mem>>)
      %dma_wait3A = arith.constant 0 : i32
      %dma_wait3A_58 = tpu.memref_slice %arg6[%mul3A_25, %dma_wait3A] : memref<128x128xi32, #tpu.memory_space<vmem_shared>> -> memref<8x128xi32, #tpu.memory_space<vmem_shared>>
      %dma_wait3A_59 = arith.constant 0 : i32
      %dma_wait3A_60 = tpu.memref_slice %arg6[%mul3A_25, %dma_wait3A_59] : memref<128x128xi32, #tpu.memory_space<vmem_shared>> -> memref<8x128xi32, #tpu.memory_space<vmem_shared>>
      tpu.wait_dma2 semaphore(%run_scoped3A : memref<!tpu.dma_semaphore, #tpu.memory_space<semaphore_mem>>) src(%arg12 : memref<8x128xi32, #tpu.memory_space<vmem>>) dst(%dma_wait3A_60 : memref<8x128xi32, #tpu.memory_space<vmem_shared>>)
      tpu.yield
    }) : () -> ()
    %barrier3A = arith.constant 0 : index
    tpu.barrier barrier_id(%barrier3A)
    "tpu.region"() ({
      %run_scoped3A = tpu.sem_alloc : memref<!tpu.dma_semaphore, #tpu.memory_space<semaphore_mem>>
      %dma_start3A = arith.constant 0 : i32
      %dma_start3A_55 = arith.constant 0 : i32
      %dma_start3A_56 = tpu.memref_slice %arg9[%dma_start3A, %dma_start3A_55] : memref<160x128xi32, #tpu.memory_space<vmem>> -> memref<128x128xi32, #tpu.memory_space<vmem>>
      %dma_start3A_57 = arith.constant 0 : i32
      %dma_start3A_58 = arith.constant 0 : i32
      %dma_start3A_59 = tpu.memref_slice %arg9[%dma_start3A_57, %dma_start3A_58] : memref<160x128xi32, #tpu.memory_space<vmem>> -> memref<128x128xi32, #tpu.memory_space<vmem>>
      tpu.enqueue_dma source(%arg6 : memref<128x128xi32, #tpu.memory_space<vmem_shared>>) target(%dma_start3A_59 : memref<128x128xi32, #tpu.memory_space<vmem>>) target_semaphore(%run_scoped3A : memref<!tpu.dma_semaphore, #tpu.memory_space<semaphore_mem>>)
      %dma_wait3A = arith.constant 0 : i32
      %dma_wait3A_60 = arith.constant 0 : i32
      %dma_wait3A_61 = tpu.memref_slice %arg9[%dma_wait3A, %dma_wait3A_60] : memref<160x128xi32, #tpu.memory_space<vmem>> -> memref<128x128xi32, #tpu.memory_space<vmem>>
      %dma_wait3A_62 = arith.constant 0 : i32
      %dma_wait3A_63 = arith.constant 0 : i32
      %dma_wait3A_64 = tpu.memref_slice %arg9[%dma_wait3A_62, %dma_wait3A_63] : memref<160x128xi32, #tpu.memory_space<vmem>> -> memref<128x128xi32, #tpu.memory_space<vmem>>
      tpu.wait_dma2 semaphore(%run_scoped3A : memref<!tpu.dma_semaphore, #tpu.memory_space<semaphore_mem>>) src(%arg6 : memref<128x128xi32, #tpu.memory_space<vmem_shared>>) dst(%dma_wait3A_64 : memref<128x128xi32, #tpu.memory_space<vmem>>)
      tpu.yield
    }) : () -> ()
    %scan3A_26 = arith.constant 0 : i32
    %scan3A_27 = arith.constant 0 : i32
    %scan3A_28 = arith.constant 1024 : i32
    %scan3A_29 = arith.addi %scan3A_27, %scan3A_28 : i32
    %scan3A_30 = arith.constant 1 : i32
    %scan3A_31 = scf.for %scan3A_55 = %scan3A_27 to %scan3A_29 step %scan3A_30 iter_args(%scan3A_56 = %scan3A_26) -> (i32)  : i32 {
      %and3A = arith.constant 127 : i32
      %and3A_57 = arith.andi %scan3A_55, %and3A : i32
      %broadcast_in_dim3A_58 = vector.broadcast %and3A_57 : i32 to vector<16xi32>
      %mul3A_59 = arith.constant 8 : i32
      %mul3A_60 = vector.broadcast %mul3A_59 : i32 to vector<16xi32>
      %mul3A_61 = arith.muli %iota3A, %mul3A_60 : vector<16xi32>
      %shift_right_logical3A = arith.constant 7 : i32
      %shift_right_logical3A_62 = arith.shrui %scan3A_55, %shift_right_logical3A : i32
      %add3A = vector.broadcast %shift_right_logical3A_62 : i32 to vector<16xi32>
      %add3A_63 = arith.addi %mul3A_61, %add3A : vector<16xi32>
      %gather3A = tpu.vector_load_idx %arg9[%add3A_63, %broadcast_in_dim3A_58] : memref<160x128xi32, #tpu.memory_space<vmem>>[vector<16xi32>, vector<16xi32>], vector<16xi32>,
      %broadcast_in_dim3A_64 = arith.constant true
      %broadcast_in_dim3A_65 = vector.broadcast %broadcast_in_dim3A_64 : i1 to vector<16xi1>
      %masked_cumsum3A = tpu.scan <sum>, %gather3A masked %broadcast_in_dim3A_65 : vector<16xi32>, vector<16xi1> -> vector<16xi32>
      %sub3A = arith.subi %masked_cumsum3A, %gather3A : vector<16xi32>
      %eq3A = vector.broadcast %arg1 : i32 to vector<16xi32>
      %eq3A_66 = arith.cmpi eq, %iota3A, %eq3A : vector<16xi32>
      %jit3A = arith.constant 0 : i32
      %broadcast_in_dim3A_67 = vector.broadcast %jit3A : i32 to vector<16xi32>
      %select_n3A = arith.select %eq3A_66, %sub3A, %broadcast_in_dim3A_67 : vector<16xi1>, vector<16xi32>
      %reduce_sum3A = arith.constant true
      %reduce_sum3A_68 = vector.broadcast %reduce_sum3A : i1 to vector<16xi1>
      %reduce_sum3A_69 = tpu.scan <sum>, %select_n3A masked %reduce_sum3A_68 : vector<16xi32>, vector<16xi1> -> vector<16xi32>
      %reduce_sum3A_70 = vector.extract %reduce_sum3A_69[15] : i32 from vector<16xi32>
      %reduce_sum3A_71 = arith.constant true
      %reduce_sum3A_72 = vector.broadcast %reduce_sum3A_71 : i1 to vector<16xi1>
      %reduce_sum3A_73 = tpu.scan <sum>, %gather3A masked %reduce_sum3A_72 : vector<16xi32>, vector<16xi1> -> vector<16xi32>
      %reduce_sum3A_74 = vector.extract %reduce_sum3A_73[15] : i32 from vector<16xi32>
      %mul3A_75 = arith.constant 1024 : i32
      %mul3A_76 = vector.broadcast %mul3A_75 : i32 to vector<16xi32>
      %mul3A_77 = arith.muli %iota3A, %mul3A_76 : vector<16xi32>
      %add3A_78 = vector.broadcast %scan3A_55 : i32 to vector<16xi32>
      %add3A_79 = arith.addi %mul3A_77, %add3A_78 : vector<16xi32>
      %gather3A_80 = tpu.vector_load_idx %arg10[%add3A_79] : memref<16384xi32, #tpu.memory_space<vmem>>[vector<16xi32>], vector<16xi32>,
      %broadcast_in_dim3A_81 = arith.constant true
      %broadcast_in_dim3A_82 = vector.broadcast %broadcast_in_dim3A_81 : i1 to vector<16xi1>
      %masked_cumsum3A_83 = tpu.scan <sum>, %gather3A_80 masked %broadcast_in_dim3A_82 : vector<16xi32>, vector<16xi1> -> vector<16xi32>
      %sub3A_84 = arith.subi %masked_cumsum3A_83, %gather3A_80 : vector<16xi32>
      %add3A_85 = arith.addi %scan3A_56, %reduce_sum3A_70 : i32
      %add3A_86 = vector.broadcast %add3A_85 : i32 to vector<16xi32>
      %add3A_87 = arith.addi %sub3A_84, %add3A_86 : vector<16xi32>
      %mul3A_88 = arith.constant 16 : i32
      %mul3A_89 = arith.muli %scan3A_55, %mul3A_88 : i32
      %swap3A = arith.index_cast %mul3A_89 : i32 to index
      %swap3A_90 = tpu.vector_load %arg11[%swap3A] {strides = array<i32>} : memref<16384xi32, #tpu.memory_space<vmem>>, vector<16xi32>,
      tpu.vector_store %arg11[%swap3A], %add3A_87 {strides = array<i32>} : memref<16384xi32, #tpu.memory_space<vmem>>, vector<16xi32>,
      %add3A_91 = arith.addi %scan3A_56, %reduce_sum3A_74 : i32
      scf.yield %add3A_91 : i32
    }
    %scan3A_32 = arith.constant 1024 : i32
    %scan3A_33 = arith.constant 0 : i32
    %scan3A_34 = arith.constant 0 : i32
    %scan3A_35 = arith.constant 1256 : i32
    %scan3A_36 = arith.addi %scan3A_34, %scan3A_35 : i32
    %scan3A_37 = arith.constant 1 : i32
    %scan3A_38 = scf.for %scan3A_55 = %scan3A_34 to %scan3A_36 step %scan3A_37 iter_args(%scan3A_56 = %scan3A_33) -> (i32)  : i32 {
      %mul3A_57 = arith.constant 1256 : i32
      %mul3A_58 = vector.broadcast %mul3A_57 : i32 to vector<16xi32>
      %mul3A_59 = arith.muli %iota3A, %mul3A_58 : vector<16xi32>
      %add3A = vector.broadcast %scan3A_55 : i32 to vector<16xi32>
      %add3A_60 = arith.addi %mul3A_59, %add3A : vector<16xi32>
      %gather3A = tpu.vector_load_idx %arg7[%add3A_60] : memref<20096xi32, #tpu.memory_space<vmem>>[vector<16xi32>], vector<16xi32>,
      %shift_right_logical3A = arith.constant 10 : i32
      %shift_right_logical3A_61 = vector.broadcast %shift_right_logical3A : i32 to vector<16xi32>
      %shift_right_logical3A_62 = arith.shrui %gather3A, %shift_right_logical3A_61 : vector<16xi32>
      %and3A = arith.constant 1023 : i32
      %and3A_63 = vector.broadcast %and3A : i32 to vector<16xi32>
      %and3A_64 = arith.andi %shift_right_logical3A_62, %and3A_63 : vector<16xi32>
      %mul3A_65 = arith.constant 16 : i32
      %mul3A_66 = vector.broadcast %mul3A_65 : i32 to vector<16xi32>
      %mul3A_67 = arith.muli %and3A_64, %mul3A_66 : vector<16xi32>
      %add3A_68 = arith.addi %mul3A_67, %iota3A : vector<16xi32>
      %gather3A_69 = tpu.vector_load_idx %arg11[%add3A_68] : memref<16384xi32, #tpu.memory_space<vmem>>[vector<16xi32>], vector<16xi32>,
      %add3A_70 = arith.constant 1 : i32
      %add3A_71 = vector.broadcast %add3A_70 : i32 to vector<16xi32>
      %add3A_72 = arith.addi %gather3A_69, %add3A_71 : vector<16xi32>
      tpu.vector_store_idx %arg11[%add3A_68], %add3A_72 : memref<16384xi32, #tpu.memory_space<vmem>>[vector<16xi32>], vector<16xi32>,
      %shift_right_logical3A_73 = arith.constant 7 : i32
      %shift_right_logical3A_74 = vector.broadcast %shift_right_logical3A_73 : i32 to vector<16xi32>
      %shift_right_logical3A_75 = arith.shrui %add3A_60, %shift_right_logical3A_74 : vector<16xi32>
      %and3A_76 = arith.constant 127 : i32
      %and3A_77 = vector.broadcast %and3A_76 : i32 to vector<16xi32>
      %and3A_78 = arith.andi %add3A_60, %and3A_77 : vector<16xi32>
      tpu.vector_store_idx %arg9[%shift_right_logical3A_75, %and3A_78], %gather3A_69 : memref<160x128xi32, #tpu.memory_space<vmem>>[vector<16xi32>, vector<16xi32>], vector<16xi32>,
      %scan3A_79 = arith.constant 0 : i32
      scf.yield %scan3A_79 : i32
    }
    %scan3A_39 = arith.constant 1256 : i32
    %scan3A_40 = arith.constant 0 : i32
    %scan3A_41 = arith.constant 0 : i32
    %scan3A_42 = arith.constant 157 : i32
    %scan3A_43 = arith.addi %scan3A_41, %scan3A_42 : i32
    %scan3A_44 = arith.constant 1 : i32
    %scan3A_45 = scf.for %scan3A_55 = %scan3A_41 to %scan3A_43 step %scan3A_44 iter_args(%scan3A_56 = %scan3A_40) -> (i32)  : i32 {
      %mul3A_57 = arith.constant 128 : i32
      %mul3A_58 = arith.muli %scan3A_55, %mul3A_57 : i32
      %dma_start3A = tpu.memref_slice %arg7[%mul3A_58] : memref<20096xi32, #tpu.memory_space<vmem>> -> memref<128xi32, #tpu.memory_space<vmem>>
      %dma_start3A_59 = arith.constant 0 : i32
      %dma_start3A_60 = tpu.memref_slice %arg9[%scan3A_55, %dma_start3A_59] : memref<160x128xi32, #tpu.memory_space<vmem>> -> memref<1x128xi32, #tpu.memory_space<vmem>>
      %dma_start3A_61 = tpu.memref_squeeze %dma_start3A_60 : memref<1x128xi32, #tpu.memory_space<vmem>> -> memref<128xi32, #tpu.memory_space<vmem>>
      %dma_start3A_62 = arith.constant 0 : i32
      %dma_start3A_63 = tpu.memref_slice %arg4[%dma_start3A_62] : memref<321536xi32, #tpu.memory_space<hbm>> -> memref<321536xi32, #tpu.memory_space<hbm>>
      tpu.enqueue_indirect_dma source(%dma_start3A : memref<128xi32, #tpu.memory_space<vmem>>) target(%dma_start3A_63 : memref<321536xi32, #tpu.memory_space<hbm>>) offsets(%dma_start3A_61 : memref<128xi32, #tpu.memory_space<vmem>>) semaphore(%arg13 : memref<!tpu.dma_semaphore, #tpu.memory_space<semaphore_mem>>)
      %mul3A_64 = arith.constant 128 : i32
      %mul3A_65 = arith.muli %scan3A_55, %mul3A_64 : i32
      %dma_start3A_66 = tpu.memref_slice %arg8[%mul3A_65] : memref<20096xi32, #tpu.memory_space<vmem>> -> memref<128xi32, #tpu.memory_space<vmem>>
      %dma_start3A_67 = arith.constant 0 : i32
      %dma_start3A_68 = tpu.memref_slice %arg9[%scan3A_55, %dma_start3A_67] : memref<160x128xi32, #tpu.memory_space<vmem>> -> memref<1x128xi32, #tpu.memory_space<vmem>>
      %dma_start3A_69 = tpu.memref_squeeze %dma_start3A_68 : memref<1x128xi32, #tpu.memory_space<vmem>> -> memref<128xi32, #tpu.memory_space<vmem>>
      %dma_start3A_70 = arith.constant 0 : i32
      %dma_start3A_71 = tpu.memref_slice %arg5[%dma_start3A_70] : memref<321536xi32, #tpu.memory_space<hbm>> -> memref<321536xi32, #tpu.memory_space<hbm>>
      tpu.enqueue_indirect_dma source(%dma_start3A_66 : memref<128xi32, #tpu.memory_space<vmem>>) target(%dma_start3A_71 : memref<321536xi32, #tpu.memory_space<hbm>>) offsets(%dma_start3A_69 : memref<128xi32, #tpu.memory_space<vmem>>) semaphore(%arg13 : memref<!tpu.dma_semaphore, #tpu.memory_space<semaphore_mem>>)
      %scan3A_72 = arith.constant 0 : i32
      scf.yield %scan3A_72 : i32
    }
    %scan3A_46 = arith.constant 157 : i32
    %scan3A_47 = arith.constant 0 : i32
    %scan3A_48 = arith.constant 0 : i32
    %scan3A_49 = arith.constant 157 : i32
    %scan3A_50 = arith.addi %scan3A_48, %scan3A_49 : i32
    %scan3A_51 = arith.constant 1 : i32
    %scan3A_52 = scf.for %scan3A_55 = %scan3A_48 to %scan3A_50 step %scan3A_51 iter_args(%scan3A_56 = %scan3A_47) -> (i32)  : i32 {
      %mul3A_57 = arith.constant 128 : i32
      %mul3A_58 = arith.muli %scan3A_55, %mul3A_57 : i32
      %dma_wait3A = tpu.memref_slice %arg7[%mul3A_58] : memref<20096xi32, #tpu.memory_space<vmem>> -> memref<128xi32, #tpu.memory_space<vmem>>
      %dma_wait3A_59 = arith.constant 0 : i32
      %dma_wait3A_60 = tpu.memref_slice %arg9[%scan3A_55, %dma_wait3A_59] : memref<160x128xi32, #tpu.memory_space<vmem>> -> memref<1x128xi32, #tpu.memory_space<vmem>>
      %dma_wait3A_61 = tpu.memref_squeeze %dma_wait3A_60 : memref<1x128xi32, #tpu.memory_space<vmem>> -> memref<128xi32, #tpu.memory_space<vmem>>
      %dma_wait3A_62 = arith.constant 0 : i32
      %dma_wait3A_63 = tpu.memref_slice %arg4[%dma_wait3A_62] : memref<321536xi32, #tpu.memory_space<hbm>> -> memref<321536xi32, #tpu.memory_space<hbm>>
      tpu.wait_indirect_dma semaphore(%arg13 : memref<!tpu.dma_semaphore, #tpu.memory_space<semaphore_mem>>) src(%dma_wait3A : memref<128xi32, #tpu.memory_space<vmem>>) dst(%dma_wait3A_63 : memref<321536xi32, #tpu.memory_space<hbm>>)
      %mul3A_64 = arith.constant 128 : i32
      %mul3A_65 = arith.muli %scan3A_55, %mul3A_64 : i32
      %dma_wait3A_66 = tpu.memref_slice %arg8[%mul3A_65] : memref<20096xi32, #tpu.memory_space<vmem>> -> memref<128xi32, #tpu.memory_space<vmem>>
      %dma_wait3A_67 = arith.constant 0 : i32
      %dma_wait3A_68 = tpu.memref_slice %arg9[%scan3A_55, %dma_wait3A_67] : memref<160x128xi32, #tpu.memory_space<vmem>> -> memref<1x128xi32, #tpu.memory_space<vmem>>
      %dma_wait3A_69 = tpu.memref_squeeze %dma_wait3A_68 : memref<1x128xi32, #tpu.memory_space<vmem>> -> memref<128xi32, #tpu.memory_space<vmem>>
      %dma_wait3A_70 = arith.constant 0 : i32
      %dma_wait3A_71 = tpu.memref_slice %arg5[%dma_wait3A_70] : memref<321536xi32, #tpu.memory_space<hbm>> -> memref<321536xi32, #tpu.memory_space<hbm>>
      tpu.wait_indirect_dma semaphore(%arg13 : memref<!tpu.dma_semaphore, #tpu.memory_space<semaphore_mem>>) src(%dma_wait3A_66 : memref<128xi32, #tpu.memory_space<vmem>>) dst(%dma_wait3A_71 : memref<321536xi32, #tpu.memory_space<hbm>>)
      %scan3A_72 = arith.constant 0 : i32
      scf.yield %scan3A_72 : i32
    }
    %scan3A_53 = arith.constant 157 : i32
    %barrier3A_54 = arith.constant 0 : index
    tpu.barrier barrier_id(%barrier3A_54)
    return
  }
}

#map = affine_map<(d0, d1) -> (0)>
module attributes {stable_mosaic.version = 14 : i64} {
  func.func @body(%arg0: i32, %arg1: i32, %arg2: memref<321536xi32, #tpu.memory_space<hbm>>, %arg3: memref<321536xi32, #tpu.memory_space<hbm>>, %arg4: memref<321536xi32, #tpu.memory_space<hbm>>, %arg5: memref<321536xi32, #tpu.memory_space<hbm>>, %arg6: memref<128x128xi32, #tpu.memory_space<vmem_shared>>, %arg7: memref<20096xi32, #tpu.memory_space<vmem>>, %arg8: memref<20096xi32, #tpu.memory_space<vmem>>, %arg9: memref<160x128xi32, #tpu.memory_space<vmem>>, %arg10: memref<16384xi32, #tpu.memory_space<vmem>>, %arg11: memref<16384xi32, #tpu.memory_space<vmem>>, %arg12: memref<8x128xi32, #tpu.memory_space<vmem>>, %arg13: memref<!tpu.dma_semaphore, #tpu.memory_space<semaphore_mem>>) attributes {dimension_semantics = [#tpu.dimension_semantics<core_parallel>, #tpu.dimension_semantics<subcore_parallel>], iteration_bounds = array<i64: 1, 16>, scalar_prefetch = 0 : i64, scratch_operands = 8 : i64, tpu.core_type = #tpu.core_type<sc_vector_subcore>, window_params = [{transform_indices = #map}, {transform_indices = #map}, {transform_indices = #map}, {transform_indices = #map}]} {
    %iota3A = tpu.iota {dimensions = array<i32: 0>} : vector<16xi32>
    %broadcast_in_dim3A = arith.constant 0 : i32
    %broadcast_in_dim3A_0 = vector.broadcast %broadcast_in_dim3A : i32 to vector<16xi32>
    %broadcast_in_dim3A_1 = arith.constant 1 : i32
    %broadcast_in_dim3A_2 = vector.broadcast %broadcast_in_dim3A_1 : i32 to vector<16xi32>
    %mul3A = arith.constant 20096 : i32
    %mul3A_3 = arith.muli %arg1, %mul3A : i32
    "tpu.region"() ({
      %run_scoped3A = tpu.sem_alloc : memref<!tpu.dma_semaphore, #tpu.memory_space<semaphore_mem>>
      %dma_start3A = tpu.memref_slice %arg2[%mul3A_3] : memref<321536xi32, #tpu.memory_space<hbm>> -> memref<20096xi32, #tpu.memory_space<hbm>>
      %dma_start3A_55 = tpu.memref_slice %arg2[%mul3A_3] : memref<321536xi32, #tpu.memory_space<hbm>> -> memref<20096xi32, #tpu.memory_space<hbm>>
      tpu.enqueue_dma source(%dma_start3A_55 : memref<20096xi32, #tpu.memory_space<hbm>>) target(%arg7 : memref<20096xi32, #tpu.memory_space<vmem>>) target_semaphore(%run_scoped3A : memref<!tpu.dma_semaphore, #tpu.memory_space<semaphore_mem>>)
      %dma_wait3A = tpu.memref_slice %arg2[%mul3A_3] : memref<321536xi32, #tpu.memory_space<hbm>> -> memref<20096xi32, #tpu.memory_space<hbm>>
      %dma_wait3A_56 = tpu.memref_slice %arg2[%mul3A_3] : memref<321536xi32, #tpu.memory_space<hbm>> -> memref<20096xi32, #tpu.memory_space<hbm>>
      tpu.wait_dma2 semaphore(%run_scoped3A : memref<!tpu.dma_semaphore, #tpu.memory_space<semaphore_mem>>) src(%dma_wait3A_56 : memref<20096xi32, #tpu.memory_space<hbm>>) dst(%arg7 : memref<20096xi32, #tpu.memory_space<vmem>>)
      tpu.yield
    }) : () -> ()
    %scan3A = arith.constant 0 : i32
    %scan3A_4 = arith.constant 0 : i32
    %scan3A_5 = arith.constant 1024 : i32
    %scan3A_6 = arith.addi %scan3A_4, %scan3A_5 : i32
    %scan3A_7 = arith.constant 1 : i32
    %scan3A_8 = scf.for %scan3A_55 = %scan3A_4 to %scan3A_6 step %scan3A_7 iter_args(%scan3A_56 = %scan3A) -> (i32)  : i32 {
      %mul3A_57 = arith.constant 16 : i32
      %mul3A_58 = arith.muli %scan3A_55, %mul3A_57 : i32
      %swap3A = arith.index_cast %mul3A_58 : i32 to index
      %swap3A_59 = tpu.vector_load %arg10[%swap3A] {strides = array<i32>} : memref<16384xi32, #tpu.memory_space<vmem>>, vector<16xi32>,
      tpu.vector_store %arg10[%swap3A], %broadcast_in_dim3A_0 {strides = array<i32>} : memref<16384xi32, #tpu.memory_space<vmem>>, vector<16xi32>,
      %scan3A_60 = arith.constant 0 : i32
      scf.yield %scan3A_60 : i32
    }
    %scan3A_9 = arith.constant 1024 : i32
    %scan3A_10 = arith.constant 0 : i32
    %scan3A_11 = arith.constant 0 : i32
    %scan3A_12 = arith.constant 1256 : i32
    %scan3A_13 = arith.addi %scan3A_11, %scan3A_12 : i32
    %scan3A_14 = arith.constant 1 : i32
    %scan3A_15 = scf.for %scan3A_55 = %scan3A_11 to %scan3A_13 step %scan3A_14 iter_args(%scan3A_56 = %scan3A_10) -> (i32)  : i32 {
      %mul3A_57 = arith.constant 1256 : i32
      %mul3A_58 = vector.broadcast %mul3A_57 : i32 to vector<16xi32>
      %mul3A_59 = arith.muli %iota3A, %mul3A_58 : vector<16xi32>
      %add3A = vector.broadcast %scan3A_55 : i32 to vector<16xi32>
      %add3A_60 = arith.addi %mul3A_59, %add3A : vector<16xi32>
      %gather3A = tpu.vector_load_idx %arg7[%add3A_60] : memref<20096xi32, #tpu.memory_space<vmem>>[vector<16xi32>], vector<16xi32>,
      %shift_right_logical3A = arith.constant 0 : i32
      %shift_right_logical3A_61 = vector.broadcast %shift_right_logical3A : i32 to vector<16xi32>
      %shift_right_logical3A_62 = arith.shrui %gather3A, %shift_right_logical3A_61 : vector<16xi32>
      %and3A = arith.constant 1023 : i32
      %and3A_63 = vector.broadcast %and3A : i32 to vector<16xi32>
      %and3A_64 = arith.andi %shift_right_logical3A_62, %and3A_63 : vector<16xi32>
      %mul3A_65 = arith.constant 1024 : i32
      %mul3A_66 = vector.broadcast %mul3A_65 : i32 to vector<16xi32>
      %mul3A_67 = arith.muli %iota3A, %mul3A_66 : vector<16xi32>
      %add3A_68 = arith.addi %mul3A_67, %and3A_64 : vector<16xi32>
      tpu.vector_store_idx %arg10[%add3A_68], %broadcast_in_dim3A_2 {add = true} : memref<16384xi32, #tpu.memory_space<vmem>>[vector<16xi32>], vector<16xi32>,
      %scan3A_69 = arith.constant 0 : i32
      scf.yield %scan3A_69 : i32
    }
    %scan3A_16 = arith.constant 1256 : i32
    %scan3A_17 = arith.constant 0 : i32
    %scan3A_18 = arith.constant 0 : i32
    %scan3A_19 = arith.constant 64 : i32
    %scan3A_20 = arith.addi %scan3A_18, %scan3A_19 : i32
    %scan3A_21 = arith.constant 1 : i32
    %scan3A_22 = scf.for %scan3A_55 = %scan3A_18 to %scan3A_20 step %scan3A_21 iter_args(%scan3A_56 = %scan3A_17) -> (i32)  : i32 {
      %mul3A_57 = arith.constant 16 : i32
      %mul3A_58 = arith.muli %scan3A_55, %mul3A_57 : i32
      %add3A = arith.constant 0 : i32
      %add3A_59 = arith.addi %add3A, %mul3A_58 : i32
      %get3A = arith.index_cast %add3A_59 : i32 to index
      %get3A_60 = tpu.vector_load %arg10[%get3A] {strides = array<i32>} : memref<16384xi32, #tpu.memory_space<vmem>>, vector<16xi32>,
      %add3A_61 = arith.addi %broadcast_in_dim3A_0, %get3A_60 : vector<16xi32>
      %mul3A_62 = arith.constant 16 : i32
      %mul3A_63 = arith.muli %scan3A_55, %mul3A_62 : i32
      %add3A_64 = arith.constant 1024 : i32
      %add3A_65 = arith.addi %add3A_64, %mul3A_63 : i32
      %get3A_66 = arith.index_cast %add3A_65 : i32 to index
      %get3A_67 = tpu.vector_load %arg10[%get3A_66] {strides = array<i32>} : memref<16384xi32, #tpu.memory_space<vmem>>, vector<16xi32>,
      %add3A_68 = arith.addi %add3A_61, %get3A_67 : vector<16xi32>
      %mul3A_69 = arith.constant 16 : i32
      %mul3A_70 = arith.muli %scan3A_55, %mul3A_69 : i32
      %add3A_71 = arith.constant 2048 : i32
      %add3A_72 = arith.addi %add3A_71, %mul3A_70 : i32
      %get3A_73 = arith.index_cast %add3A_72 : i32 to index
      %get3A_74 = tpu.vector_load %arg10[%get3A_73] {strides = array<i32>} : memref<16384xi32, #tpu.memory_space<vmem>>, vector<16xi32>,
      %add3A_75 = arith.addi %add3A_68, %get3A_74 : vector<16xi32>
      %mul3A_76 = arith.constant 16 : i32
      %mul3A_77 = arith.muli %scan3A_55, %mul3A_76 : i32
      %add3A_78 = arith.constant 3072 : i32
      %add3A_79 = arith.addi %add3A_78, %mul3A_77 : i32
      %get3A_80 = arith.index_cast %add3A_79 : i32 to index
      %get3A_81 = tpu.vector_load %arg10[%get3A_80] {strides = array<i32>} : memref<16384xi32, #tpu.memory_space<vmem>>, vector<16xi32>,
      %add3A_82 = arith.addi %add3A_75, %get3A_81 : vector<16xi32>
      %mul3A_83 = arith.constant 16 : i32
      %mul3A_84 = arith.muli %scan3A_55, %mul3A_83 : i32
      %add3A_85 = arith.constant 4096 : i32
      %add3A_86 = arith.addi %add3A_85, %mul3A_84 : i32
      %get3A_87 = arith.index_cast %add3A_86 : i32 to index
      %get3A_88 = tpu.vector_load %arg10[%get3A_87] {strides = array<i32>} : memref<16384xi32, #tpu.memory_space<vmem>>, vector<16xi32>,
      %add3A_89 = arith.addi %add3A_82, %get3A_88 : vector<16xi32>
      %mul3A_90 = arith.constant 16 : i32
      %mul3A_91 = arith.muli %scan3A_55, %mul3A_90 : i32
      %add3A_92 = arith.constant 5120 : i32
      %add3A_93 = arith.addi %add3A_92, %mul3A_91 : i32
      %get3A_94 = arith.index_cast %add3A_93 : i32 to index
      %get3A_95 = tpu.vector_load %arg10[%get3A_94] {strides = array<i32>} : memref<16384xi32, #tpu.memory_space<vmem>>, vector<16xi32>,
      %add3A_96 = arith.addi %add3A_89, %get3A_95 : vector<16xi32>
      %mul3A_97 = arith.constant 16 : i32
      %mul3A_98 = arith.muli %scan3A_55, %mul3A_97 : i32
      %add3A_99 = arith.constant 6144 : i32
      %add3A_100 = arith.addi %add3A_99, %mul3A_98 : i32
      %get3A_101 = arith.index_cast %add3A_100 : i32 to index
      %get3A_102 = tpu.vector_load %arg10[%get3A_101] {strides = array<i32>} : memref<16384xi32, #tpu.memory_space<vmem>>, vector<16xi32>,
      %add3A_103 = arith.addi %add3A_96, %get3A_102 : vector<16xi32>
      %mul3A_104 = arith.constant 16 : i32
      %mul3A_105 = arith.muli %scan3A_55, %mul3A_104 : i32
      %add3A_106 = arith.constant 7168 : i32
      %add3A_107 = arith.addi %add3A_106, %mul3A_105 : i32
      %get3A_108 = arith.index_cast %add3A_107 : i32 to index
      %get3A_109 = tpu.vector_load %arg10[%get3A_108] {strides = array<i32>} : memref<16384xi32, #tpu.memory_space<vmem>>, vector<16xi32>,
      %add3A_110 = arith.addi %add3A_103, %get3A_109 : vector<16xi32>
      %mul3A_111 = arith.constant 16 : i32
      %mul3A_112 = arith.muli %scan3A_55, %mul3A_111 : i32
      %add3A_113 = arith.constant 8192 : i32
      %add3A_114 = arith.addi %add3A_113, %mul3A_112 : i32
      %get3A_115 = arith.index_cast %add3A_114 : i32 to index
      %get3A_116 = tpu.vector_load %arg10[%get3A_115] {strides = array<i32>} : memref<16384xi32, #tpu.memory_space<vmem>>, vector<16xi32>,
      %add3A_117 = arith.addi %add3A_110, %get3A_116 : vector<16xi32>
      %mul3A_118 = arith.constant 16 : i32
      %mul3A_119 = arith.muli %scan3A_55, %mul3A_118 : i32
      %add3A_120 = arith.constant 9216 : i32
      %add3A_121 = arith.addi %add3A_120, %mul3A_119 : i32
      %get3A_122 = arith.index_cast %add3A_121 : i32 to index
      %get3A_123 = tpu.vector_load %arg10[%get3A_122] {strides = array<i32>} : memref<16384xi32, #tpu.memory_space<vmem>>, vector<16xi32>,
      %add3A_124 = arith.addi %add3A_117, %get3A_123 : vector<16xi32>
      %mul3A_125 = arith.constant 16 : i32
      %mul3A_126 = arith.muli %scan3A_55, %mul3A_125 : i32
      %add3A_127 = arith.constant 10240 : i32
      %add3A_128 = arith.addi %add3A_127, %mul3A_126 : i32
      %get3A_129 = arith.index_cast %add3A_128 : i32 to index
      %get3A_130 = tpu.vector_load %arg10[%get3A_129] {strides = array<i32>} : memref<16384xi32, #tpu.memory_space<vmem>>, vector<16xi32>,
      %add3A_131 = arith.addi %add3A_124, %get3A_130 : vector<16xi32>
      %mul3A_132 = arith.constant 16 : i32
      %mul3A_133 = arith.muli %scan3A_55, %mul3A_132 : i32
      %add3A_134 = arith.constant 11264 : i32
      %add3A_135 = arith.addi %add3A_134, %mul3A_133 : i32
      %get3A_136 = arith.index_cast %add3A_135 : i32 to index
      %get3A_137 = tpu.vector_load %arg10[%get3A_136] {strides = array<i32>} : memref<16384xi32, #tpu.memory_space<vmem>>, vector<16xi32>,
      %add3A_138 = arith.addi %add3A_131, %get3A_137 : vector<16xi32>
      %mul3A_139 = arith.constant 16 : i32
      %mul3A_140 = arith.muli %scan3A_55, %mul3A_139 : i32
      %add3A_141 = arith.constant 12288 : i32
      %add3A_142 = arith.addi %add3A_141, %mul3A_140 : i32
      %get3A_143 = arith.index_cast %add3A_142 : i32 to index
      %get3A_144 = tpu.vector_load %arg10[%get3A_143] {strides = array<i32>} : memref<16384xi32, #tpu.memory_space<vmem>>, vector<16xi32>,
      %add3A_145 = arith.addi %add3A_138, %get3A_144 : vector<16xi32>
      %mul3A_146 = arith.constant 16 : i32
      %mul3A_147 = arith.muli %scan3A_55, %mul3A_146 : i32
      %add3A_148 = arith.constant 13312 : i32
      %add3A_149 = arith.addi %add3A_148, %mul3A_147 : i32
      %get3A_150 = arith.index_cast %add3A_149 : i32 to index
      %get3A_151 = tpu.vector_load %arg10[%get3A_150] {strides = array<i32>} : memref<16384xi32, #tpu.memory_space<vmem>>, vector<16xi32>,
      %add3A_152 = arith.addi %add3A_145, %get3A_151 : vector<16xi32>
      %mul3A_153 = arith.constant 16 : i32
      %mul3A_154 = arith.muli %scan3A_55, %mul3A_153 : i32
      %add3A_155 = arith.constant 14336 : i32
      %add3A_156 = arith.addi %add3A_155, %mul3A_154 : i32
      %get3A_157 = arith.index_cast %add3A_156 : i32 to index
      %get3A_158 = tpu.vector_load %arg10[%get3A_157] {strides = array<i32>} : memref<16384xi32, #tpu.memory_space<vmem>>, vector<16xi32>,
      %add3A_159 = arith.addi %add3A_152, %get3A_158 : vector<16xi32>
      %mul3A_160 = arith.constant 16 : i32
      %mul3A_161 = arith.muli %scan3A_55, %mul3A_160 : i32
      %add3A_162 = arith.constant 15360 : i32
      %add3A_163 = arith.addi %add3A_162, %mul3A_161 : i32
      %get3A_164 = arith.index_cast %add3A_163 : i32 to index
      %get3A_165 = tpu.vector_load %arg10[%get3A_164] {strides = array<i32>} : memref<16384xi32, #tpu.memory_space<vmem>>, vector<16xi32>,
      %add3A_166 = arith.addi %add3A_159, %get3A_165 : vector<16xi32>
      %mul3A_167 = arith.constant 16 : i32
      %mul3A_168 = arith.muli %scan3A_55, %mul3A_167 : i32
      %add3A_169 = vector.broadcast %mul3A_168 : i32 to vector<16xi32>
      %add3A_170 = arith.addi %add3A_169, %iota3A : vector<16xi32>
      %shift_right_logical3A = arith.constant 7 : i32
      %shift_right_logical3A_171 = vector.broadcast %shift_right_logical3A : i32 to vector<16xi32>
      %shift_right_logical3A_172 = arith.shrui %add3A_170, %shift_right_logical3A_171 : vector<16xi32>
      %and3A = arith.constant 127 : i32
      %and3A_173 = vector.broadcast %and3A : i32 to vector<16xi32>
      %and3A_174 = arith.andi %add3A_170, %and3A_173 : vector<16xi32>
      tpu.vector_store_idx %arg12[%shift_right_logical3A_172, %and3A_174], %add3A_166 : memref<8x128xi32, #tpu.memory_space<vmem>>[vector<16xi32>, vector<16xi32>], vector<16xi32>,
      %scan3A_175 = arith.constant 0 : i32
      scf.yield %scan3A_175 : i32
    }
    %scan3A_23 = arith.constant 64 : i32
    %mul3A_24 = arith.constant 8 : i32
    %mul3A_25 = arith.muli %arg1, %mul3A_24 : i32
    "tpu.region"() ({
      %run_scoped3A = tpu.sem_alloc : memref<!tpu.dma_semaphore, #tpu.memory_space<semaphore_mem>>
      %dma_start3A = arith.constant 0 : i32
      %dma_start3A_55 = tpu.memref_slice %arg6[%mul3A_25, %dma_start3A] : memref<128x128xi32, #tpu.memory_space<vmem_shared>> -> memref<8x128xi32, #tpu.memory_space<vmem_shared>>
      %dma_start3A_56 = arith.constant 0 : i32
      %dma_start3A_57 = tpu.memref_slice %arg6[%mul3A_25, %dma_start3A_56] : memref<128x128xi32, #tpu.memory_space<vmem_shared>> -> memref<8x128xi32, #tpu.memory_space<vmem_shared>>
      tpu.enqueue_dma source(%arg12 : memref<8x128xi32, #tpu.memory_space<vmem>>) target(%dma_start3A_57 : memref<8x128xi32, #tpu.memory_space<vmem_shared>>) target_semaphore(%run_scoped3A : memref<!tpu.dma_semaphore, #tpu.memory_space<semaphore_mem>>)
      %dma_wait3A = arith.constant 0 : i32
      %dma_wait3A_58 = tpu.memref_slice %arg6[%mul3A_25, %dma_wait3A] : memref<128x128xi32, #tpu.memory_space<vmem_shared>> -> memref<8x128xi32, #tpu.memory_space<vmem_shared>>
      %dma_wait3A_59 = arith.constant 0 : i32
      %dma_wait3A_60 = tpu.memref_slice %arg6[%mul3A_25, %dma_wait3A_59] : memref<128x128xi32, #tpu.memory_space<vmem_shared>> -> memref<8x128xi32, #tpu.memory_space<vmem_shared>>
      tpu.wait_dma2 semaphore(%run_scoped3A : memref<!tpu.dma_semaphore, #tpu.memory_space<semaphore_mem>>) src(%arg12 : memref<8x128xi32, #tpu.memory_space<vmem>>) dst(%dma_wait3A_60 : memref<8x128xi32, #tpu.memory_space<vmem_shared>>)
      tpu.yield
    }) : () -> ()
    %barrier3A = arith.constant 0 : index
    tpu.barrier barrier_id(%barrier3A)
    "tpu.region"() ({
      %run_scoped3A = tpu.sem_alloc : memref<!tpu.dma_semaphore, #tpu.memory_space<semaphore_mem>>
      %dma_start3A = arith.constant 0 : i32
      %dma_start3A_55 = arith.constant 0 : i32
      %dma_start3A_56 = tpu.memref_slice %arg9[%dma_start3A, %dma_start3A_55] : memref<160x128xi32, #tpu.memory_space<vmem>> -> memref<128x128xi32, #tpu.memory_space<vmem>>
      %dma_start3A_57 = arith.constant 0 : i32
      %dma_start3A_58 = arith.constant 0 : i32
      %dma_start3A_59 = tpu.memref_slice %arg9[%dma_start3A_57, %dma_start3A_58] : memref<160x128xi32, #tpu.memory_space<vmem>> -> memref<128x128xi32, #tpu.memory_space<vmem>>
      tpu.enqueue_dma source(%arg6 : memref<128x128xi32, #tpu.memory_space<vmem_shared>>) target(%dma_start3A_59 : memref<128x128xi32, #tpu.memory_space<vmem>>) target_semaphore(%run_scoped3A : memref<!tpu.dma_semaphore, #tpu.memory_space<semaphore_mem>>)
      %dma_wait3A = arith.constant 0 : i32
      %dma_wait3A_60 = arith.constant 0 : i32
      %dma_wait3A_61 = tpu.memref_slice %arg9[%dma_wait3A, %dma_wait3A_60] : memref<160x128xi32, #tpu.memory_space<vmem>> -> memref<128x128xi32, #tpu.memory_space<vmem>>
      %dma_wait3A_62 = arith.constant 0 : i32
      %dma_wait3A_63 = arith.constant 0 : i32
      %dma_wait3A_64 = tpu.memref_slice %arg9[%dma_wait3A_62, %dma_wait3A_63] : memref<160x128xi32, #tpu.memory_space<vmem>> -> memref<128x128xi32, #tpu.memory_space<vmem>>
      tpu.wait_dma2 semaphore(%run_scoped3A : memref<!tpu.dma_semaphore, #tpu.memory_space<semaphore_mem>>) src(%arg6 : memref<128x128xi32, #tpu.memory_space<vmem_shared>>) dst(%dma_wait3A_64 : memref<128x128xi32, #tpu.memory_space<vmem>>)
      tpu.yield
    }) : () -> ()
    %scan3A_26 = arith.constant 0 : i32
    %scan3A_27 = arith.constant 0 : i32
    %scan3A_28 = arith.constant 1024 : i32
    %scan3A_29 = arith.addi %scan3A_27, %scan3A_28 : i32
    %scan3A_30 = arith.constant 1 : i32
    %scan3A_31 = scf.for %scan3A_55 = %scan3A_27 to %scan3A_29 step %scan3A_30 iter_args(%scan3A_56 = %scan3A_26) -> (i32)  : i32 {
      %and3A = arith.constant 127 : i32
      %and3A_57 = arith.andi %scan3A_55, %and3A : i32
      %broadcast_in_dim3A_58 = vector.broadcast %and3A_57 : i32 to vector<16xi32>
      %mul3A_59 = arith.constant 8 : i32
      %mul3A_60 = vector.broadcast %mul3A_59 : i32 to vector<16xi32>
      %mul3A_61 = arith.muli %iota3A, %mul3A_60 : vector<16xi32>
      %shift_right_logical3A = arith.constant 7 : i32
      %shift_right_logical3A_62 = arith.shrui %scan3A_55, %shift_right_logical3A : i32
      %add3A = vector.broadcast %shift_right_logical3A_62 : i32 to vector<16xi32>
      %add3A_63 = arith.addi %mul3A_61, %add3A : vector<16xi32>
      %gather3A = tpu.vector_load_idx %arg9[%add3A_63, %broadcast_in_dim3A_58] : memref<160x128xi32, #tpu.memory_space<vmem>>[vector<16xi32>, vector<16xi32>], vector<16xi32>,
      %broadcast_in_dim3A_64 = arith.constant true
      %broadcast_in_dim3A_65 = vector.broadcast %broadcast_in_dim3A_64 : i1 to vector<16xi1>
      %masked_cumsum3A = tpu.scan <sum>, %gather3A masked %broadcast_in_dim3A_65 : vector<16xi32>, vector<16xi1> -> vector<16xi32>
      %sub3A = arith.subi %masked_cumsum3A, %gather3A : vector<16xi32>
      %eq3A = vector.broadcast %arg1 : i32 to vector<16xi32>
      %eq3A_66 = arith.cmpi eq, %iota3A, %eq3A : vector<16xi32>
      %jit3A = arith.constant 0 : i32
      %broadcast_in_dim3A_67 = vector.broadcast %jit3A : i32 to vector<16xi32>
      %select_n3A = arith.select %eq3A_66, %sub3A, %broadcast_in_dim3A_67 : vector<16xi1>, vector<16xi32>
      %reduce_sum3A = arith.constant true
      %reduce_sum3A_68 = vector.broadcast %reduce_sum3A : i1 to vector<16xi1>
      %reduce_sum3A_69 = tpu.scan <sum>, %select_n3A masked %reduce_sum3A_68 : vector<16xi32>, vector<16xi1> -> vector<16xi32>
      %reduce_sum3A_70 = vector.extract %reduce_sum3A_69[15] : i32 from vector<16xi32>
      %reduce_sum3A_71 = arith.constant true
      %reduce_sum3A_72 = vector.broadcast %reduce_sum3A_71 : i1 to vector<16xi1>
      %reduce_sum3A_73 = tpu.scan <sum>, %gather3A masked %reduce_sum3A_72 : vector<16xi32>, vector<16xi1> -> vector<16xi32>
      %reduce_sum3A_74 = vector.extract %reduce_sum3A_73[15] : i32 from vector<16xi32>
      %mul3A_75 = arith.constant 1024 : i32
      %mul3A_76 = vector.broadcast %mul3A_75 : i32 to vector<16xi32>
      %mul3A_77 = arith.muli %iota3A, %mul3A_76 : vector<16xi32>
      %add3A_78 = vector.broadcast %scan3A_55 : i32 to vector<16xi32>
      %add3A_79 = arith.addi %mul3A_77, %add3A_78 : vector<16xi32>
      %gather3A_80 = tpu.vector_load_idx %arg10[%add3A_79] : memref<16384xi32, #tpu.memory_space<vmem>>[vector<16xi32>], vector<16xi32>,
      %broadcast_in_dim3A_81 = arith.constant true
      %broadcast_in_dim3A_82 = vector.broadcast %broadcast_in_dim3A_81 : i1 to vector<16xi1>
      %masked_cumsum3A_83 = tpu.scan <sum>, %gather3A_80 masked %broadcast_in_dim3A_82 : vector<16xi32>, vector<16xi1> -> vector<16xi32>
      %sub3A_84 = arith.subi %masked_cumsum3A_83, %gather3A_80 : vector<16xi32>
      %add3A_85 = arith.addi %scan3A_56, %reduce_sum3A_70 : i32
      %add3A_86 = vector.broadcast %add3A_85 : i32 to vector<16xi32>
      %add3A_87 = arith.addi %sub3A_84, %add3A_86 : vector<16xi32>
      %mul3A_88 = arith.constant 16 : i32
      %mul3A_89 = arith.muli %scan3A_55, %mul3A_88 : i32
      %swap3A = arith.index_cast %mul3A_89 : i32 to index
      %swap3A_90 = tpu.vector_load %arg11[%swap3A] {strides = array<i32>} : memref<16384xi32, #tpu.memory_space<vmem>>, vector<16xi32>,
      tpu.vector_store %arg11[%swap3A], %add3A_87 {strides = array<i32>} : memref<16384xi32, #tpu.memory_space<vmem>>, vector<16xi32>,
      %add3A_91 = arith.addi %scan3A_56, %reduce_sum3A_74 : i32
      scf.yield %add3A_91 : i32
    }
    %scan3A_32 = arith.constant 1024 : i32
    %scan3A_33 = arith.constant 0 : i32
    %scan3A_34 = arith.constant 0 : i32
    %scan3A_35 = arith.constant 1256 : i32
    %scan3A_36 = arith.addi %scan3A_34, %scan3A_35 : i32
    %scan3A_37 = arith.constant 1 : i32
    %scan3A_38 = scf.for %scan3A_55 = %scan3A_34 to %scan3A_36 step %scan3A_37 iter_args(%scan3A_56 = %scan3A_33) -> (i32)  : i32 {
      %mul3A_57 = arith.constant 1256 : i32
      %mul3A_58 = vector.broadcast %mul3A_57 : i32 to vector<16xi32>
      %mul3A_59 = arith.muli %iota3A, %mul3A_58 : vector<16xi32>
      %add3A = vector.broadcast %scan3A_55 : i32 to vector<16xi32>
      %add3A_60 = arith.addi %mul3A_59, %add3A : vector<16xi32>
      %gather3A = tpu.vector_load_idx %arg7[%add3A_60] : memref<20096xi32, #tpu.memory_space<vmem>>[vector<16xi32>], vector<16xi32>,
      %shift_right_logical3A = arith.constant 0 : i32
      %shift_right_logical3A_61 = vector.broadcast %shift_right_logical3A : i32 to vector<16xi32>
      %shift_right_logical3A_62 = arith.shrui %gather3A, %shift_right_logical3A_61 : vector<16xi32>
      %and3A = arith.constant 1023 : i32
      %and3A_63 = vector.broadcast %and3A : i32 to vector<16xi32>
      %and3A_64 = arith.andi %shift_right_logical3A_62, %and3A_63 : vector<16xi32>
      %mul3A_65 = arith.constant 16 : i32
      %mul3A_66 = vector.broadcast %mul3A_65 : i32 to vector<16xi32>
      %mul3A_67 = arith.muli %and3A_64, %mul3A_66 : vector<16xi32>
      %add3A_68 = arith.addi %mul3A_67, %iota3A : vector<16xi32>
      %gather3A_69 = tpu.vector_load_idx %arg11[%add3A_68] : memref<16384xi32, #tpu.memory_space<vmem>>[vector<16xi32>], vector<16xi32>,
      %add3A_70 = arith.constant 1 : i32
      %add3A_71 = vector.broadcast %add3A_70 : i32 to vector<16xi32>
      %add3A_72 = arith.addi %gather3A_69, %add3A_71 : vector<16xi32>
      tpu.vector_store_idx %arg11[%add3A_68], %add3A_72 : memref<16384xi32, #tpu.memory_space<vmem>>[vector<16xi32>], vector<16xi32>,
      %shift_right_logical3A_73 = arith.constant 7 : i32
      %shift_right_logical3A_74 = vector.broadcast %shift_right_logical3A_73 : i32 to vector<16xi32>
      %shift_right_logical3A_75 = arith.shrui %add3A_60, %shift_right_logical3A_74 : vector<16xi32>
      %and3A_76 = arith.constant 127 : i32
      %and3A_77 = vector.broadcast %and3A_76 : i32 to vector<16xi32>
      %and3A_78 = arith.andi %add3A_60, %and3A_77 : vector<16xi32>
      tpu.vector_store_idx %arg9[%shift_right_logical3A_75, %and3A_78], %gather3A_69 : memref<160x128xi32, #tpu.memory_space<vmem>>[vector<16xi32>, vector<16xi32>], vector<16xi32>,
      %add3A_79 = vector.broadcast %mul3A_3 : i32 to vector<16xi32>
      %add3A_80 = arith.addi %add3A_79, %add3A_60 : vector<16xi32>
      tpu.vector_store_idx %arg8[%add3A_60], %add3A_80 : memref<20096xi32, #tpu.memory_space<vmem>>[vector<16xi32>], vector<16xi32>,
      %scan3A_81 = arith.constant 0 : i32
      scf.yield %scan3A_81 : i32
    }
    %scan3A_39 = arith.constant 1256 : i32
    %scan3A_40 = arith.constant 0 : i32
    %scan3A_41 = arith.constant 0 : i32
    %scan3A_42 = arith.constant 157 : i32
    %scan3A_43 = arith.addi %scan3A_41, %scan3A_42 : i32
    %scan3A_44 = arith.constant 1 : i32
    %scan3A_45 = scf.for %scan3A_55 = %scan3A_41 to %scan3A_43 step %scan3A_44 iter_args(%scan3A_56 = %scan3A_40) -> (i32)  : i32 {
      %mul3A_57 = arith.constant 128 : i32
      %mul3A_58 = arith.muli %scan3A_55, %mul3A_57 : i32
      %dma_start3A = tpu.memref_slice %arg7[%mul3A_58] : memref<20096xi32, #tpu.memory_space<vmem>> -> memref<128xi32, #tpu.memory_space<vmem>>
      %dma_start3A_59 = arith.constant 0 : i32
      %dma_start3A_60 = tpu.memref_slice %arg9[%scan3A_55, %dma_start3A_59] : memref<160x128xi32, #tpu.memory_space<vmem>> -> memref<1x128xi32, #tpu.memory_space<vmem>>
      %dma_start3A_61 = tpu.memref_squeeze %dma_start3A_60 : memref<1x128xi32, #tpu.memory_space<vmem>> -> memref<128xi32, #tpu.memory_space<vmem>>
      %dma_start3A_62 = arith.constant 0 : i32
      %dma_start3A_63 = tpu.memref_slice %arg4[%dma_start3A_62] : memref<321536xi32, #tpu.memory_space<hbm>> -> memref<321536xi32, #tpu.memory_space<hbm>>
      tpu.enqueue_indirect_dma source(%dma_start3A : memref<128xi32, #tpu.memory_space<vmem>>) target(%dma_start3A_63 : memref<321536xi32, #tpu.memory_space<hbm>>) offsets(%dma_start3A_61 : memref<128xi32, #tpu.memory_space<vmem>>) semaphore(%arg13 : memref<!tpu.dma_semaphore, #tpu.memory_space<semaphore_mem>>)
      %mul3A_64 = arith.constant 128 : i32
      %mul3A_65 = arith.muli %scan3A_55, %mul3A_64 : i32
      %dma_start3A_66 = tpu.memref_slice %arg8[%mul3A_65] : memref<20096xi32, #tpu.memory_space<vmem>> -> memref<128xi32, #tpu.memory_space<vmem>>
      %dma_start3A_67 = arith.constant 0 : i32
      %dma_start3A_68 = tpu.memref_slice %arg9[%scan3A_55, %dma_start3A_67] : memref<160x128xi32, #tpu.memory_space<vmem>> -> memref<1x128xi32, #tpu.memory_space<vmem>>
      %dma_start3A_69 = tpu.memref_squeeze %dma_start3A_68 : memref<1x128xi32, #tpu.memory_space<vmem>> -> memref<128xi32, #tpu.memory_space<vmem>>
      %dma_start3A_70 = arith.constant 0 : i32
      %dma_start3A_71 = tpu.memref_slice %arg5[%dma_start3A_70] : memref<321536xi32, #tpu.memory_space<hbm>> -> memref<321536xi32, #tpu.memory_space<hbm>>
      tpu.enqueue_indirect_dma source(%dma_start3A_66 : memref<128xi32, #tpu.memory_space<vmem>>) target(%dma_start3A_71 : memref<321536xi32, #tpu.memory_space<hbm>>) offsets(%dma_start3A_69 : memref<128xi32, #tpu.memory_space<vmem>>) semaphore(%arg13 : memref<!tpu.dma_semaphore, #tpu.memory_space<semaphore_mem>>)
      %scan3A_72 = arith.constant 0 : i32
      scf.yield %scan3A_72 : i32
    }
    %scan3A_46 = arith.constant 157 : i32
    %scan3A_47 = arith.constant 0 : i32
    %scan3A_48 = arith.constant 0 : i32
    %scan3A_49 = arith.constant 157 : i32
    %scan3A_50 = arith.addi %scan3A_48, %scan3A_49 : i32
    %scan3A_51 = arith.constant 1 : i32
    %scan3A_52 = scf.for %scan3A_55 = %scan3A_48 to %scan3A_50 step %scan3A_51 iter_args(%scan3A_56 = %scan3A_47) -> (i32)  : i32 {
      %mul3A_57 = arith.constant 128 : i32
      %mul3A_58 = arith.muli %scan3A_55, %mul3A_57 : i32
      %dma_wait3A = tpu.memref_slice %arg7[%mul3A_58] : memref<20096xi32, #tpu.memory_space<vmem>> -> memref<128xi32, #tpu.memory_space<vmem>>
      %dma_wait3A_59 = arith.constant 0 : i32
      %dma_wait3A_60 = tpu.memref_slice %arg9[%scan3A_55, %dma_wait3A_59] : memref<160x128xi32, #tpu.memory_space<vmem>> -> memref<1x128xi32, #tpu.memory_space<vmem>>
      %dma_wait3A_61 = tpu.memref_squeeze %dma_wait3A_60 : memref<1x128xi32, #tpu.memory_space<vmem>> -> memref<128xi32, #tpu.memory_space<vmem>>
      %dma_wait3A_62 = arith.constant 0 : i32
      %dma_wait3A_63 = tpu.memref_slice %arg4[%dma_wait3A_62] : memref<321536xi32, #tpu.memory_space<hbm>> -> memref<321536xi32, #tpu.memory_space<hbm>>
      tpu.wait_indirect_dma semaphore(%arg13 : memref<!tpu.dma_semaphore, #tpu.memory_space<semaphore_mem>>) src(%dma_wait3A : memref<128xi32, #tpu.memory_space<vmem>>) dst(%dma_wait3A_63 : memref<321536xi32, #tpu.memory_space<hbm>>)
      %mul3A_64 = arith.constant 128 : i32
      %mul3A_65 = arith.muli %scan3A_55, %mul3A_64 : i32
      %dma_wait3A_66 = tpu.memref_slice %arg8[%mul3A_65] : memref<20096xi32, #tpu.memory_space<vmem>> -> memref<128xi32, #tpu.memory_space<vmem>>
      %dma_wait3A_67 = arith.constant 0 : i32
      %dma_wait3A_68 = tpu.memref_slice %arg9[%scan3A_55, %dma_wait3A_67] : memref<160x128xi32, #tpu.memory_space<vmem>> -> memref<1x128xi32, #tpu.memory_space<vmem>>
      %dma_wait3A_69 = tpu.memref_squeeze %dma_wait3A_68 : memref<1x128xi32, #tpu.memory_space<vmem>> -> memref<128xi32, #tpu.memory_space<vmem>>
      %dma_wait3A_70 = arith.constant 0 : i32
      %dma_wait3A_71 = tpu.memref_slice %arg5[%dma_wait3A_70] : memref<321536xi32, #tpu.memory_space<hbm>> -> memref<321536xi32, #tpu.memory_space<hbm>>
      tpu.wait_indirect_dma semaphore(%arg13 : memref<!tpu.dma_semaphore, #tpu.memory_space<semaphore_mem>>) src(%dma_wait3A_66 : memref<128xi32, #tpu.memory_space<vmem>>) dst(%dma_wait3A_71 : memref<321536xi32, #tpu.memory_space<hbm>>)
      %scan3A_72 = arith.constant 0 : i32
      scf.yield %scan3A_72 : i32
    }
    %scan3A_53 = arith.constant 157 : i32
    %barrier3A_54 = arith.constant 0 : index
    tpu.barrier barrier_id(%barrier3A_54)
    return
  }
}

#map = affine_map<(d0, d1) -> (0)>
module attributes {stable_mosaic.version = 14 : i64} {
  func.func @body(%arg0: i32, %arg1: i32, %arg2: memref<321536xi32, #tpu.memory_space<hbm>>, %arg3: memref<321536xi32, #tpu.memory_space<hbm>>, %arg4: memref<321536xi32, #tpu.memory_space<hbm>>, %arg5: memref<321536xi32, #tpu.memory_space<hbm>>, %arg6: memref<128x128xi32, #tpu.memory_space<vmem_shared>>, %arg7: memref<20096xi32, #tpu.memory_space<vmem>>, %arg8: memref<20096xi32, #tpu.memory_space<vmem>>, %arg9: memref<160x128xi32, #tpu.memory_space<vmem>>, %arg10: memref<16384xi32, #tpu.memory_space<vmem>>, %arg11: memref<16384xi32, #tpu.memory_space<vmem>>, %arg12: memref<8x128xi32, #tpu.memory_space<vmem>>, %arg13: memref<!tpu.dma_semaphore, #tpu.memory_space<semaphore_mem>>) attributes {dimension_semantics = [#tpu.dimension_semantics<core_parallel>, #tpu.dimension_semantics<subcore_parallel>], iteration_bounds = array<i64: 1, 16>, scalar_prefetch = 0 : i64, scratch_operands = 8 : i64, tpu.core_type = #tpu.core_type<sc_vector_subcore>, window_params = [{transform_indices = #map}, {transform_indices = #map}, {transform_indices = #map}, {transform_indices = #map}]} {
    %iota3A = tpu.iota {dimensions = array<i32: 0>} : vector<16xi32>
    %broadcast_in_dim3A = arith.constant 0 : i32
    %broadcast_in_dim3A_0 = vector.broadcast %broadcast_in_dim3A : i32 to vector<16xi32>
    %broadcast_in_dim3A_1 = arith.constant 1 : i32
    %broadcast_in_dim3A_2 = vector.broadcast %broadcast_in_dim3A_1 : i32 to vector<16xi32>
    %mul3A = arith.constant 20096 : i32
    %mul3A_3 = arith.muli %arg1, %mul3A : i32
    "tpu.region"() ({
      %run_scoped3A = tpu.sem_alloc : memref<!tpu.dma_semaphore, #tpu.memory_space<semaphore_mem>>
      %dma_start3A = tpu.memref_slice %arg2[%mul3A_3] : memref<321536xi32, #tpu.memory_space<hbm>> -> memref<20096xi32, #tpu.memory_space<hbm>>
      %dma_start3A_55 = tpu.memref_slice %arg2[%mul3A_3] : memref<321536xi32, #tpu.memory_space<hbm>> -> memref<20096xi32, #tpu.memory_space<hbm>>
      tpu.enqueue_dma source(%dma_start3A_55 : memref<20096xi32, #tpu.memory_space<hbm>>) target(%arg7 : memref<20096xi32, #tpu.memory_space<vmem>>) target_semaphore(%run_scoped3A : memref<!tpu.dma_semaphore, #tpu.memory_space<semaphore_mem>>)
      %dma_wait3A = tpu.memref_slice %arg2[%mul3A_3] : memref<321536xi32, #tpu.memory_space<hbm>> -> memref<20096xi32, #tpu.memory_space<hbm>>
      %dma_wait3A_56 = tpu.memref_slice %arg2[%mul3A_3] : memref<321536xi32, #tpu.memory_space<hbm>> -> memref<20096xi32, #tpu.memory_space<hbm>>
      tpu.wait_dma2 semaphore(%run_scoped3A : memref<!tpu.dma_semaphore, #tpu.memory_space<semaphore_mem>>) src(%dma_wait3A_56 : memref<20096xi32, #tpu.memory_space<hbm>>) dst(%arg7 : memref<20096xi32, #tpu.memory_space<vmem>>)
      tpu.yield
    }) : () -> ()
    "tpu.region"() ({
      %run_scoped3A = tpu.sem_alloc : memref<!tpu.dma_semaphore, #tpu.memory_space<semaphore_mem>>
      %dma_start3A = tpu.memref_slice %arg3[%mul3A_3] : memref<321536xi32, #tpu.memory_space<hbm>> -> memref<20096xi32, #tpu.memory_space<hbm>>
      %dma_start3A_55 = tpu.memref_slice %arg3[%mul3A_3] : memref<321536xi32, #tpu.memory_space<hbm>> -> memref<20096xi32, #tpu.memory_space<hbm>>
      tpu.enqueue_dma source(%dma_start3A_55 : memref<20096xi32, #tpu.memory_space<hbm>>) target(%arg8 : memref<20096xi32, #tpu.memory_space<vmem>>) target_semaphore(%run_scoped3A : memref<!tpu.dma_semaphore, #tpu.memory_space<semaphore_mem>>)
      %dma_wait3A = tpu.memref_slice %arg3[%mul3A_3] : memref<321536xi32, #tpu.memory_space<hbm>> -> memref<20096xi32, #tpu.memory_space<hbm>>
      %dma_wait3A_56 = tpu.memref_slice %arg3[%mul3A_3] : memref<321536xi32, #tpu.memory_space<hbm>> -> memref<20096xi32, #tpu.memory_space<hbm>>
      tpu.wait_dma2 semaphore(%run_scoped3A : memref<!tpu.dma_semaphore, #tpu.memory_space<semaphore_mem>>) src(%dma_wait3A_56 : memref<20096xi32, #tpu.memory_space<hbm>>) dst(%arg8 : memref<20096xi32, #tpu.memory_space<vmem>>)
      tpu.yield
    }) : () -> ()
    %scan3A = arith.constant 0 : i32
    %scan3A_4 = arith.constant 0 : i32
    %scan3A_5 = arith.constant 1024 : i32
    %scan3A_6 = arith.addi %scan3A_4, %scan3A_5 : i32
    %scan3A_7 = arith.constant 1 : i32
    %scan3A_8 = scf.for %scan3A_55 = %scan3A_4 to %scan3A_6 step %scan3A_7 iter_args(%scan3A_56 = %scan3A) -> (i32)  : i32 {
      %mul3A_57 = arith.constant 16 : i32
      %mul3A_58 = arith.muli %scan3A_55, %mul3A_57 : i32
      %swap3A = arith.index_cast %mul3A_58 : i32 to index
      %swap3A_59 = tpu.vector_load %arg10[%swap3A] {strides = array<i32>} : memref<16384xi32, #tpu.memory_space<vmem>>, vector<16xi32>,
      tpu.vector_store %arg10[%swap3A], %broadcast_in_dim3A_0 {strides = array<i32>} : memref<16384xi32, #tpu.memory_space<vmem>>, vector<16xi32>,
      %scan3A_60 = arith.constant 0 : i32
      scf.yield %scan3A_60 : i32
    }
    %scan3A_9 = arith.constant 1024 : i32
    %scan3A_10 = arith.constant 0 : i32
    %scan3A_11 = arith.constant 0 : i32
    %scan3A_12 = arith.constant 1256 : i32
    %scan3A_13 = arith.addi %scan3A_11, %scan3A_12 : i32
    %scan3A_14 = arith.constant 1 : i32
    %scan3A_15 = scf.for %scan3A_55 = %scan3A_11 to %scan3A_13 step %scan3A_14 iter_args(%scan3A_56 = %scan3A_10) -> (i32)  : i32 {
      %mul3A_57 = arith.constant 1256 : i32
      %mul3A_58 = vector.broadcast %mul3A_57 : i32 to vector<16xi32>
      %mul3A_59 = arith.muli %iota3A, %mul3A_58 : vector<16xi32>
      %add3A = vector.broadcast %scan3A_55 : i32 to vector<16xi32>
      %add3A_60 = arith.addi %mul3A_59, %add3A : vector<16xi32>
      %gather3A = tpu.vector_load_idx %arg7[%add3A_60] : memref<20096xi32, #tpu.memory_space<vmem>>[vector<16xi32>], vector<16xi32>,
      %shift_right_logical3A = arith.constant 20 : i32
      %shift_right_logical3A_61 = vector.broadcast %shift_right_logical3A : i32 to vector<16xi32>
      %shift_right_logical3A_62 = arith.shrui %gather3A, %shift_right_logical3A_61 : vector<16xi32>
      %and3A = arith.constant 1023 : i32
      %and3A_63 = vector.broadcast %and3A : i32 to vector<16xi32>
      %and3A_64 = arith.andi %shift_right_logical3A_62, %and3A_63 : vector<16xi32>
      %mul3A_65 = arith.constant 1024 : i32
      %mul3A_66 = vector.broadcast %mul3A_65 : i32 to vector<16xi32>
      %mul3A_67 = arith.muli %iota3A, %mul3A_66 : vector<16xi32>
      %add3A_68 = arith.addi %mul3A_67, %and3A_64 : vector<16xi32>
      tpu.vector_store_idx %arg10[%add3A_68], %broadcast_in_dim3A_2 {add = true} : memref<16384xi32, #tpu.memory_space<vmem>>[vector<16xi32>], vector<16xi32>,
      %scan3A_69 = arith.constant 0 : i32
      scf.yield %scan3A_69 : i32
    }
    %scan3A_16 = arith.constant 1256 : i32
    %scan3A_17 = arith.constant 0 : i32
    %scan3A_18 = arith.constant 0 : i32
    %scan3A_19 = arith.constant 64 : i32
    %scan3A_20 = arith.addi %scan3A_18, %scan3A_19 : i32
    %scan3A_21 = arith.constant 1 : i32
    %scan3A_22 = scf.for %scan3A_55 = %scan3A_18 to %scan3A_20 step %scan3A_21 iter_args(%scan3A_56 = %scan3A_17) -> (i32)  : i32 {
      %mul3A_57 = arith.constant 16 : i32
      %mul3A_58 = arith.muli %scan3A_55, %mul3A_57 : i32
      %add3A = arith.constant 0 : i32
      %add3A_59 = arith.addi %add3A, %mul3A_58 : i32
      %get3A = arith.index_cast %add3A_59 : i32 to index
      %get3A_60 = tpu.vector_load %arg10[%get3A] {strides = array<i32>} : memref<16384xi32, #tpu.memory_space<vmem>>, vector<16xi32>,
      %add3A_61 = arith.addi %broadcast_in_dim3A_0, %get3A_60 : vector<16xi32>
      %mul3A_62 = arith.constant 16 : i32
      %mul3A_63 = arith.muli %scan3A_55, %mul3A_62 : i32
      %add3A_64 = arith.constant 1024 : i32
      %add3A_65 = arith.addi %add3A_64, %mul3A_63 : i32
      %get3A_66 = arith.index_cast %add3A_65 : i32 to index
      %get3A_67 = tpu.vector_load %arg10[%get3A_66] {strides = array<i32>} : memref<16384xi32, #tpu.memory_space<vmem>>, vector<16xi32>,
      %add3A_68 = arith.addi %add3A_61, %get3A_67 : vector<16xi32>
      %mul3A_69 = arith.constant 16 : i32
      %mul3A_70 = arith.muli %scan3A_55, %mul3A_69 : i32
      %add3A_71 = arith.constant 2048 : i32
      %add3A_72 = arith.addi %add3A_71, %mul3A_70 : i32
      %get3A_73 = arith.index_cast %add3A_72 : i32 to index
      %get3A_74 = tpu.vector_load %arg10[%get3A_73] {strides = array<i32>} : memref<16384xi32, #tpu.memory_space<vmem>>, vector<16xi32>,
      %add3A_75 = arith.addi %add3A_68, %get3A_74 : vector<16xi32>
      %mul3A_76 = arith.constant 16 : i32
      %mul3A_77 = arith.muli %scan3A_55, %mul3A_76 : i32
      %add3A_78 = arith.constant 3072 : i32
      %add3A_79 = arith.addi %add3A_78, %mul3A_77 : i32
      %get3A_80 = arith.index_cast %add3A_79 : i32 to index
      %get3A_81 = tpu.vector_load %arg10[%get3A_80] {strides = array<i32>} : memref<16384xi32, #tpu.memory_space<vmem>>, vector<16xi32>,
      %add3A_82 = arith.addi %add3A_75, %get3A_81 : vector<16xi32>
      %mul3A_83 = arith.constant 16 : i32
      %mul3A_84 = arith.muli %scan3A_55, %mul3A_83 : i32
      %add3A_85 = arith.constant 4096 : i32
      %add3A_86 = arith.addi %add3A_85, %mul3A_84 : i32
      %get3A_87 = arith.index_cast %add3A_86 : i32 to index
      %get3A_88 = tpu.vector_load %arg10[%get3A_87] {strides = array<i32>} : memref<16384xi32, #tpu.memory_space<vmem>>, vector<16xi32>,
      %add3A_89 = arith.addi %add3A_82, %get3A_88 : vector<16xi32>
      %mul3A_90 = arith.constant 16 : i32
      %mul3A_91 = arith.muli %scan3A_55, %mul3A_90 : i32
      %add3A_92 = arith.constant 5120 : i32
      %add3A_93 = arith.addi %add3A_92, %mul3A_91 : i32
      %get3A_94 = arith.index_cast %add3A_93 : i32 to index
      %get3A_95 = tpu.vector_load %arg10[%get3A_94] {strides = array<i32>} : memref<16384xi32, #tpu.memory_space<vmem>>, vector<16xi32>,
      %add3A_96 = arith.addi %add3A_89, %get3A_95 : vector<16xi32>
      %mul3A_97 = arith.constant 16 : i32
      %mul3A_98 = arith.muli %scan3A_55, %mul3A_97 : i32
      %add3A_99 = arith.constant 6144 : i32
      %add3A_100 = arith.addi %add3A_99, %mul3A_98 : i32
      %get3A_101 = arith.index_cast %add3A_100 : i32 to index
      %get3A_102 = tpu.vector_load %arg10[%get3A_101] {strides = array<i32>} : memref<16384xi32, #tpu.memory_space<vmem>>, vector<16xi32>,
      %add3A_103 = arith.addi %add3A_96, %get3A_102 : vector<16xi32>
      %mul3A_104 = arith.constant 16 : i32
      %mul3A_105 = arith.muli %scan3A_55, %mul3A_104 : i32
      %add3A_106 = arith.constant 7168 : i32
      %add3A_107 = arith.addi %add3A_106, %mul3A_105 : i32
      %get3A_108 = arith.index_cast %add3A_107 : i32 to index
      %get3A_109 = tpu.vector_load %arg10[%get3A_108] {strides = array<i32>} : memref<16384xi32, #tpu.memory_space<vmem>>, vector<16xi32>,
      %add3A_110 = arith.addi %add3A_103, %get3A_109 : vector<16xi32>
      %mul3A_111 = arith.constant 16 : i32
      %mul3A_112 = arith.muli %scan3A_55, %mul3A_111 : i32
      %add3A_113 = arith.constant 8192 : i32
      %add3A_114 = arith.addi %add3A_113, %mul3A_112 : i32
      %get3A_115 = arith.index_cast %add3A_114 : i32 to index
      %get3A_116 = tpu.vector_load %arg10[%get3A_115] {strides = array<i32>} : memref<16384xi32, #tpu.memory_space<vmem>>, vector<16xi32>,
      %add3A_117 = arith.addi %add3A_110, %get3A_116 : vector<16xi32>
      %mul3A_118 = arith.constant 16 : i32
      %mul3A_119 = arith.muli %scan3A_55, %mul3A_118 : i32
      %add3A_120 = arith.constant 9216 : i32
      %add3A_121 = arith.addi %add3A_120, %mul3A_119 : i32
      %get3A_122 = arith.index_cast %add3A_121 : i32 to index
      %get3A_123 = tpu.vector_load %arg10[%get3A_122] {strides = array<i32>} : memref<16384xi32, #tpu.memory_space<vmem>>, vector<16xi32>,
      %add3A_124 = arith.addi %add3A_117, %get3A_123 : vector<16xi32>
      %mul3A_125 = arith.constant 16 : i32
      %mul3A_126 = arith.muli %scan3A_55, %mul3A_125 : i32
      %add3A_127 = arith.constant 10240 : i32
      %add3A_128 = arith.addi %add3A_127, %mul3A_126 : i32
      %get3A_129 = arith.index_cast %add3A_128 : i32 to index
      %get3A_130 = tpu.vector_load %arg10[%get3A_129] {strides = array<i32>} : memref<16384xi32, #tpu.memory_space<vmem>>, vector<16xi32>,
      %add3A_131 = arith.addi %add3A_124, %get3A_130 : vector<16xi32>
      %mul3A_132 = arith.constant 16 : i32
      %mul3A_133 = arith.muli %scan3A_55, %mul3A_132 : i32
      %add3A_134 = arith.constant 11264 : i32
      %add3A_135 = arith.addi %add3A_134, %mul3A_133 : i32
      %get3A_136 = arith.index_cast %add3A_135 : i32 to index
      %get3A_137 = tpu.vector_load %arg10[%get3A_136] {strides = array<i32>} : memref<16384xi32, #tpu.memory_space<vmem>>, vector<16xi32>,
      %add3A_138 = arith.addi %add3A_131, %get3A_137 : vector<16xi32>
      %mul3A_139 = arith.constant 16 : i32
      %mul3A_140 = arith.muli %scan3A_55, %mul3A_139 : i32
      %add3A_141 = arith.constant 12288 : i32
      %add3A_142 = arith.addi %add3A_141, %mul3A_140 : i32
      %get3A_143 = arith.index_cast %add3A_142 : i32 to index
      %get3A_144 = tpu.vector_load %arg10[%get3A_143] {strides = array<i32>} : memref<16384xi32, #tpu.memory_space<vmem>>, vector<16xi32>,
      %add3A_145 = arith.addi %add3A_138, %get3A_144 : vector<16xi32>
      %mul3A_146 = arith.constant 16 : i32
      %mul3A_147 = arith.muli %scan3A_55, %mul3A_146 : i32
      %add3A_148 = arith.constant 13312 : i32
      %add3A_149 = arith.addi %add3A_148, %mul3A_147 : i32
      %get3A_150 = arith.index_cast %add3A_149 : i32 to index
      %get3A_151 = tpu.vector_load %arg10[%get3A_150] {strides = array<i32>} : memref<16384xi32, #tpu.memory_space<vmem>>, vector<16xi32>,
      %add3A_152 = arith.addi %add3A_145, %get3A_151 : vector<16xi32>
      %mul3A_153 = arith.constant 16 : i32
      %mul3A_154 = arith.muli %scan3A_55, %mul3A_153 : i32
      %add3A_155 = arith.constant 14336 : i32
      %add3A_156 = arith.addi %add3A_155, %mul3A_154 : i32
      %get3A_157 = arith.index_cast %add3A_156 : i32 to index
      %get3A_158 = tpu.vector_load %arg10[%get3A_157] {strides = array<i32>} : memref<16384xi32, #tpu.memory_space<vmem>>, vector<16xi32>,
      %add3A_159 = arith.addi %add3A_152, %get3A_158 : vector<16xi32>
      %mul3A_160 = arith.constant 16 : i32
      %mul3A_161 = arith.muli %scan3A_55, %mul3A_160 : i32
      %add3A_162 = arith.constant 15360 : i32
      %add3A_163 = arith.addi %add3A_162, %mul3A_161 : i32
      %get3A_164 = arith.index_cast %add3A_163 : i32 to index
      %get3A_165 = tpu.vector_load %arg10[%get3A_164] {strides = array<i32>} : memref<16384xi32, #tpu.memory_space<vmem>>, vector<16xi32>,
      %add3A_166 = arith.addi %add3A_159, %get3A_165 : vector<16xi32>
      %mul3A_167 = arith.constant 16 : i32
      %mul3A_168 = arith.muli %scan3A_55, %mul3A_167 : i32
      %add3A_169 = vector.broadcast %mul3A_168 : i32 to vector<16xi32>
      %add3A_170 = arith.addi %add3A_169, %iota3A : vector<16xi32>
      %shift_right_logical3A = arith.constant 7 : i32
      %shift_right_logical3A_171 = vector.broadcast %shift_right_logical3A : i32 to vector<16xi32>
      %shift_right_logical3A_172 = arith.shrui %add3A_170, %shift_right_logical3A_171 : vector<16xi32>
      %and3A = arith.constant 127 : i32
      %and3A_173 = vector.broadcast %and3A : i32 to vector<16xi32>
      %and3A_174 = arith.andi %add3A_170, %and3A_173 : vector<16xi32>
      tpu.vector_store_idx %arg12[%shift_right_logical3A_172, %and3A_174], %add3A_166 : memref<8x128xi32, #tpu.memory_space<vmem>>[vector<16xi32>, vector<16xi32>], vector<16xi32>,
      %scan3A_175 = arith.constant 0 : i32
      scf.yield %scan3A_175 : i32
    }
    %scan3A_23 = arith.constant 64 : i32
    %mul3A_24 = arith.constant 8 : i32
    %mul3A_25 = arith.muli %arg1, %mul3A_24 : i32
    "tpu.region"() ({
      %run_scoped3A = tpu.sem_alloc : memref<!tpu.dma_semaphore, #tpu.memory_space<semaphore_mem>>
      %dma_start3A = arith.constant 0 : i32
      %dma_start3A_55 = tpu.memref_slice %arg6[%mul3A_25, %dma_start3A] : memref<128x128xi32, #tpu.memory_space<vmem_shared>> -> memref<8x128xi32, #tpu.memory_space<vmem_shared>>
      %dma_start3A_56 = arith.constant 0 : i32
      %dma_start3A_57 = tpu.memref_slice %arg6[%mul3A_25, %dma_start3A_56] : memref<128x128xi32, #tpu.memory_space<vmem_shared>> -> memref<8x128xi32, #tpu.memory_space<vmem_shared>>
      tpu.enqueue_dma source(%arg12 : memref<8x128xi32, #tpu.memory_space<vmem>>) target(%dma_start3A_57 : memref<8x128xi32, #tpu.memory_space<vmem_shared>>) target_semaphore(%run_scoped3A : memref<!tpu.dma_semaphore, #tpu.memory_space<semaphore_mem>>)
      %dma_wait3A = arith.constant 0 : i32
      %dma_wait3A_58 = tpu.memref_slice %arg6[%mul3A_25, %dma_wait3A] : memref<128x128xi32, #tpu.memory_space<vmem_shared>> -> memref<8x128xi32, #tpu.memory_space<vmem_shared>>
      %dma_wait3A_59 = arith.constant 0 : i32
      %dma_wait3A_60 = tpu.memref_slice %arg6[%mul3A_25, %dma_wait3A_59] : memref<128x128xi32, #tpu.memory_space<vmem_shared>> -> memref<8x128xi32, #tpu.memory_space<vmem_shared>>
      tpu.wait_dma2 semaphore(%run_scoped3A : memref<!tpu.dma_semaphore, #tpu.memory_space<semaphore_mem>>) src(%arg12 : memref<8x128xi32, #tpu.memory_space<vmem>>) dst(%dma_wait3A_60 : memref<8x128xi32, #tpu.memory_space<vmem_shared>>)
      tpu.yield
    }) : () -> ()
    %barrier3A = arith.constant 0 : index
    tpu.barrier barrier_id(%barrier3A)
    "tpu.region"() ({
      %run_scoped3A = tpu.sem_alloc : memref<!tpu.dma_semaphore, #tpu.memory_space<semaphore_mem>>
      %dma_start3A = arith.constant 0 : i32
      %dma_start3A_55 = arith.constant 0 : i32
      %dma_start3A_56 = tpu.memref_slice %arg9[%dma_start3A, %dma_start3A_55] : memref<160x128xi32, #tpu.memory_space<vmem>> -> memref<128x128xi32, #tpu.memory_space<vmem>>
      %dma_start3A_57 = arith.constant 0 : i32
      %dma_start3A_58 = arith.constant 0 : i32
      %dma_start3A_59 = tpu.memref_slice %arg9[%dma_start3A_57, %dma_start3A_58] : memref<160x128xi32, #tpu.memory_space<vmem>> -> memref<128x128xi32, #tpu.memory_space<vmem>>
      tpu.enqueue_dma source(%arg6 : memref<128x128xi32, #tpu.memory_space<vmem_shared>>) target(%dma_start3A_59 : memref<128x128xi32, #tpu.memory_space<vmem>>) target_semaphore(%run_scoped3A : memref<!tpu.dma_semaphore, #tpu.memory_space<semaphore_mem>>)
      %dma_wait3A = arith.constant 0 : i32
      %dma_wait3A_60 = arith.constant 0 : i32
      %dma_wait3A_61 = tpu.memref_slice %arg9[%dma_wait3A, %dma_wait3A_60] : memref<160x128xi32, #tpu.memory_space<vmem>> -> memref<128x128xi32, #tpu.memory_space<vmem>>
      %dma_wait3A_62 = arith.constant 0 : i32
      %dma_wait3A_63 = arith.constant 0 : i32
      %dma_wait3A_64 = tpu.memref_slice %arg9[%dma_wait3A_62, %dma_wait3A_63] : memref<160x128xi32, #tpu.memory_space<vmem>> -> memref<128x128xi32, #tpu.memory_space<vmem>>
      tpu.wait_dma2 semaphore(%run_scoped3A : memref<!tpu.dma_semaphore, #tpu.memory_space<semaphore_mem>>) src(%arg6 : memref<128x128xi32, #tpu.memory_space<vmem_shared>>) dst(%dma_wait3A_64 : memref<128x128xi32, #tpu.memory_space<vmem>>)
      tpu.yield
    }) : () -> ()
    %scan3A_26 = arith.constant 0 : i32
    %scan3A_27 = arith.constant 0 : i32
    %scan3A_28 = arith.constant 1024 : i32
    %scan3A_29 = arith.addi %scan3A_27, %scan3A_28 : i32
    %scan3A_30 = arith.constant 1 : i32
    %scan3A_31 = scf.for %scan3A_55 = %scan3A_27 to %scan3A_29 step %scan3A_30 iter_args(%scan3A_56 = %scan3A_26) -> (i32)  : i32 {
      %and3A = arith.constant 127 : i32
      %and3A_57 = arith.andi %scan3A_55, %and3A : i32
      %broadcast_in_dim3A_58 = vector.broadcast %and3A_57 : i32 to vector<16xi32>
      %mul3A_59 = arith.constant 8 : i32
      %mul3A_60 = vector.broadcast %mul3A_59 : i32 to vector<16xi32>
      %mul3A_61 = arith.muli %iota3A, %mul3A_60 : vector<16xi32>
      %shift_right_logical3A = arith.constant 7 : i32
      %shift_right_logical3A_62 = arith.shrui %scan3A_55, %shift_right_logical3A : i32
      %add3A = vector.broadcast %shift_right_logical3A_62 : i32 to vector<16xi32>
      %add3A_63 = arith.addi %mul3A_61, %add3A : vector<16xi32>
      %gather3A = tpu.vector_load_idx %arg9[%add3A_63, %broadcast_in_dim3A_58] : memref<160x128xi32, #tpu.memory_space<vmem>>[vector<16xi32>, vector<16xi32>], vector<16xi32>,
      %broadcast_in_dim3A_64 = arith.constant true
      %broadcast_in_dim3A_65 = vector.broadcast %broadcast_in_dim3A_64 : i1 to vector<16xi1>
      %masked_cumsum3A = tpu.scan <sum>, %gather3A masked %broadcast_in_dim3A_65 : vector<16xi32>, vector<16xi1> -> vector<16xi32>
      %sub3A = arith.subi %masked_cumsum3A, %gather3A : vector<16xi32>
      %eq3A = vector.broadcast %arg1 : i32 to vector<16xi32>
      %eq3A_66 = arith.cmpi eq, %iota3A, %eq3A : vector<16xi32>
      %jit3A = arith.constant 0 : i32
      %broadcast_in_dim3A_67 = vector.broadcast %jit3A : i32 to vector<16xi32>
      %select_n3A = arith.select %eq3A_66, %sub3A, %broadcast_in_dim3A_67 : vector<16xi1>, vector<16xi32>
      %reduce_sum3A = arith.constant true
      %reduce_sum3A_68 = vector.broadcast %reduce_sum3A : i1 to vector<16xi1>
      %reduce_sum3A_69 = tpu.scan <sum>, %select_n3A masked %reduce_sum3A_68 : vector<16xi32>, vector<16xi1> -> vector<16xi32>
      %reduce_sum3A_70 = vector.extract %reduce_sum3A_69[15] : i32 from vector<16xi32>
      %reduce_sum3A_71 = arith.constant true
      %reduce_sum3A_72 = vector.broadcast %reduce_sum3A_71 : i1 to vector<16xi1>
      %reduce_sum3A_73 = tpu.scan <sum>, %gather3A masked %reduce_sum3A_72 : vector<16xi32>, vector<16xi1> -> vector<16xi32>
      %reduce_sum3A_74 = vector.extract %reduce_sum3A_73[15] : i32 from vector<16xi32>
      %mul3A_75 = arith.constant 1024 : i32
      %mul3A_76 = vector.broadcast %mul3A_75 : i32 to vector<16xi32>
      %mul3A_77 = arith.muli %iota3A, %mul3A_76 : vector<16xi32>
      %add3A_78 = vector.broadcast %scan3A_55 : i32 to vector<16xi32>
      %add3A_79 = arith.addi %mul3A_77, %add3A_78 : vector<16xi32>
      %gather3A_80 = tpu.vector_load_idx %arg10[%add3A_79] : memref<16384xi32, #tpu.memory_space<vmem>>[vector<16xi32>], vector<16xi32>,
      %broadcast_in_dim3A_81 = arith.constant true
      %broadcast_in_dim3A_82 = vector.broadcast %broadcast_in_dim3A_81 : i1 to vector<16xi1>
      %masked_cumsum3A_83 = tpu.scan <sum>, %gather3A_80 masked %broadcast_in_dim3A_82 : vector<16xi32>, vector<16xi1> -> vector<16xi32>
      %sub3A_84 = arith.subi %masked_cumsum3A_83, %gather3A_80 : vector<16xi32>
      %add3A_85 = arith.addi %scan3A_56, %reduce_sum3A_70 : i32
      %add3A_86 = vector.broadcast %add3A_85 : i32 to vector<16xi32>
      %add3A_87 = arith.addi %sub3A_84, %add3A_86 : vector<16xi32>
      %mul3A_88 = arith.constant 16 : i32
      %mul3A_89 = arith.muli %scan3A_55, %mul3A_88 : i32
      %swap3A = arith.index_cast %mul3A_89 : i32 to index
      %swap3A_90 = tpu.vector_load %arg11[%swap3A] {strides = array<i32>} : memref<16384xi32, #tpu.memory_space<vmem>>, vector<16xi32>,
      tpu.vector_store %arg11[%swap3A], %add3A_87 {strides = array<i32>} : memref<16384xi32, #tpu.memory_space<vmem>>, vector<16xi32>,
      %add3A_91 = arith.addi %scan3A_56, %reduce_sum3A_74 : i32
      scf.yield %add3A_91 : i32
    }
    %scan3A_32 = arith.constant 1024 : i32
    %scan3A_33 = arith.constant 0 : i32
    %scan3A_34 = arith.constant 0 : i32
    %scan3A_35 = arith.constant 1256 : i32
    %scan3A_36 = arith.addi %scan3A_34, %scan3A_35 : i32
    %scan3A_37 = arith.constant 1 : i32
    %scan3A_38 = scf.for %scan3A_55 = %scan3A_34 to %scan3A_36 step %scan3A_37 iter_args(%scan3A_56 = %scan3A_33) -> (i32)  : i32 {
      %mul3A_57 = arith.constant 1256 : i32
      %mul3A_58 = vector.broadcast %mul3A_57 : i32 to vector<16xi32>
      %mul3A_59 = arith.muli %iota3A, %mul3A_58 : vector<16xi32>
      %add3A = vector.broadcast %scan3A_55 : i32 to vector<16xi32>
      %add3A_60 = arith.addi %mul3A_59, %add3A : vector<16xi32>
      %gather3A = tpu.vector_load_idx %arg7[%add3A_60] : memref<20096xi32, #tpu.memory_space<vmem>>[vector<16xi32>], vector<16xi32>,
      %shift_right_logical3A = arith.constant 20 : i32
      %shift_right_logical3A_61 = vector.broadcast %shift_right_logical3A : i32 to vector<16xi32>
      %shift_right_logical3A_62 = arith.shrui %gather3A, %shift_right_logical3A_61 : vector<16xi32>
      %and3A = arith.constant 1023 : i32
      %and3A_63 = vector.broadcast %and3A : i32 to vector<16xi32>
      %and3A_64 = arith.andi %shift_right_logical3A_62, %and3A_63 : vector<16xi32>
      %mul3A_65 = arith.constant 16 : i32
      %mul3A_66 = vector.broadcast %mul3A_65 : i32 to vector<16xi32>
      %mul3A_67 = arith.muli %and3A_64, %mul3A_66 : vector<16xi32>
      %add3A_68 = arith.addi %mul3A_67, %iota3A : vector<16xi32>
      %gather3A_69 = tpu.vector_load_idx %arg11[%add3A_68] : memref<16384xi32, #tpu.memory_space<vmem>>[vector<16xi32>], vector<16xi32>,
      %add3A_70 = arith.constant 1 : i32
      %add3A_71 = vector.broadcast %add3A_70 : i32 to vector<16xi32>
      %add3A_72 = arith.addi %gather3A_69, %add3A_71 : vector<16xi32>
      tpu.vector_store_idx %arg11[%add3A_68], %add3A_72 : memref<16384xi32, #tpu.memory_space<vmem>>[vector<16xi32>], vector<16xi32>,
      %shift_right_logical3A_73 = arith.constant 7 : i32
      %shift_right_logical3A_74 = vector.broadcast %shift_right_logical3A_73 : i32 to vector<16xi32>
      %shift_right_logical3A_75 = arith.shrui %add3A_60, %shift_right_logical3A_74 : vector<16xi32>
      %and3A_76 = arith.constant 127 : i32
      %and3A_77 = vector.broadcast %and3A_76 : i32 to vector<16xi32>
      %and3A_78 = arith.andi %add3A_60, %and3A_77 : vector<16xi32>
      tpu.vector_store_idx %arg9[%shift_right_logical3A_75, %and3A_78], %gather3A_69 : memref<160x128xi32, #tpu.memory_space<vmem>>[vector<16xi32>, vector<16xi32>], vector<16xi32>,
      %scan3A_79 = arith.constant 0 : i32
      scf.yield %scan3A_79 : i32
    }
    %scan3A_39 = arith.constant 1256 : i32
    %scan3A_40 = arith.constant 0 : i32
    %scan3A_41 = arith.constant 0 : i32
    %scan3A_42 = arith.constant 157 : i32
    %scan3A_43 = arith.addi %scan3A_41, %scan3A_42 : i32
    %scan3A_44 = arith.constant 1 : i32
    %scan3A_45 = scf.for %scan3A_55 = %scan3A_41 to %scan3A_43 step %scan3A_44 iter_args(%scan3A_56 = %scan3A_40) -> (i32)  : i32 {
      %mul3A_57 = arith.constant 128 : i32
      %mul3A_58 = arith.muli %scan3A_55, %mul3A_57 : i32
      %dma_start3A = tpu.memref_slice %arg7[%mul3A_58] : memref<20096xi32, #tpu.memory_space<vmem>> -> memref<128xi32, #tpu.memory_space<vmem>>
      %dma_start3A_59 = arith.constant 0 : i32
      %dma_start3A_60 = tpu.memref_slice %arg9[%scan3A_55, %dma_start3A_59] : memref<160x128xi32, #tpu.memory_space<vmem>> -> memref<1x128xi32, #tpu.memory_space<vmem>>
      %dma_start3A_61 = tpu.memref_squeeze %dma_start3A_60 : memref<1x128xi32, #tpu.memory_space<vmem>> -> memref<128xi32, #tpu.memory_space<vmem>>
      %dma_start3A_62 = arith.constant 0 : i32
      %dma_start3A_63 = tpu.memref_slice %arg4[%dma_start3A_62] : memref<321536xi32, #tpu.memory_space<hbm>> -> memref<321536xi32, #tpu.memory_space<hbm>>
      tpu.enqueue_indirect_dma source(%dma_start3A : memref<128xi32, #tpu.memory_space<vmem>>) target(%dma_start3A_63 : memref<321536xi32, #tpu.memory_space<hbm>>) offsets(%dma_start3A_61 : memref<128xi32, #tpu.memory_space<vmem>>) semaphore(%arg13 : memref<!tpu.dma_semaphore, #tpu.memory_space<semaphore_mem>>)
      %mul3A_64 = arith.constant 128 : i32
      %mul3A_65 = arith.muli %scan3A_55, %mul3A_64 : i32
      %dma_start3A_66 = tpu.memref_slice %arg8[%mul3A_65] : memref<20096xi32, #tpu.memory_space<vmem>> -> memref<128xi32, #tpu.memory_space<vmem>>
      %dma_start3A_67 = arith.constant 0 : i32
      %dma_start3A_68 = tpu.memref_slice %arg9[%scan3A_55, %dma_start3A_67] : memref<160x128xi32, #tpu.memory_space<vmem>> -> memref<1x128xi32, #tpu.memory_space<vmem>>
      %dma_start3A_69 = tpu.memref_squeeze %dma_start3A_68 : memref<1x128xi32, #tpu.memory_space<vmem>> -> memref<128xi32, #tpu.memory_space<vmem>>
      %dma_start3A_70 = arith.constant 0 : i32
      %dma_start3A_71 = tpu.memref_slice %arg5[%dma_start3A_70] : memref<321536xi32, #tpu.memory_space<hbm>> -> memref<321536xi32, #tpu.memory_space<hbm>>
      tpu.enqueue_indirect_dma source(%dma_start3A_66 : memref<128xi32, #tpu.memory_space<vmem>>) target(%dma_start3A_71 : memref<321536xi32, #tpu.memory_space<hbm>>) offsets(%dma_start3A_69 : memref<128xi32, #tpu.memory_space<vmem>>) semaphore(%arg13 : memref<!tpu.dma_semaphore, #tpu.memory_space<semaphore_mem>>)
      %scan3A_72 = arith.constant 0 : i32
      scf.yield %scan3A_72 : i32
    }
    %scan3A_46 = arith.constant 157 : i32
    %scan3A_47 = arith.constant 0 : i32
    %scan3A_48 = arith.constant 0 : i32
    %scan3A_49 = arith.constant 157 : i32
    %scan3A_50 = arith.addi %scan3A_48, %scan3A_49 : i32
    %scan3A_51 = arith.constant 1 : i32
    %scan3A_52 = scf.for %scan3A_55 = %scan3A_48 to %scan3A_50 step %scan3A_51 iter_args(%scan3A_56 = %scan3A_47) -> (i32)  : i32 {
      %mul3A_57 = arith.constant 128 : i32
      %mul3A_58 = arith.muli %scan3A_55, %mul3A_57 : i32
      %dma_wait3A = tpu.memref_slice %arg7[%mul3A_58] : memref<20096xi32, #tpu.memory_space<vmem>> -> memref<128xi32, #tpu.memory_space<vmem>>
      %dma_wait3A_59 = arith.constant 0 : i32
      %dma_wait3A_60 = tpu.memref_slice %arg9[%scan3A_55, %dma_wait3A_59] : memref<160x128xi32, #tpu.memory_space<vmem>> -> memref<1x128xi32, #tpu.memory_space<vmem>>
      %dma_wait3A_61 = tpu.memref_squeeze %dma_wait3A_60 : memref<1x128xi32, #tpu.memory_space<vmem>> -> memref<128xi32, #tpu.memory_space<vmem>>
      %dma_wait3A_62 = arith.constant 0 : i32
      %dma_wait3A_63 = tpu.memref_slice %arg4[%dma_wait3A_62] : memref<321536xi32, #tpu.memory_space<hbm>> -> memref<321536xi32, #tpu.memory_space<hbm>>
      tpu.wait_indirect_dma semaphore(%arg13 : memref<!tpu.dma_semaphore, #tpu.memory_space<semaphore_mem>>) src(%dma_wait3A : memref<128xi32, #tpu.memory_space<vmem>>) dst(%dma_wait3A_63 : memref<321536xi32, #tpu.memory_space<hbm>>)
      %mul3A_64 = arith.constant 128 : i32
      %mul3A_65 = arith.muli %scan3A_55, %mul3A_64 : i32
      %dma_wait3A_66 = tpu.memref_slice %arg8[%mul3A_65] : memref<20096xi32, #tpu.memory_space<vmem>> -> memref<128xi32, #tpu.memory_space<vmem>>
      %dma_wait3A_67 = arith.constant 0 : i32
      %dma_wait3A_68 = tpu.memref_slice %arg9[%scan3A_55, %dma_wait3A_67] : memref<160x128xi32, #tpu.memory_space<vmem>> -> memref<1x128xi32, #tpu.memory_space<vmem>>
      %dma_wait3A_69 = tpu.memref_squeeze %dma_wait3A_68 : memref<1x128xi32, #tpu.memory_space<vmem>> -> memref<128xi32, #tpu.memory_space<vmem>>
      %dma_wait3A_70 = arith.constant 0 : i32
      %dma_wait3A_71 = tpu.memref_slice %arg5[%dma_wait3A_70] : memref<321536xi32, #tpu.memory_space<hbm>> -> memref<321536xi32, #tpu.memory_space<hbm>>
      tpu.wait_indirect_dma semaphore(%arg13 : memref<!tpu.dma_semaphore, #tpu.memory_space<semaphore_mem>>) src(%dma_wait3A_66 : memref<128xi32, #tpu.memory_space<vmem>>) dst(%dma_wait3A_71 : memref<321536xi32, #tpu.memory_space<hbm>>)
      %scan3A_72 = arith.constant 0 : i32
      scf.yield %scan3A_72 : i32
    }
    %scan3A_53 = arith.constant 157 : i32
    %barrier3A_54 = arith.constant 0 : index
    tpu.barrier barrier_id(%barrier3A_54)
    return
  }
}

module attributes {stable_mosaic.version = 14 : i64} {
  func.func @_score_body(%arg0: i32, %arg1: memref<2000x128xf32, #tpu.memory_space<vmem>>, %arg2: memref<2000x16xf32, #tpu.memory_space<vmem>>, %arg3: memref<16x128xf32, #tpu.memory_space<vmem>>, %arg4: memref<1x1x2000xf32, #tpu.memory_space<vmem>>, %arg5: memref<1x1x2000xi32, #tpu.memory_space<vmem>>) attributes {dimension_semantics = [#tpu.dimension_semantics<arbitrary>], iteration_bounds = array<i64: 160>, scalar_prefetch = 0 : i64, scratch_operands = 0 : i64, tpu.core_type = #tpu.core_type<tc>, window_params = [{transform_indices = @transform_0, window_bounds = array<i64: 2000, 128>}, {transform_indices = @transform_1, window_bounds = array<i64: 2000, 16>}, {pipeline_mode = #tpu.pipeline_mode<synchronous>, transform_indices = @transform_2, window_bounds = array<i64: 16, 128>}, {transform_indices = @transform_3, window_bounds = array<i64: 1, 1, 2000>}, {transform_indices = @transform_4, window_bounds = array<i64: 1, 1, 2000>}]} {
    %get3A = arith.constant 0 : index
    %get3A_0 = arith.constant 0 : index
    %get3A_1 = vector.load %arg1[%get3A, %get3A_0] : memref<2000x128xf32, #tpu.memory_space<vmem>>, vector<2000x128xf32>
    %get3A_2 = arith.constant 0 : index
    %get3A_3 = arith.constant 0 : index
    %get3A_4 = vector.load %arg3[%get3A_2, %get3A_3] : memref<16x128xf32, #tpu.memory_space<vmem>>, vector<16x128xf32>
    %dot_general3A = arith.constant dense<0.000000e+00> : vector<2000x16xf32>
    %dot_general3A_5 = tpu.matmul %get3A_1, %get3A_4, %dot_general3A {dimension_numbers = #tpu.dot_dimension_numbers<[1], [1], [0], [0], [0, 0, 1, 0], [], []>, transpose_lhs_hint = false} : vector<2000x128xf32>, vector<16x128xf32>, vector<2000x16xf32> -> vector<2000x16xf32>
    %get3A_6 = arith.constant 0 : index
    %get3A_7 = arith.constant 0 : index
    %get3A_8 = vector.load %arg2[%get3A_6, %get3A_7] : memref<2000x16xf32, #tpu.memory_space<vmem>>, vector<2000x16xf32>
    %mul3A = arith.mulf %dot_general3A_5, %get3A_8 : vector<2000x16xf32>
    %slice3A = vector.extract_strided_slice %mul3A {offsets = [0, 0], sizes = [2000, 8], strides = [1, 1]} : vector<2000x16xf32> to vector<2000x8xf32>
    %slice3A_9 = vector.extract_strided_slice %mul3A {offsets = [0, 8], sizes = [2000, 8], strides = [1, 1]} : vector<2000x16xf32> to vector<2000x8xf32>
    %add3A = arith.addf %slice3A, %slice3A_9 : vector<2000x8xf32>
    %slice3A_10 = vector.extract_strided_slice %add3A {offsets = [0, 0], sizes = [2000, 4], strides = [1, 1]} : vector<2000x8xf32> to vector<2000x4xf32>
    %slice3A_11 = vector.extract_strided_slice %add3A {offsets = [0, 4], sizes = [2000, 4], strides = [1, 1]} : vector<2000x8xf32> to vector<2000x4xf32>
    %add3A_12 = arith.addf %slice3A_10, %slice3A_11 : vector<2000x4xf32>
    %slice3A_13 = vector.extract_strided_slice %add3A_12 {offsets = [0, 0], sizes = [2000, 2], strides = [1, 1]} : vector<2000x4xf32> to vector<2000x2xf32>
    %slice3A_14 = vector.extract_strided_slice %add3A_12 {offsets = [0, 2], sizes = [2000, 2], strides = [1, 1]} : vector<2000x4xf32> to vector<2000x2xf32>
    %add3A_15 = arith.addf %slice3A_13, %slice3A_14 : vector<2000x2xf32>
    %slice3A_16 = vector.extract_strided_slice %add3A_15 {offsets = [0, 0], sizes = [2000, 1], strides = [1, 1]} : vector<2000x2xf32> to vector<2000x1xf32>
    %squeeze3A = vector.shape_cast %slice3A_16 : vector<2000x1xf32> to vector<2000xf32>
    %slice3A_17 = vector.extract_strided_slice %add3A_15 {offsets = [0, 1], sizes = [2000, 1], strides = [1, 1]} : vector<2000x2xf32> to vector<2000x1xf32>
    %squeeze3A_18 = vector.shape_cast %slice3A_17 : vector<2000x1xf32> to vector<2000xf32>
    %add3A_19 = arith.addf %squeeze3A, %squeeze3A_18 : vector<2000xf32>
    %logistic3A = arith.negf %add3A_19 : vector<2000xf32>
    %logistic3A_20 = math.exp %logistic3A : vector<2000xf32>
    %logistic3A_21 = arith.constant 1.000000e+00 : f32
    %logistic3A_22 = vector.broadcast %logistic3A_21 : f32 to vector<2000xf32>
    %logistic3A_23 = arith.addf %logistic3A_22, %logistic3A_20 : vector<2000xf32>
    %logistic3A_24 = arith.divf %logistic3A_22, %logistic3A_23 : vector<2000xf32>
    %swap3A = arith.constant 0 : index
    %swap3A_25 = arith.constant 0 : index
    %swap3A_26 = arith.constant 0 : index
    %swap3A_27 = vector.load %arg4[%swap3A, %swap3A_25, %swap3A_26] : memref<1x1x2000xf32, #tpu.memory_space<vmem>>, vector<1x1x2000xf32>
    %swap3A_28 = vector.shape_cast %swap3A_27 : vector<1x1x2000xf32> to vector<2000xf32>
    %swap3A_29 = vector.shape_cast %logistic3A_24 : vector<2000xf32> to vector<1x1x2000xf32>
    tpu.vector_store %arg4[%swap3A, %swap3A_25, %swap3A_26], %swap3A_29 {strides = array<i32>} : memref<1x1x2000xf32, #tpu.memory_space<vmem>>, vector<1x1x2000xf32>,
    %bitcast_convert_type3A = tpu.bitcast %logistic3A_24 : vector<2000xf32> -> vector<2000xi32>
    %sub3A = arith.constant 1065353216 : i32
    %sub3A_30 = vector.broadcast %sub3A : i32 to vector<2000xi32>
    %sub3A_31 = arith.subi %sub3A_30, %bitcast_convert_type3A : vector<2000xi32>
    %swap3A_32 = arith.constant 0 : index
    %swap3A_33 = arith.constant 0 : index
    %swap3A_34 = arith.constant 0 : index
    %swap3A_35 = vector.load %arg5[%swap3A_32, %swap3A_33, %swap3A_34] : memref<1x1x2000xi32, #tpu.memory_space<vmem>>, vector<1x1x2000xi32>
    %swap3A_36 = vector.shape_cast %swap3A_35 : vector<1x1x2000xi32> to vector<2000xi32>
    %swap3A_37 = vector.shape_cast %sub3A_31 : vector<2000xi32> to vector<1x1x2000xi32>
    tpu.vector_store %arg5[%swap3A_32, %swap3A_33, %swap3A_34], %swap3A_37 {strides = array<i32>} : memref<1x1x2000xi32, #tpu.memory_space<vmem>>, vector<1x1x2000xi32>,
    return
  }
  func.func @transform_0(%arg0: i32) -> (i32, i32) {
    %c0_i32 = arith.constant 0 : i32
    %c0_i32_0 = arith.constant 0 : i32
    return %arg0, %c0_i32 : i32, i32
  }
  func.func @transform_1(%arg0: i32) -> (i32, i32) {
    %c0_i32 = arith.constant 0 : i32
    %c0_i32_0 = arith.constant 0 : i32
    return %arg0, %c0_i32 : i32, i32
  }
  func.func @transform_2(%arg0: i32) -> (i32, i32) {
    %c0_i32 = arith.constant 0 : i32
    %c0_i32_0 = arith.constant 0 : i32
    %c0_i32_1 = arith.constant 0 : i32
    return %c0_i32, %c0_i32_0 : i32, i32
  }
  func.func @transform_3(%arg0: i32) -> (i32, i32, i32) {
    %c0_i32 = arith.constant 0 : i32
    %c0_i32_0 = arith.constant 0 : i32
    %c0_i32_1 = arith.constant 0 : i32
    return %arg0, %c0_i32, %c0_i32_0 : i32, i32, i32
  }
  func.func @transform_4(%arg0: i32) -> (i32, i32, i32) {
    %c0_i32 = arith.constant 0 : i32
    %c0_i32_0 = arith.constant 0 : i32
    %c0_i32_1 = arith.constant 0 : i32
    return %arg0, %c0_i32, %c0_i32_0 : i32, i32, i32
  }
}

module attributes {stable_mosaic.version = 14 : i64} {
  func.func @_mask_body(%arg0: i32, %arg1: memref<1x1x2000xf32, #tpu.memory_space<vmem>>, %arg2: memref<1x1x2000xi32, #tpu.memory_space<vmem>>, %arg3: memref<1x1xi32, #tpu.memory_space<vmem>>, %arg4: memref<1x1xi32, #tpu.memory_space<vmem>>, %arg5: memref<1x1x2000xf32, #tpu.memory_space<vmem>>, %arg6: memref<1x1x2000xf32, #tpu.memory_space<vmem>>, %arg7: memref<1x1x2000xi32, #tpu.memory_space<vmem>>) attributes {dimension_semantics = [#tpu.dimension_semantics<arbitrary>], iteration_bounds = array<i64: 160>, scalar_prefetch = 0 : i64, scratch_operands = 0 : i64, tpu.core_type = #tpu.core_type<tc>, window_params = [{transform_indices = @transform_0, window_bounds = array<i64: 1, 1, 2000>}, {transform_indices = @transform_1, window_bounds = array<i64: 1, 1, 2000>}, {pipeline_mode = #tpu.pipeline_mode<synchronous>, transform_indices = @transform_2, window_bounds = array<i64: 1, 1>}, {pipeline_mode = #tpu.pipeline_mode<synchronous>, transform_indices = @transform_3, window_bounds = array<i64: 1, 1>}, {transform_indices = @transform_4, window_bounds = array<i64: 1, 1, 2000>}, {transform_indices = @transform_5, window_bounds = array<i64: 1, 1, 2000>}, {transform_indices = @transform_6, window_bounds = array<i64: 1, 1, 2000>}]} {
    %get3A = arith.constant 0 : index
    %get3A_0 = arith.constant 0 : index
    %get3A_1 = arith.constant 0 : index
    %get3A_2 = vector.load %arg1[%get3A, %get3A_0, %get3A_1] : memref<1x1x2000xf32, #tpu.memory_space<vmem>>, vector<1x1x2000xf32>
    %get3A_3 = vector.shape_cast %get3A_2 : vector<1x1x2000xf32> to vector<2000xf32>
    %get3A_4 = arith.constant 0 : index
    %get3A_5 = arith.constant 0 : index
    %get3A_6 = arith.constant 0 : index
    %get3A_7 = vector.load %arg2[%get3A_4, %get3A_5, %get3A_6] : memref<1x1x2000xi32, #tpu.memory_space<vmem>>, vector<1x1x2000xi32>
    %get3A_8 = vector.shape_cast %get3A_7 : vector<1x1x2000xi32> to vector<2000xi32>
    %get3A_9 = arith.constant 0 : index
    %get3A_10 = arith.constant 0 : index
    %get3A_11 = vector.load %arg3[%get3A_9, %get3A_10] : memref<1x1xi32, #tpu.memory_space<vmem>>, vector<1x1xi32>
    %get3A_12 = vector.extract %get3A_11[0, 0] : i32 from vector<1x1xi32>
    %get3A_13 = arith.constant 0 : index
    %get3A_14 = arith.constant 0 : index
    %get3A_15 = vector.load %arg4[%get3A_13, %get3A_14] : memref<1x1xi32, #tpu.memory_space<vmem>>, vector<1x1xi32>
    %get3A_16 = vector.extract %get3A_15[0, 0] : i32 from vector<1x1xi32>
    %iota3A = tpu.iota {dimensions = array<i32: 1>} : vector<1x2000xi32>
    %iota3A_17 = vector.shape_cast %iota3A : vector<1x2000xi32> to vector<2000xi32>
    %mul3A = arith.constant 2000 : i32
    %mul3A_18 = arith.muli %arg0, %mul3A : i32
    %add3A = vector.broadcast %mul3A_18 : i32 to vector<2000xi32>
    %add3A_19 = arith.addi %iota3A_17, %add3A : vector<2000xi32>
    %lt3A = vector.broadcast %get3A_12 : i32 to vector<2000xi32>
    %lt3A_20 = arith.cmpi slt, %get3A_8, %lt3A : vector<2000xi32>
    %eq3A = vector.broadcast %get3A_12 : i32 to vector<2000xi32>
    %eq3A_21 = arith.cmpi eq, %get3A_8, %eq3A : vector<2000xi32>
    %le3A = vector.broadcast %get3A_16 : i32 to vector<2000xi32>
    %le3A_22 = arith.cmpi sle, %add3A_19, %le3A : vector<2000xi32>
    %and3A = arith.andi %eq3A_21, %le3A_22 : vector<2000xi1>
    %or3A = arith.ori %lt3A_20, %and3A : vector<2000xi1>
    %jit3A = arith.constant 1.000000e+00 : f32
    %jit3A_23 = arith.constant 0.000000e+00 : f32
    %broadcast_in_dim3A = vector.broadcast %jit3A : f32 to vector<2000xf32>
    %broadcast_in_dim3A_24 = vector.broadcast %jit3A_23 : f32 to vector<2000xf32>
    %select_n3A = arith.select %or3A, %broadcast_in_dim3A, %broadcast_in_dim3A_24 : vector<2000xi1>, vector<2000xf32>
    %sub3A = arith.subf %select_n3A, %get3A_3 : vector<2000xf32>
    %add3A_25 = arith.addf %sub3A, %get3A_3 : vector<2000xf32>
    %swap3A = arith.constant 0 : index
    %swap3A_26 = arith.constant 0 : index
    %swap3A_27 = arith.constant 0 : index
    %swap3A_28 = vector.load %arg5[%swap3A, %swap3A_26, %swap3A_27] : memref<1x1x2000xf32, #tpu.memory_space<vmem>>, vector<1x1x2000xf32>
    %swap3A_29 = vector.shape_cast %swap3A_28 : vector<1x1x2000xf32> to vector<2000xf32>
    %swap3A_30 = vector.shape_cast %select_n3A : vector<2000xf32> to vector<1x1x2000xf32>
    tpu.vector_store %arg5[%swap3A, %swap3A_26, %swap3A_27], %swap3A_30 {strides = array<i32>} : memref<1x1x2000xf32, #tpu.memory_space<vmem>>, vector<1x1x2000xf32>,
    %swap3A_31 = arith.constant 0 : index
    %swap3A_32 = arith.constant 0 : index
    %swap3A_33 = arith.constant 0 : index
    %swap3A_34 = vector.load %arg6[%swap3A_31, %swap3A_32, %swap3A_33] : memref<1x1x2000xf32, #tpu.memory_space<vmem>>, vector<1x1x2000xf32>
    %swap3A_35 = vector.shape_cast %swap3A_34 : vector<1x1x2000xf32> to vector<2000xf32>
    %swap3A_36 = vector.shape_cast %add3A_25 : vector<2000xf32> to vector<1x1x2000xf32>
    tpu.vector_store %arg6[%swap3A_31, %swap3A_32, %swap3A_33], %swap3A_36 {strides = array<i32>} : memref<1x1x2000xf32, #tpu.memory_space<vmem>>, vector<1x1x2000xf32>,
    %gt3A = arith.constant 0.000000e+00 : f32
    %gt3A_37 = vector.broadcast %gt3A : f32 to vector<2000xf32>
    %gt3A_38 = arith.cmpf ogt, %add3A_25, %gt3A_37 : vector<2000xf32>
    %swap3A_39 = arith.constant 0 : index
    %swap3A_40 = arith.constant 0 : index
    %swap3A_41 = arith.constant 0 : index
    %swap3A_42 = vector.load %arg7[%swap3A_39, %swap3A_40, %swap3A_41] : memref<1x1x2000xi32, #tpu.memory_space<vmem>>, vector<1x1x2000xi32>
    %swap3A_43 = arith.extui %gt3A_38 : vector<2000xi1> to vector<2000xi32>
    %swap3A_44 = vector.shape_cast %swap3A_42 : vector<1x1x2000xi32> to vector<2000xi32>
    %swap3A_45 = vector.shape_cast %swap3A_43 : vector<2000xi32> to vector<1x1x2000xi32>
    %swap3A_46 = arith.constant dense<0> : vector<2000xi32>
    %swap3A_47 = arith.cmpi ne, %swap3A_44, %swap3A_46 : vector<2000xi32>
    tpu.vector_store %arg7[%swap3A_39, %swap3A_40, %swap3A_41], %swap3A_45 {strides = array<i32>} : memref<1x1x2000xi32, #tpu.memory_space<vmem>>, vector<1x1x2000xi32>,
    return
  }
  func.func @transform_0(%arg0: i32) -> (i32, i32, i32) {
    %c0_i32 = arith.constant 0 : i32
    %c0_i32_0 = arith.constant 0 : i32
    %c0_i32_1 = arith.constant 0 : i32
    return %arg0, %c0_i32, %c0_i32_0 : i32, i32, i32
  }
  func.func @transform_1(%arg0: i32) -> (i32, i32, i32) {
    %c0_i32 = arith.constant 0 : i32
    %c0_i32_0 = arith.constant 0 : i32
    %c0_i32_1 = arith.constant 0 : i32
    return %arg0, %c0_i32, %c0_i32_0 : i32, i32, i32
  }
  func.func @transform_2(%arg0: i32) -> (i32, i32) {
    %c0_i32 = arith.constant 0 : i32
    %c0_i32_0 = arith.constant 0 : i32
    %c0_i32_1 = arith.constant 0 : i32
    return %c0_i32, %c0_i32_0 : i32, i32
  }
  func.func @transform_3(%arg0: i32) -> (i32, i32) {
    %c0_i32 = arith.constant 0 : i32
    %c0_i32_0 = arith.constant 0 : i32
    %c0_i32_1 = arith.constant 0 : i32
    return %c0_i32, %c0_i32_0 : i32, i32
  }
  func.func @transform_4(%arg0: i32) -> (i32, i32, i32) {
    %c0_i32 = arith.constant 0 : i32
    %c0_i32_0 = arith.constant 0 : i32
    %c0_i32_1 = arith.constant 0 : i32
    return %arg0, %c0_i32, %c0_i32_0 : i32, i32, i32
  }
  func.func @transform_5(%arg0: i32) -> (i32, i32, i32) {
    %c0_i32 = arith.constant 0 : i32
    %c0_i32_0 = arith.constant 0 : i32
    %c0_i32_1 = arith.constant 0 : i32
    return %arg0, %c0_i32, %c0_i32_0 : i32, i32, i32
  }
  func.func @transform_6(%arg0: i32) -> (i32, i32, i32) {
    %c0_i32 = arith.constant 0 : i32
    %c0_i32_0 = arith.constant 0 : i32
    %c0_i32_1 = arith.constant 0 : i32
    return %arg0, %c0_i32, %c0_i32_0 : i32, i32, i32
  }
}

</mosaic_0001>

<sc_bundles>
// kernel: kernel.11.cloned.1.call-start
scs
__scs_entry_jumppad:
0x0: {  	(pc) =	sbr.rel $0x88, $3  }
0x1: {  	(tag) =	ssettag $0x0;
	lr =	simm.s32 $0x1  }
0x2: {  	[smem:$0x3F9D] =	sst lr;
	_ =	strace $0xD0000000  }
0x3: {  	_ = 	snop  }
0x4: {  	_ = 	snop  }
0x5: {  	_ = 	snop  }
0x6: {  	_ = 	snop  }
0x7: {  	_ = 	snop  }
__scs_overlays_trampoline_lowered:
0x8: {  	[smem:$0x3FAC] =	sst s0  }
0x9: {  	[smem:$0x3FAD] =	sst s1  }
0xa: {  	[smem:$0x3FAE] =	sst s2  }
0xb: {  	[smem:$0x3FAF] =	sst s3  }
0xc: {  	[smem:$0x3FB0] =	sst s4  }
0xd: {  	[smem:$0x3FB1] =	sst s5  }
0xe: {  	[smem:$0x3FB2] =	sst s6  }
0xf: {  	[smem:$0x3FB3] =	sst s7  }
0x10: {  	[smem:$0x3FB4] =	sst s8  }
0x11: {  	[smem:$0x3FB5] =	sst s9;
	s0 =	simm.s32 @!p0 $0x0  }
0x12: {  	s1 =	sld [smem:$0x3F9B];
	s0 =	simm.s32 @p0 $0x1  }
0x13: {  	[smem:$0x3FB6] =	sst s0;
	s0 =	simm.s32 @!p1 $0x0  }
0x14: {  	s2 =	sld [smem:$0x3F9A];
	s0 =	simm.s32 @p1 $0x1  }
0x15: {  	[smem:$0x3FB7] =	sst s0;
	s0 =	simm.s32 @!p2 $0x0  }
0x16: {  	s3 =	sld [smem:$0x3FDB];
	s0 =	simm.s32 @p2 $0x1  }
0x17: {  	s4 =	simm.s32 $0x1BF5;
	[smem:$0x3FB9] =	sst s0  }
0x18: {  	s0 =	sld [smem:$0x3F9C];
	_ =	swait.ge [sflag:s4], $0x0  }
0x19: {  	s7 =	sld [smem:$0x3F9D]  }
0x1a: {  	s8 =	sadd.s32 $0xFFFFE003, lr  }
0x1b: {  	s9 =	sadd.s32 $0xFFFFFEF7, lr;
	s5 =	simm.s32 $0xFFFFFFFF;
	p2 =	slt.u32 s8, $0xFFFFF086  }
0x1c: {  	p1 =	slt.u32 s9, $0xF7A;
	s5 =	simm.s32 @!p2 $0x0  }
0x1d: {  	s5 =	simm.s32 @p1 $0x1;
	p0 =	seq.s32 s7, s2  }
0x1e: {  	s7 =	smul.u32 @!p0 $0xF7A, s2;
	p2 =	seq.s32 @!p0 s5, $0x0  }
0x1f: {  	s9 =	smul.u32 $0xF7A, s1;
	s8 =	simm.s32 @!p0 $0x1BF5;
	p2 =	por !p2, p0  }
0x20: {  	[sflag:s8] =	ssyncset.s32 @!p0 $0xFFFFF086;
	s6 =	sadd.s32 @!p0 s3, s7;
	s7 =	simm.s32 @!p0 $0x108  }
0x21: {  	s3 =	sadd.s32 s3, s9;
	s6 =	sadd.s32 @!p0 $0x88, s6;
	s7 =	simm.s32 @p2 $0x1082  }
0x22: {  	[simem:s7], [sflag:s8] =	dma.local @!p0 [hbm:s6], $0xF7A  }
0x23: {  	s9 =	sor.u32 $0xD0000000, s2;
	s6 =	simm.s32 $0x108;
	_ =	swait.ge @!p0 [sflag:s8], $0x0  }
0x24: {  	s3 =	sadd.s32 $0x88, s3;
	s6 =	simm.s32 @!p1 $0x1082;
	[sflag:s4] =	ssyncset.s32 $0xFFFFF086  }
0x25: {  	[simem:s6], [sflag:s4] =	dma.local [hbm:s3], $0xF7A  }
0x26: {  	[smem:$0x3F9D] =	sst s1;
	(tag) =	ssettag s2;
	_ =	strace s9  }
0x27: {  	s1 =	sld [smem:$0x3FAD]  }
0x28: {  	s2 =	sld [smem:$0x3FAE]  }
0x29: {  	s4 =	sld [smem:$0x3FB0]  }
0x2a: {  	p0 =	seq.s32 s5, $0x0;
	s5 =	sld [smem:$0x3FB1]  }
0x2b: {  	s6 =	sld [smem:$0x3FB2]  }
0x2c: {  	s7 =	sld [smem:$0x3FB3]  }
0x2d: {  	s3 =	simm.s32 $0x108;
	s8 =	sld [smem:$0x3FB4]  }
0x2e: {  	s3 =	simm.s32 @!p0 $0x1082;
	s9 =	sld [smem:$0x3FB5]  }
0x2f: {  	lr =	sadd.s32 s0, s3;
	s0 =	sld [smem:$0x3FAC]  }
0x30: {  	s3 =	sld [smem:$0x3FAF]  }
0x31: {  	[smem:$0x3FB8] =	sst s10  }
0x32: {  	s10 =	sld [smem:$0x3FB6];
	_ =	sdelay $0x3  }
0x33: {  	p0 =	seq.s32 s10, $0x1;
	s10 =	sld [smem:$0x3FB8];
	_ =	sdelay $0x3  }
0x34: {  	[smem:$0x3FB8] =	sst s10  }
0x35: {  	s10 =	sld [smem:$0x3FB7];
	_ =	sdelay $0x3  }
0x36: {  	p1 =	seq.s32 s10, $0x1;
	s10 =	sld [smem:$0x3FB8];
	_ =	sdelay $0x3  }
0x37: {  	[smem:$0x3FB8] =	sst s10  }
0x38: {  	s10 =	sld [smem:$0x3FB9]  }
0x39: {  	_ = 	snop;
	(pc) =	sbr.ind lr, $3  }
0x3a: {  	_ = 	snop  }
0x3b: {  	_ = 	snop  }
0x3c: {  	p2 =	seq.s32 s10, $0x1;
	s10 =	sld [smem:$0x3FB8]  }
0x3d: {  	_ =	shalt  }
0x3e: {  	_ =	shalt  }
0x3f: {  	_ =	shalt  }
0x40: {  	_ =	shalt  }
0x41: {  	_ =	shalt  }
0x42: {  	_ =	shalt  }
0x43: {  	_ =	shalt  }
0x44: {  	_ =	shalt  }
0x45: {  	_ =	shalt  }
0x46: {  	_ =	shalt  }
0x47: {  	_ =	shalt  }
0x48: {  	_ =	shalt  }
0x49: {  	_ =	shalt  }
0x4a: {  	_ =	shalt  }
0x4b: {  	_ =	shalt  }
0x4c: {  	_ =	shalt  }
0x4d: {  	_ =	shalt  }
0x4e: {  	_ =	shalt  }
0x4f: {  	_ =	shalt  }
0x50: {  	_ =	shalt  }
0x51: {  	_ =	shalt  }
0x52: {  	_ =	shalt  }
0x53: {  	_ =	shalt  }
0x54: {  	_ =	shalt  }
0x55: {  	_ =	shalt  }
0x56: {  	_ =	shalt  }
0x57: {  	_ =	shalt  }
0x58: {  	_ =	shalt  }
0x59: {  	_ =	shalt  }
0x5a: {  	_ =	shalt  }
0x5b: {  	_ =	shalt  }
0x5c: {  	_ =	shalt  }
0x5d: {  	_ =	shalt  }
0x5e: {  	_ =	shalt  }
0x5f: {  	_ =	shalt  }
0x60: {  	_ =	shalt  }
0x61: {  	_ =	shalt  }
0x62: {  	_ =	shalt  }
0x63: {  	_ =	shalt  }
0x64: {  	_ =	shalt  }
0x65: {  	_ =	shalt  }
0x66: {  	_ =	shalt  }
0x67: {  	_ =	shalt  }
0x68: {  	_ =	shalt  }
0x69: {  	_ =	shalt  }
0x6a: {  	_ =	shalt  }
0x6b: {  	_ =	shalt  }
0x6c: {  	_ =	shalt  }
0x6d: {  	_ =	shalt  }
0x6e: {  	_ =	shalt  }
0x6f: {  	_ =	shalt  }
0x70: {  	_ =	shalt  }
0x71: {  	_ =	shalt  }
0x72: {  	_ =	shalt  }
0x73: {  	_ =	shalt  }
0x74: {  	_ =	shalt  }
0x75: {  	_ =	shalt  }
0x76: {  	_ =	shalt  }
0x77: {  	_ =	shalt  }
0x78: {  	_ =	shalt  }
0x79: {  	_ =	shalt  }
0x7a: {  	_ =	shalt  }
0x7b: {  	_ =	shalt  }
0x7c: {  	_ =	shalt  }
0x7d: {  	_ =	shalt  }
0x7e: {  	_ =	shalt  }
0x7f: {  	_ =	shalt  }
0x80: {  	_ =	shalt  }
0x81: {  	_ =	shalt  }
0x82: {  	_ =	shalt  }
0x83: {  	_ =	shalt  }
0x84: {  	_ =	shalt  }
0x85: {  	_ =	shalt  }
0x86: {  	_ =	shalt  }
0x87: {  	_ =	shalt  }
.Lfunc_end0:
.L_simem_size_0:
called_computation.1_lowered:
.L_overlay_start_0:
0x88: {  	s0 =	sld [smem:$0x3FD9]  }
0x89: {  	s1 =	sld [smem:$0x3FFE];
	_ =	sdelay $0x3  }
0x8a: {  	s0 =	sadd.s32 s1, s0  }
0x8b: {  	[smem:$0x3FC4] =	sst s0  }
0x8c: {  	_ = 	snop  }
0x8d: {  	(tm) =	ssettm $0x1  }
0x8e: {  	s15 =	sld [smem:$0x3FFB];
	_ =	sdelay $0x3  }
0x8f: {  	_ =	strace s15  }
0x90: {  	s0 =	sld [smem:$0x3FFC];
	_ =	sdelay $0x3  }
0x91: {  	_ =	strace s0  }
0x92: {  	s0 =	sld [smem:$0x3FFD];
	_ =	sdelay $0x3  }
0x93: {  	_ =	strace s0  }
0x94: {  	_ =	strace $0x8FFFFFFF  }
0x95: {  	s16 =	sld [smem:$0x3FDB];
	_ =	sdelay $0x1  }
0x96: {  	s17 =	simm.s32 $_scs_section_size  }
0x97: {  	s2 =	simm.s32 $_size__tile_overlayer_lowered;
	s3 =	simm.s32 $_tile_overlayer_lowered  }
0x98: {  	s20 =	simm.s32 $0x1BFF;
	s19 =	sshll.u32 s3, $0x1;
	s0 =	sadd.s32 s17, s16  }
0x99: {  	s4 =	simm.s32 $0x0;
	s18 =	sshll.u32 s2, $0x1;
	s2 =	sadd.s32 s19, s0  }
0x9a: {  	[timem:s4], [sflag:s20] =	dma.local [hbm:s2], s18  }
0x9b: {  	_ =	swait.ge [sflag:s20], s18  }
0x9c: {  	s1 =	ssub.s32 $0x0, s18;
	[sflag:s20] =	ssyncset.done $0x0  }
0x9d: {  	[sflag:s20] =	ssyncadd.s32 s1;
	_ =	sdelay $0x1  }
0x9e: {  	s21 =	simm.s32 $0x1B8B  }
0x9f: {  	_ =	swait.ge [sflag:s21], $0x1  }
0xa0: {  	[sflag:s21] =	ssyncset.done $0x0  }
0xa1: {  	s23 =	simm.s32 $0x1B8E;
	s22 =	sld [smem:$0x3FFE];
	[sflag:s21] =	ssyncadd.s32 $0xFFFFFFFF  }
0xa2: {  	s24 =	simm.s32 $execute0_lowered;
	[smem:$0x3FD2] =	sst s23  }
0xa3: {  	s2 =	sshll.u32 s24, $0x1;
	_ =	strace $0x80000049;
	[dreg:$0x1] =	wrdreg $0xFFFFFFFF  }
0xa4: {  	s25 =	simm.s32 $_size_execute0_lowered;
	s0 =	sadd.s32 s0, s2;
	[dreg:$0x0] =	wrdreg $0x0  }
0xa5: {  	s2 =	sshll.u32 s25, $0x1;
	[dreg:$0x2] =	wrdreg s0  }
0xa6: {  	[dreg:$0x3] =	wrdreg s2  }
0xa7: {  	[dreg:$0x4] =	wrdreg $0xC0  }
0xa8: {  	_ =	task [dreg:s4], $0x5FFFF  }
0xa9: {  	[dreg:$0x1] =	wrdreg $0xFFFFFFFF  }
0xaa: {  	[dreg:$0x0] =	wrdreg $0x60  }
0xab: {  	[dreg:$0x2] =	wrdreg s22  }
0xac: {  	[dreg:$0x3] =	wrdreg $0x0  }
0xad: {  	[dreg:$0x4] =	wrdreg $0x9  }
0xae: {  	_ =	task.clear_ibuf [dreg:s4], $0x5FFFF;
	_ =	strace $0x90000049  }
0xaf: {  	s26 =	simm.s32 $0x9;
	_ =	strace $0x8000004B  }
0xb0: {  	_ =	swait.ge [sflag:s26], $0x1  }
0xb1: {  	[sflag:s26] =	ssyncadd.s32 $0xFFFFFFFF  }
0xb2: {  	_ =	strace $0x9000004B  }
0xb3: {  	_ =	sfence  }
0xb4: {  	s28 =	sld [smem:$0x0];
	_ =	sdelay $0x1  }
0xb5: {  	s29 =	srdreg.scid  }
0xb6: {  	s30 =	sshll.u32 s29, $0xD;
	s31 =	sshrl.u32 s29, $0x2  }
0xb7: {  	s1 =	sand.u32 $0x1, s29;
	s2 =	sand.u32 $0x4000, s30;
	s0 =	sadd.s32 s31, s28  }
0xb8: {  	s1 =	sor.u32 s2, s1;
	s0 =	sshll.u32 s0, $0x11  }
0xb9: {  	s0 =	sor.u32 s0, s1  }
0xba: {  	s0 =	sadd.s32 $0x8F2B, s0  }
0xbb: {  	[sflag:s0] =	ssyncadd.remote.s32 $0x1  }
0xbc: {  	_ =	sfence.sel $0xFFFF  }
0xbd: {  	[dreg:$0x0] =	wrdreg $0xFFFFFFFF;
	(pc) =	sbr.abs _section_cstart, $3  }
0xbe: {  	[dreg:$0x1] =	wrdreg $0xFFFFFFFF  }
0xbf: {  	_ =	task.clear_ibuf [dreg:s4], $0x2FFFF;
	_ =	strace $0x9FFFFFFF  }
0xc0: {  	(tm) =	ssettm $0x7FFFFFFF  }
0xc1: {  	_ =	shalt  }
tec
execute0_lowered:
.L_overlay_start_1:
0x0: {  	(tag) =	ssettag $0x1  }
0x1: {  	s0 =	stileid.u32  }
0x2: {  	s3 =	rddreg [dreg:$0x0];
	s4 =	smul.u32 $0x4E80, s0  }
0x3: {  	s5 =	rddreg [dreg:$0x1]  }
0x4: {  	s1 =	rddreg [dreg:$0x2];
	s6 =	simm.s32 $0x0;
	s2 =	sshrl.u32 s4, $0x3  }
0x5: {  	s7 =	simm.s32 $0x400;
	[smem:$0x7FF] =	sst s6;
	s2 =	sadd.s32 s2, s3  }
0x6: {  	s31 =	simm.s32 $0x2;
	_ =	strace $0x8000004A;
	s2 =	sadd.s32 $0x600, s2  }
0x7: {  	[tilespmem:s7], [sflag:$0x2] =	stream.linear.gather [hbm4b:s2+s6], $0x4E80, $0x38;
	[tilespmem:$0x17500] =	vst v63  }
0x8: {  	_ =	swait.ge [sflag:s31], $0x4E80  }
0x9: {  	s2 =	sadd.s32 $0xA400, s3;
	[sflag:s31] =	ssyncset.done $0x0  }
0xa: {  	v0 =	vimm.s32 $0x0;
	s3 =	sadd.s32 $0x14200, s3;
	s7 =	simm.s32 $0x0;
	[sflag:s31] =	ssyncadd.s32 $0xFFFFB180  }
.LBB2_1:
0xb: {  	p0 =	sne.s32 s7, $0xFFC0  }
.Ltmp0:
0xc: {  	_ = 	snop;
	(pc) =	sbr.rel @p0 .LBB2_1-.Ltmp0, $3  }
0xd: {  	_ =	sdelay $0x1  }
0xe: {  	s8 =	sshra.s32 s7, $0x2  }
0xf: {  	s7 =	sadd.s32 $0x40, s7;
	[tilespmem:s8+$0xF100] =	vst v0  }
0x10: {  	v1 =	vlaneseq.u32  }
0x11: {  	v0 =	vmul.u32 $0x4E8, v1  }
0x12: {  	s7 =	simm.s32 $0x400;
	v2 =	vimm.s32 $0x1;
	s9 =	simm.s32 $0xF100;
	v1 =	vmul.u32 $0x400, v1  }
.LBB2_3:
0x13: {  	v3 =	vadd.s32 s6, v0;
	_ =	sdelay $0x4  }
0x14: {  	v3 =	vld.idx.msk [tilespmem:v3+s7+$0x0], $0xffff;
	_ =	sdelay $0x4  }
0x15: {  	v3 =	vand.u32 $0x3FF, v3  }
0x16: {  	p0 =	sne.s32 s6, $0x4E7;
	v3 =	vor.u32 v1, v3  }
.Ltmp1:
0x17: {  	_ = 	snop;
	(pc) =	sbr.rel @p0 .LBB2_3-.Ltmp1, $2  }
0x18: {  	_ =	sdelay $0x2  }
0x19: {  	s6 =	sadd.s32 $0x1, s6;
	[tilespmem:v3+s9+$0x0] =	vst.idx.add.s32.msk $0xffff, v2  }
0x1a: {  	s7 =	simm.s32 $0x0  }
0x1b: {  	s8 =	sand.u32 $0x3F0, s7  }
0x1c: {  	v0 =	vlaneseq.u32;
	s6 =	simm.s32 $0x17100;
	s10 =	simm.s32 $0x10;
	v1 =	vld [tilespmem:s8+$0xF500]  }
.LBB2_5:
0x1d: {  	p0 =	sne.s32 s10, $0x3F0;
	v2 =	vld [tilespmem:s9+$0x0]  }
0x1e: {  	v3 =	vld [tilespmem:s8+$0xF900]  }
0x1f: {  	v4 =	vld [tilespmem:s8+$0xFD00]  }
0x20: {  	v5 =	vld [tilespmem:s8+$0x10100]  }
0x21: {  	v6 =	vld [tilespmem:s8+$0x10500]  }
0x22: {  	v1 =	vadd.s32 v2, v1;
	v2 =	vld [tilespmem:s8+$0x10900]  }
0x23: {  	v1 =	vadd.s32 v3, v1;
	v3 =	vld [tilespmem:s8+$0x10D00]  }
0x24: {  	v1 =	vadd.s32 v4, v1;
	v4 =	vld [tilespmem:s8+$0x11100]  }
0x25: {  	v1 =	vadd.s32 v5, v1;
	v5 =	vld [tilespmem:s8+$0x11500]  }
0x26: {  	v1 =	vadd.s32 v6, v1;
	v6 =	vld [tilespmem:s8+$0x11900]  }
0x27: {  	v1 =	vadd.s32 v2, v1;
	v2 =	vld [tilespmem:s8+$0x11D00]  }
0x28: {  	v1 =	vadd.s32 v3, v1;
	v3 =	vld [tilespmem:s8+$0x12100]  }
0x29: {  	v1 =	vadd.s32 v4, v1;
	v4 =	vld [tilespmem:s8+$0x12500]  }
0x2a: {  	v1 =	vadd.s32 v5, v1;
	v5 =	vld [tilespmem:s8+$0x12900]  }
0x2b: {  	v1 =	vadd.s32 v6, v1;
	v6 =	vld [tilespmem:s8+$0x12D00]  }
0x2c: {  	v1 =	vadd.s32 v2, v1;
	v2 =	vor.u32 s7, v0;
	s7 =	smov.u32 s10  }
0x2d: {  	v1 =	vadd.s32 v3, v1  }
.Ltmp2:
0x2e: {  	v1 =	vadd.s32 v4, v1;
	(pc) =	sbr.rel @p0 .LBB2_5-.Ltmp2, $4  }
0x2f: {  	v1 =	vadd.s32 v5, v1  }
0x30: {  	v1 =	vadd.s32 v6, v1  }
0x31: {  	s8 =	sand.u32 $0x3F0, s10;
	[tilespmem:v2+s6+$0x0] =	vst.idx.msk $0xffff, v1  }
0x32: {  	s9 =	sadd.s32 $0x10, s9;
	s10 =	sadd.s32 $0x10, s10;
	v1 =	vld [tilespmem:s8+$0xF500]  }
0x33: {  	v2 =	vld [tilespmem:s9+$0x0]  }
0x34: {  	v3 =	vld [tilespmem:s8+$0xF900]  }
0x35: {  	v4 =	vld [tilespmem:s8+$0xFD00]  }
0x36: {  	v5 =	vld [tilespmem:s8+$0x10100]  }
0x37: {  	v6 =	vld [tilespmem:s8+$0x10500]  }
0x38: {  	v1 =	vadd.s32 v2, v1;
	v2 =	vld [tilespmem:s8+$0x10900]  }
0x39: {  	v1 =	vadd.s32 v3, v1;
	v3 =	vld [tilespmem:s8+$0x10D00]  }
0x3a: {  	v57 =	vld [tilespmem:s8+$0x11100];
	v1 =	vadd.s32 v4, v1  }
0x3b: {  	v58 =	vld [tilespmem:s8+$0x11500];
	v1 =	vadd.s32 v5, v1  }
0x3c: {  	v59 =	vld [tilespmem:s8+$0x11900];
	v1 =	vadd.s32 v6, v1  }
0x3d: {  	v1 =	vadd.s32 v2, v1;
	v2 =	vld [tilespmem:s8+$0x11D00]  }
0x3e: {  	v1 =	vadd.s32 v3, v1;
	v3 =	vld [tilespmem:s8+$0x12100]  }
0x3f: {  	v60 =	vld [tilespmem:s8+$0x12500];
	v1 =	vadd.s32 v57, v1  }
0x40: {  	v61 =	vld [tilespmem:s8+$0x12900];
	v1 =	vadd.s32 v58, v1  }
0x41: {  	v62 =	vld [tilespmem:s8+$0x12D00];
	v1 =	vadd.s32 v59, v1  }
0x42: {  	v0 =	vor.u32 s7, v0;
	v1 =	vadd.s32 v2, v1  }
0x43: {  	v1 =	vadd.s32 v3, v1  }
0x44: {  	v1 =	vadd.s32 v60, v1  }
0x45: {  	v1 =	vadd.s32 v61, v1  }
0x46: {  	s18 =	sshll.u32 s0, $0xA;
	s20 =	simm.s32 $0x17100;
	v1 =	vadd.s32 v62, v1  }
0x47: {  	s21 =	simm.s32 $0x2;
	s22 =	simm.s32 $0x0;
	s19 =	sadd.s32 s18, s5;
	[tilespmem:v0+s6+$0x0] =	vst.idx.msk $0xffff, v1  }
0x48: {  	v1 =	vlaneseq.u32;
	[spmem:s19] =	stream.linear.scatter [tilespmem:s20], [sflag:$0x2], $0x400, $0x38;
	[tilespmem:$0x17500] =	vst v63  }
0x49: {  	v2 =	vmov s22;
	v0 =	vmul.u32 $0x400, v1;
	_ =	swait.ge [sflag:s21], $0x400  }
0x4a: {  	s23 =	simm.s32 $0x0;
	v2 =	vshll.u32 v2, $0x7;
	[sflag:s21] =	ssyncset.done $0x0  }
0x4b: {  	s24 =	sand.u32 $0x7F, s23;
	v2 =	vadd.s32 v0, v2;
	[sflag:s21] =	ssyncadd.s32 $0xFFFFFC00  }
0x4c: {  	s6 =	simm.s32 $0xA100;
	v2 =	vor.u32 s24, v2;
	[bflag:$0x0] =	sbarrier.arrive $0xFFFF  }
0x4d: {  	[tilespmem:s6], [sflag:$0x2] =	stream.linear.gather [spmem:s5], $0x4000, $0x38;
	[tilespmem:$0x17500] =	vst v63  }
0x4e: {  	_ =	swait.ge [sflag:s21], $0x4000  }
0x4f: {  	[sflag:s21] =	ssyncset.done $0x0  }
0x50: {  	[sflag:s21] =	ssyncadd.s32 $0xFFFFC000  }
0x51: {  	v2 =	vld.idx.msk [tilespmem:v2+s6+$0x0], $0xffff;
	_ =	sdelay $0x4  }
0x52: {  	(xrf0) =	vadd.scan.msk.s32 $0xffff, v2;
	_ =	sdelay $0x5  }
0x53: {  	v3 =	vmov s0;
	v63, _, _ =	vpop (xrf0)  }
0x54: {  	vm0 =	veq.s32 v3, v1;
	v1 =	vsub.s32 v63, v2  }
0x55: {  	v1 =	vnsel vm0, $0x0, v1  }
0x56: {  	(xrf0) =	vadd.scan.msk.s32 $0xffff, v1;
	_ =	sdelay $0x5  }
0x57: {  	(v2sf) =	vpush v63, $0xF;
	v1 =	vor.u32 s23, v0;
	v2, _, _ =	vpop (xrf0)  }
0x58: {  	(v2sf) =	vpush v2, $0xF;
	_ =	sdelay $0x2  }
0x59: {  	s5 =	simm.s32 $0xF100  }
0x5a: {  	v1 =	vld.idx.msk [tilespmem:v1+s5+$0x0], $0xffff;
	_ =	sdelay $0x4  }
0x5b: {  	(xrf0) =	vadd.scan.msk.s32 $0xffff, v1  }
0x5c: {  	s25 =	simm.s32 $0x0  }
0x5d: {  	v2 =	vmov s25  }
0x5e: {  	s26 =	simm.s32 $0x1;
	v2 =	vshll.u32 v2, $0x7  }
0x5f: {  	s28 =	sand.u32 $0x7F, s26;
	v2 =	vadd.s32 v0, v2  }
0x60: {  	v2 =	vor.u32 s28, v2;
	s29 =	spop (v2sf)  }
0x61: {  	v3, _, _ =	vpop (xrf0);
	s30 =	spop (v2sf)  }
0x62: {  	v1 =	vsub.s32 v3, v1;
	s10 =	sadd.s32 $0x0, s30  }
0x63: {  	s8 =	simm.s32 $0x13100;
	v1 =	vadd.s32 s10, v1  }
0x64: {  	[tilespmem:s8+$0x0] =	vst v1  }
0x65: {  	v1 =	vld.idx.msk [tilespmem:v2+s6+$0x0], $0xffff;
	_ =	sdelay $0x4  }
0x66: {  	(xrf0) =	vadd.scan.msk.s32 $0xffff, v1;
	_ =	sdelay $0x5  }
0x67: {  	v2, _, _ =	vpop (xrf0)  }
0x68: {  	(v2sf) =	vpush v2, $0xF;
	_ =	sdelay $0x5  }
0x69: {  	v1 =	vsub.s32 v2, v1  }
0x6a: {  	v1 =	vnsel vm0, $0x0, v1  }
0x6b: {  	(xrf0) =	vadd.scan.msk.s32 $0xffff, v1;
	_ =	sdelay $0x5  }
0x6c: {  	v3 =	vor.u32 s26, v0;
	v2, _, _ =	vpop (xrf0)  }
0x6d: {  	s31 =	spop (v2sf);
	(v2sf) =	vpush v2, $0xF;
	_ =	sdelay $0x3  }
0x6e: {  	v1 =	vld.idx.msk [tilespmem:v3+s5+$0x0], $0xffff;
	_ =	sdelay $0x4  }
0x6f: {  	s9 =	simm.s32 $0x2;
	s10 =	sadd.s32 $0x0, s29;
	(xrf0) =	vadd.scan.msk.s32 $0xffff, v1  }
0x70: {  	s12 =	simm.s32 $0x0;
	s11 =	simm.s32 $0x3;
	s7 =	sadd.s32 s10, s31  }
.LBB2_7:
0x71: {  	p0 =	sne.s32 s11, $0x3FF;
	v2 =	vmov s12  }
0x72: {  	v2 =	vshll.u32 v2, $0x7  }
0x73: {  	s12 =	sand.u32 $0x7F, s9;
	v2 =	vadd.s32 v0, v2  }
0x74: {  	v2 =	vor.u32 s12, v2  }
0x75: {  	s12 =	spop (v2sf);
	v3, _, _ =	vpop (xrf0)  }
0x76: {  	v1 =	vsub.s32 v3, v1;
	s12 =	sadd.s32 s10, s12;
	s10 =	smov.u32 s7  }
0x77: {  	s8 =	sadd.s32 $0x10, s8;
	v1 =	vadd.s32 s12, v1  }
0x78: {  	[tilespmem:s8+$0x0] =	vst v1  }
0x79: {  	v1 =	vld.idx.msk [tilespmem:v2+s6+$0x0], $0xffff;
	_ =	sdelay $0x5  }
0x7a: {  	(xrf0) =	vadd.scan.msk.s32 $0xffff, v1;
	_ =	sdelay $0x5  }
0x7b: {  	v2, _, _ =	vpop (xrf0)  }
0x7c: {  	v1 =	vsub.s32 v2, v1;
	(v2sf) =	vpush v2, $0xF  }
0x7d: {  	v1 =	vnsel vm0, $0x0, v1  }
0x7e: {  	(xrf0) =	vadd.scan.msk.s32 $0xffff, v1;
	_ =	sdelay $0x4  }
0x7f: {  	v1 =	vor.u32 s9, v0;
	s9 =	smov.u32 s11  }
0x80: {  	v2, _, _ =	vpop (xrf0)  }
0x81: {  	(v2sf) =	vpush v2, $0xF;
	_ =	sdelay $0x2  }
0x82: {  	v1 =	vld.idx.msk [tilespmem:v1+s5+$0x0], $0xffff;
	_ =	sdelay $0x2  }
.Ltmp3:
0x83: {  	s12 =	spop (v2sf);
	(pc) =	sbr.rel @p0 .LBB2_7-.Ltmp3, $3  }
0x84: {  	s7 =	sadd.s32 s7, s12;
	_ =	sdelay $0x1  }
0x85: {  	(xrf0) =	vadd.scan.msk.s32 $0xffff, v1  }
0x86: {  	s11 =	sadd.s32 $0x1, s11;
	s12 =	sshrl.u32 s9, $0x7  }
0x87: {  	v2 =	vmov s12  }
0x88: {  	v2 =	vshll.u32 v2, $0x7  }
0x89: {  	s11 =	sand.u32 $0x7F, s9;
	v2 =	vadd.s32 v0, v2  }
0x8a: {  	v2 =	vor.u32 s11, v2  }
0x8b: {  	s29 =	spop (v2sf);
	v3, _, _ =	vpop (xrf0)  }
0x8c: {  	v1 =	vsub.s32 v3, v1;
	s10 =	sadd.s32 s10, s29  }
0x8d: {  	s8 =	sadd.s32 $0x10, s8;
	v1 =	vadd.s32 s10, v1  }
0x8e: {  	[tilespmem:s8+$0x0] =	vst v1  }
0x8f: {  	v1 =	vld.idx.msk [tilespmem:v2+s6+$0x0], $0xffff;
	_ =	sdelay $0x4  }
0x90: {  	(xrf0) =	vadd.scan.msk.s32 $0xffff, v1;
	_ =	sdelay $0x5  }
0x91: {  	v2, _, _ =	vpop (xrf0)  }
0x92: {  	v1 =	vsub.s32 v2, v1  }
0x93: {  	v1 =	vnsel vm0, $0x0, v1  }
0x94: {  	(xrf0) =	vadd.scan.msk.s32 $0xffff, v1;
	_ =	sdelay $0x5  }
0x95: {  	v0 =	vor.u32 s9, v0;
	(v2sf) =	vpush v2, $0xF;
	v1, _, _ =	vpop (xrf0)  }
0x96: {  	(v2sf) =	vpush v1, $0xF;
	_ =	sdelay $0x3  }
0x97: {  	v0 =	vld.idx.msk [tilespmem:v0+s5+$0x0], $0xffff;
	_ =	sdelay $0x4  }
0x98: {  	(xrf0) =	vadd.scan.msk.s32 $0xffff, v0;
	_ =	sdelay $0x4  }
0x99: {  	s30 =	spop (v2sf)  }
0x9a: {  	v1, _, _ =	vpop (xrf0);
	s5 =	spop (v2sf)  }
0x9b: {  	v0 =	vsub.s32 v1, v0;
	s5 =	sadd.s32 s7, s5  }
0x9c: {  	v1 =	vadd.s32 s5, v0;
	v0 =	vlaneseq.u32  }
0x9d: {  	s31 =	sadd.s32 $0x10, s8;
	s8 =	simm.s32 $0x5280;
	s6 =	simm.s32 $0x400;
	v2 =	vmul.u32 $0x4E8, v0  }
0x9e: {  	s7 =	simm.s32 $0xA100;
	s5 =	simm.s32 $0x0;
	[tilespmem:s31+$0x0] =	vst v1;
	v1 =	vmov s4;
	s4 =	simm.s32 $0x13100  }
.LBB2_9:
0x9f: {  	v3 =	vadd.s32 s5, v2;
	_ =	sdelay $0x4  }
0xa0: {  	v4 =	vld.idx.msk [tilespmem:v3+s6+$0x0], $0xffff;
	_ =	sdelay $0x4  }
0xa1: {  	v4 =	vshll.u32 v4, $0x4  }
0xa2: {  	v4 =	vor.u32 v0, v4  }
0xa3: {  	v4 =	vand.u32 $0x3FFF, v4;
	_ =	sdelay $0x4  }
0xa4: {  	v5 =	vld.idx.msk [tilespmem:v4+s4+$0x0], $0xffff;
	_ =	sdelay $0x2  }
0xa5: {  	p0 =	sne.s32 s5, $0x4E7  }
.Ltmp4:
0xa6: {  	_ = 	snop;
	(pc) =	sbr.rel @p0 .LBB2_9-.Ltmp4, $4  }
0xa7: {  	v6 =	vadd.s32 $0x1, v5  }
0xa8: {  	[tilespmem:v4+s4+$0x0] =	vst.idx.msk $0xffff, v6  }
0xa9: {  	v63 =	vadd.s32 v1, v3;
	[tilespmem:v3+s7+$0x0] =	vst.idx.msk $0xffff, v5  }
0xaa: {  	s5 =	sadd.s32 $0x1, s5;
	[tilespmem:v3+s8+$0x0] =	vst.idx.msk $0xffff, v63  }
0xab: {  	s4 =	simm.s32 $0x80;
	s5 =	simm.s32 $0x400;
	s6 =	simm.s32 $0xA100  }
0xac: {  	[hbm4b:s2+s4] =	stream.indirect.scatter [tilespmem:s5], [sflag:$0x1], $0x1, s6, s4, $0xb8;
	[tilespmem:$0x17500] =	vst v63  }
0xad: {  	s7 =	simm.s32 $0x5280;
	s5 =	simm.s32 $0x200  }
.LBB2_11:
0xae: {  	[hbm4b:s3+s4] =	stream.indirect.scatter [tilespmem:s7], [sflag:$0x1], $0x1, s6, s4, $0xb8;
	[tilespmem:$0x17500] =	vst v63  }
0xaf: {  	s6 =	smov.u32 s5;
	p0 =	sne.s32 s5, $0x13800  }
.Ltmp5:
0xb0: {  	s5 =	sadd.s32 $0x200, s5;
	(pc) =	sbr.rel @p0 .LBB2_11-.Ltmp5, $4  }
0xb1: {  	s7 =	sshra.s32 s6, $0x2  }
0xb2: {  	s8 =	sadd.s32 $0x400, s7;
	s6 =	sadd.s32 $0xA100, s7  }
0xb3: {  	[hbm4b:s2+s4] =	stream.indirect.scatter [tilespmem:s8], [sflag:$0x1], $0x1, s6, s4, $0xb8;
	[tilespmem:$0x17500] =	vst v63  }
0xb4: {  	s7 =	sadd.s32 $0x5280, s7  }
0xb5: {  	[hbm4b:s3+s4] =	stream.indirect.scatter [tilespmem:s7], [sflag:$0x1], $0x1, s6, s4, $0xb8;
	[tilespmem:$0x17500] =	vst v63  }
0xb6: {  	s2 =	simm.s32 $0x1  }
0xb7: {  	_ =	swait.ge [sflag:s2], $0x80  }
0xb8: {  	[sflag:s2] =	ssyncset.done $0x0  }
0xb9: {  	[sflag:s2] =	ssyncadd.s32 $0xFFFFFF80  }
0xba: {  	_ =	swait.ge [sflag:s2], $0x80  }
0xbb: {  	s3 =	simm.s32 $0x9C;
	[sflag:s2] =	ssyncset.done $0x0  }
.LBB2_13:
0xbc: {  	p0 =	sne.s32 s3, $0x1;
	s3 =	sadd.s32 $0xFFFFFFFF, s3;
	[sflag:s2] =	ssyncadd.s32 $0xFFFFFF80  }
.Ltmp6:
0xbd: {  	_ =	swait.ge [sflag:s2], $0x80;
	(pc) =	sbr.rel @p0 .LBB2_13-.Ltmp6, $4  }
0xbe: {  	[sflag:s2] =	ssyncset.done $0x0  }
0xbf: {  	[sflag:s2] =	ssyncadd.s32 $0xFFFFFF80  }
0xc0: {  	_ =	swait.ge [sflag:s2], $0x80  }
0xc1: {  	[sflag:s2] =	ssyncset.done $0x0  }
0xc2: {  	[sflag:s2] =	ssyncadd.s32 $0xFFFFFF80  }
0xc3: {  	[bflag:$0x0] =	sbarrier.arrive $0xFFFF  }
0xc4: {  	_ =	sfence.sel $0x180000  }
0xc5: {  	[bflag:$0x0] =	sbarrier.arrive $0xFFFF  }
0xc6: {  	p0 =	sne.s32 s0, $0x0;
	_ =	strace $0x9000004A  }
0xc7: {  	s0 =	sadd.s32 @!p0 $0x100000, s1;
	[bflag:$0x2] =	sbarrier.arrive $0xFFFF  }
0xc8: {  	[sflag:s0] =	ssyncadd.tile.s32 @!p0 $0x1;
	_ =	shalt  }
.Lfunc_end2:
_tile_overlayer_lowered:
.L_overlay_start_2:
0xc9: {  	(tag) =	ssettag $0x2  }
0xca: {  	s0 =	rddreg [dreg:$0x0];
	s2 =	stileid.u32  }
0xcb: {  	s1 =	rddreg [dreg:$0x1];
	p0 =	sne.s32 s2, $0x0  }
0xcc: {  	s3 =	rddreg [dreg:$0x2];
	[bflag:$0x3] =	sbarrier.arrive $0xFFFF;
	s2 =	simm.s32 @!p0 $0x1C02  }
0xcd: {  	[timem:s3], [sflag:s2] =	dma.local @!p0 [hbm:s0], s1  }
0xce: {  	s0 =	simm.s32 @!p0 $0x2  }
0xcf: {  	_ =	swait.ge @!p0 [sflag:s0], s1  }
0xd0: {  	s1 =	ssub.s32 @!p0 $0x0, s1;
	[sflag:s0] =	ssyncset.done @!p0 $0x0  }
0xd1: {  	[sflag:s0] =	ssyncadd.s32 @!p0 s1  }
0xd2: {  	[bflag:$0x3] =	sbarrier.arrive $0xFFFF  }
0xd3: {  	_ =	shalt  }

// kernel: kernel.14.cloned.1.call-start
scs
__scs_entry_jumppad:
0x0: {  	(pc) =	sbr.rel $0x88, $3  }
0x1: {  	(tag) =	ssettag $0x0;
	lr =	simm.s32 $0x1  }
0x2: {  	[smem:$0x3F9D] =	sst lr;
	_ =	strace $0xD0000000  }
0x3: {  	_ = 	snop  }
0x4: {  	_ = 	snop  }
0x5: {  	_ = 	snop  }
0x6: {  	_ = 	snop  }
0x7: {  	_ = 	snop  }
__scs_overlays_trampoline_lowered:
0x8: {  	[smem:$0x3FAC] =	sst s0  }
0x9: {  	[smem:$0x3FAD] =	sst s1  }
0xa: {  	[smem:$0x3FAE] =	sst s2  }
0xb: {  	[smem:$0x3FAF] =	sst s3  }
0xc: {  	[smem:$0x3FB0] =	sst s4  }
0xd: {  	[smem:$0x3FB1] =	sst s5  }
0xe: {  	[smem:$0x3FB2] =	sst s6  }
0xf: {  	[smem:$0x3FB3] =	sst s7  }
0x10: {  	[smem:$0x3FB4] =	sst s8  }
0x11: {  	[smem:$0x3FB5] =	sst s9;
	s0 =	simm.s32 @!p0 $0x0  }
0x12: {  	s1 =	sld [smem:$0x3F9B];
	s0 =	simm.s32 @p0 $0x1  }
0x13: {  	[smem:$0x3FB6] =	sst s0;
	s0 =	simm.s32 @!p1 $0x0  }
0x14: {  	s2 =	sld [smem:$0x3F9A];
	s0 =	simm.s32 @p1 $0x1  }
0x15: {  	[smem:$0x3FB7] =	sst s0;
	s0 =	simm.s32 @!p2 $0x0  }
0x16: {  	s3 =	sld [smem:$0x3FDB];
	s0 =	simm.s32 @p2 $0x1  }
0x17: {  	s4 =	simm.s32 $0x1BF5;
	[smem:$0x3FB9] =	sst s0  }
0x18: {  	s0 =	sld [smem:$0x3F9C];
	_ =	swait.ge [sflag:s4], $0x0  }
0x19: {  	s7 =	sld [smem:$0x3F9D]  }
0x1a: {  	s8 =	sadd.s32 $0xFFFFE003, lr  }
0x1b: {  	s9 =	sadd.s32 $0xFFFFFEF7, lr;
	s5 =	simm.s32 $0xFFFFFFFF;
	p2 =	slt.u32 s8, $0xFFFFF086  }
0x1c: {  	p1 =	slt.u32 s9, $0xF7A;
	s5 =	simm.s32 @!p2 $0x0  }
0x1d: {  	s5 =	simm.s32 @p1 $0x1;
	p0 =	seq.s32 s7, s2  }
0x1e: {  	s7 =	smul.u32 @!p0 $0xF7A, s2;
	p2 =	seq.s32 @!p0 s5, $0x0  }
0x1f: {  	s9 =	smul.u32 $0xF7A, s1;
	s8 =	simm.s32 @!p0 $0x1BF5;
	p2 =	por !p2, p0  }
0x20: {  	[sflag:s8] =	ssyncset.s32 @!p0 $0xFFFFF086;
	s6 =	sadd.s32 @!p0 s3, s7;
	s7 =	simm.s32 @!p0 $0x108  }
0x21: {  	s3 =	sadd.s32 s3, s9;
	s6 =	sadd.s32 @!p0 $0x88, s6;
	s7 =	simm.s32 @p2 $0x1082  }
0x22: {  	[simem:s7], [sflag:s8] =	dma.local @!p0 [hbm:s6], $0xF7A  }
0x23: {  	s9 =	sor.u32 $0xD0000000, s2;
	s6 =	simm.s32 $0x108;
	_ =	swait.ge @!p0 [sflag:s8], $0x0  }
0x24: {  	s3 =	sadd.s32 $0x88, s3;
	s6 =	simm.s32 @!p1 $0x1082;
	[sflag:s4] =	ssyncset.s32 $0xFFFFF086  }
0x25: {  	[simem:s6], [sflag:s4] =	dma.local [hbm:s3], $0xF7A  }
0x26: {  	[smem:$0x3F9D] =	sst s1;
	(tag) =	ssettag s2;
	_ =	strace s9  }
0x27: {  	s1 =	sld [smem:$0x3FAD]  }
0x28: {  	s2 =	sld [smem:$0x3FAE]  }
0x29: {  	s4 =	sld [smem:$0x3FB0]  }
0x2a: {  	p0 =	seq.s32 s5, $0x0;
	s5 =	sld [smem:$0x3FB1]  }
0x2b: {  	s6 =	sld [smem:$0x3FB2]  }
0x2c: {  	s7 =	sld [smem:$0x3FB3]  }
0x2d: {  	s3 =	simm.s32 $0x108;
	s8 =	sld [smem:$0x3FB4]  }
0x2e: {  	s3 =	simm.s32 @!p0 $0x1082;
	s9 =	sld [smem:$0x3FB5]  }
0x2f: {  	lr =	sadd.s32 s0, s3;
	s0 =	sld [smem:$0x3FAC]  }
0x30: {  	s3 =	sld [smem:$0x3FAF]  }
0x31: {  	[smem:$0x3FB8] =	sst s10  }
0x32: {  	s10 =	sld [smem:$0x3FB6];
	_ =	sdelay $0x3  }
0x33: {  	p0 =	seq.s32 s10, $0x1;
	s10 =	sld [smem:$0x3FB8];
	_ =	sdelay $0x3  }
0x34: {  	[smem:$0x3FB8] =	sst s10  }
0x35: {  	s10 =	sld [smem:$0x3FB7];
	_ =	sdelay $0x3  }
0x36: {  	p1 =	seq.s32 s10, $0x1;
	s10 =	sld [smem:$0x3FB8];
	_ =	sdelay $0x3  }
0x37: {  	[smem:$0x3FB8] =	sst s10  }
0x38: {  	s10 =	sld [smem:$0x3FB9]  }
0x39: {  	_ = 	snop;
	(pc) =	sbr.ind lr, $3  }
0x3a: {  	_ = 	snop  }
0x3b: {  	_ = 	snop  }
0x3c: {  	p2 =	seq.s32 s10, $0x1;
	s10 =	sld [smem:$0x3FB8]  }
0x3d: {  	_ =	shalt  }
0x3e: {  	_ =	shalt  }
0x3f: {  	_ =	shalt  }
0x40: {  	_ =	shalt  }
0x41: {  	_ =	shalt  }
0x42: {  	_ =	shalt  }
0x43: {  	_ =	shalt  }
0x44: {  	_ =	shalt  }
0x45: {  	_ =	shalt  }
0x46: {  	_ =	shalt  }
0x47: {  	_ =	shalt  }
0x48: {  	_ =	shalt  }
0x49: {  	_ =	shalt  }
0x4a: {  	_ =	shalt  }
0x4b: {  	_ =	shalt  }
0x4c: {  	_ =	shalt  }
0x4d: {  	_ =	shalt  }
0x4e: {  	_ =	shalt  }
0x4f: {  	_ =	shalt  }
0x50: {  	_ =	shalt  }
0x51: {  	_ =	shalt  }
0x52: {  	_ =	shalt  }
0x53: {  	_ =	shalt  }
0x54: {  	_ =	shalt  }
0x55: {  	_ =	shalt  }
0x56: {  	_ =	shalt  }
0x57: {  	_ =	shalt  }
0x58: {  	_ =	shalt  }
0x59: {  	_ =	shalt  }
0x5a: {  	_ =	shalt  }
0x5b: {  	_ =	shalt  }
0x5c: {  	_ =	shalt  }
0x5d: {  	_ =	shalt  }
0x5e: {  	_ =	shalt  }
0x5f: {  	_ =	shalt  }
0x60: {  	_ =	shalt  }
0x61: {  	_ =	shalt  }
0x62: {  	_ =	shalt  }
0x63: {  	_ =	shalt  }
0x64: {  	_ =	shalt  }
0x65: {  	_ =	shalt  }
0x66: {  	_ =	shalt  }
0x67: {  	_ =	shalt  }
0x68: {  	_ =	shalt  }
0x69: {  	_ =	shalt  }
0x6a: {  	_ =	shalt  }
0x6b: {  	_ =	shalt  }
0x6c: {  	_ =	shalt  }
0x6d: {  	_ =	shalt  }
0x6e: {  	_ =	shalt  }
0x6f: {  	_ =	shalt  }
0x70: {  	_ =	shalt  }
0x71: {  	_ =	shalt  }
0x72: {  	_ =	shalt  }
0x73: {  	_ =	shalt  }
0x74: {  	_ =	shalt  }
0x75: {  	_ =	shalt  }
0x76: {  	_ =	shalt  }
0x77: {  	_ =	shalt  }
0x78: {  	_ =	shalt  }
0x79: {  	_ =	shalt  }
0x7a: {  	_ =	shalt  }
0x7b: {  	_ =	shalt  }
0x7c: {  	_ =	shalt  }
0x7d: {  	_ =	shalt  }
0x7e: {  	_ =	shalt  }
0x7f: {  	_ =	shalt  }
0x80: {  	_ =	shalt  }
0x81: {  	_ =	shalt  }
0x82: {  	_ =	shalt  }
0x83: {  	_ =	shalt  }
0x84: {  	_ =	shalt  }
0x85: {  	_ =	shalt  }
0x86: {  	_ =	shalt  }
0x87: {  	_ =	shalt  }
.Lfunc_end0:
.L_simem_size_0:
called_computation.2_lowered:
.L_overlay_start_0:
0x88: {  	s0 =	sld [smem:$0x3FD9]  }
0x89: {  	s1 =	sld [smem:$0x3FFE];
	_ =	sdelay $0x3  }
0x8a: {  	s0 =	sadd.s32 s1, s0  }
0x8b: {  	[smem:$0x3FC4] =	sst s0  }
0x8c: {  	_ = 	snop  }
0x8d: {  	(tm) =	ssettm $0x1  }
0x8e: {  	s15 =	sld [smem:$0x3FFB];
	_ =	sdelay $0x3  }
0x8f: {  	_ =	strace s15  }
0x90: {  	s0 =	sld [smem:$0x3FFC];
	_ =	sdelay $0x3  }
0x91: {  	_ =	strace s0  }
0x92: {  	s0 =	sld [smem:$0x3FFD];
	_ =	sdelay $0x3  }
0x93: {  	_ =	strace s0  }
0x94: {  	_ =	strace $0x8FFFFFFF  }
0x95: {  	s16 =	sld [smem:$0x3FDB];
	_ =	sdelay $0x1  }
0x96: {  	s17 =	simm.s32 $_scs_section_size  }
0x97: {  	s2 =	simm.s32 $_size__tile_overlayer_lowered;
	s3 =	simm.s32 $_tile_overlayer_lowered  }
0x98: {  	s20 =	simm.s32 $0x1BFF;
	s19 =	sshll.u32 s3, $0x1;
	s0 =	sadd.s32 s17, s16  }
0x99: {  	s4 =	simm.s32 $0x0;
	s18 =	sshll.u32 s2, $0x1;
	s2 =	sadd.s32 s19, s0  }
0x9a: {  	[timem:s4], [sflag:s20] =	dma.local [hbm:s2], s18  }
0x9b: {  	_ =	swait.ge [sflag:s20], s18  }
0x9c: {  	s1 =	ssub.s32 $0x0, s18;
	[sflag:s20] =	ssyncset.done $0x0  }
0x9d: {  	[sflag:s20] =	ssyncadd.s32 s1;
	_ =	sdelay $0x1  }
0x9e: {  	s21 =	simm.s32 $0x1B8B  }
0x9f: {  	_ =	swait.ge [sflag:s21], $0x1  }
0xa0: {  	[sflag:s21] =	ssyncset.done $0x0  }
0xa1: {  	s23 =	simm.s32 $0x1B8E;
	s22 =	sld [smem:$0x3FFE];
	[sflag:s21] =	ssyncadd.s32 $0xFFFFFFFF  }
0xa2: {  	s24 =	simm.s32 $execute0_lowered;
	[smem:$0x3FD2] =	sst s23  }
0xa3: {  	s2 =	sshll.u32 s24, $0x1;
	_ =	strace $0x8000004C;
	[dreg:$0x1] =	wrdreg $0xFFFFFFFF  }
0xa4: {  	s25 =	simm.s32 $_size_execute0_lowered;
	s0 =	sadd.s32 s0, s2;
	[dreg:$0x0] =	wrdreg $0x0  }
0xa5: {  	s2 =	sshll.u32 s25, $0x1;
	[dreg:$0x2] =	wrdreg s0  }
0xa6: {  	[dreg:$0x3] =	wrdreg s2  }
0xa7: {  	[dreg:$0x4] =	wrdreg $0xC0  }
0xa8: {  	_ =	task [dreg:s4], $0x5FFFF  }
0xa9: {  	[dreg:$0x1] =	wrdreg $0xFFFFFFFF  }
0xaa: {  	[dreg:$0x0] =	wrdreg $0x60  }
0xab: {  	[dreg:$0x2] =	wrdreg s22  }
0xac: {  	[dreg:$0x3] =	wrdreg $0x0  }
0xad: {  	[dreg:$0x4] =	wrdreg $0x9  }
0xae: {  	_ =	task.clear_ibuf [dreg:s4], $0x5FFFF;
	_ =	strace $0x9000004C  }
0xaf: {  	s26 =	simm.s32 $0x9;
	_ =	strace $0x8000004E  }
0xb0: {  	_ =	swait.ge [sflag:s26], $0x1  }
0xb1: {  	[sflag:s26] =	ssyncadd.s32 $0xFFFFFFFF  }
0xb2: {  	_ =	strace $0x9000004E  }
0xb3: {  	_ =	sfence  }
0xb4: {  	s28 =	sld [smem:$0x0];
	_ =	sdelay $0x1  }
0xb5: {  	s29 =	srdreg.scid  }
0xb6: {  	s30 =	sshll.u32 s29, $0xD;
	s31 =	sshrl.u32 s29, $0x2  }
0xb7: {  	s1 =	sand.u32 $0x1, s29;
	s2 =	sand.u32 $0x4000, s30;
	s0 =	sadd.s32 s31, s28  }
0xb8: {  	s1 =	sor.u32 s2, s1;
	s0 =	sshll.u32 s0, $0x11  }
0xb9: {  	s0 =	sor.u32 s0, s1  }
0xba: {  	s0 =	sadd.s32 $0x8F2B, s0  }
0xbb: {  	[sflag:s0] =	ssyncadd.remote.s32 $0x1  }
0xbc: {  	_ =	sfence.sel $0xFFFF  }
0xbd: {  	[dreg:$0x0] =	wrdreg $0xFFFFFFFF;
	(pc) =	sbr.abs _section_cstart, $3  }
0xbe: {  	[dreg:$0x1] =	wrdreg $0xFFFFFFFF  }
0xbf: {  	_ =	task.clear_ibuf [dreg:s4], $0x2FFFF;
	_ =	strace $0x9FFFFFFF  }
0xc0: {  	(tm) =	ssettm $0x7FFFFFFF  }
0xc1: {  	_ =	shalt  }
tec
execute0_lowered:
.L_overlay_start_1:
0x0: {  	(tag) =	ssettag $0x1  }
0x1: {  	s3 =	rddreg [dreg:$0x0];
	s0 =	stileid.u32  }
0x2: {  	s5 =	rddreg [dreg:$0x1];
	s2 =	smul.u32 $0x9D0, s0  }
0x3: {  	s1 =	rddreg [dreg:$0x2];
	s4 =	simm.s32 $0x0  }
0x4: {  	s7 =	simm.s32 $0x400;
	[smem:$0x7FF] =	sst s4;
	s2 =	sadd.s32 s2, s3  }
0x5: {  	s30 =	simm.s32 $0x2;
	_ =	strace $0x8000004D;
	s6 =	sadd.s32 $0xA400, s2  }
0x6: {  	[tilespmem:s7], [sflag:$0x2] =	stream.linear.gather [hbm4b:s6+s4], $0x4E80, $0x38;
	[tilespmem:$0x17500] =	vst v63  }
0x7: {  	_ =	swait.ge [sflag:s30], $0x4E80  }
0x8: {  	[sflag:s30] =	ssyncset.done $0x0  }
0x9: {  	s31 =	simm.s32 $0x5280;
	s2 =	sadd.s32 $0x14200, s2;
	[sflag:s30] =	ssyncadd.s32 $0xFFFFB180  }
0xa: {  	[tilespmem:s31], [sflag:$0x2] =	stream.linear.gather [hbm4b:s2+s4], $0x4E80, $0x38;
	[tilespmem:$0x17500] =	vst v63  }
0xb: {  	_ =	swait.ge [sflag:s30], $0x4E80  }
0xc: {  	s6 =	simm.s32 $0x0;
	[sflag:s30] =	ssyncset.done $0x0  }
0xd: {  	v0 =	vimm.s32 $0x0;
	s2 =	sadd.s32 $0x600, s3;
	s3 =	sadd.s32 $0x1E000, s3;
	[sflag:s30] =	ssyncadd.s32 $0xFFFFB180  }
.LBB2_1:
0xe: {  	p0 =	sne.s32 s6, $0xFFC0  }
.Ltmp0:
0xf: {  	_ = 	snop;
	(pc) =	sbr.rel @p0 .LBB2_1-.Ltmp0, $3  }
0x10: {  	_ =	sdelay $0x1  }
0x11: {  	s7 =	sshra.s32 s6, $0x2  }
0x12: {  	s6 =	sadd.s32 $0x40, s6;
	[tilespmem:s7+$0xF100] =	vst v0  }
0x13: {  	v1 =	vlaneseq.u32  }
0x14: {  	v0 =	vmul.u32 $0x4E8, v1  }
0x15: {  	s6 =	simm.s32 $0x400;
	v2 =	vimm.s32 $0x1;
	s8 =	simm.s32 $0xF100;
	v1 =	vmul.u32 $0x400, v1  }
.LBB2_3:
0x16: {  	v3 =	vadd.s32 s4, v0;
	_ =	sdelay $0x4  }
0x17: {  	v3 =	vld.idx.msk [tilespmem:v3+s6+$0x0], $0xffff;
	_ =	sdelay $0x4  }
0x18: {  	v3 =	vshrl.u32 v3, $0xA  }
0x19: {  	v3 =	vand.u32 $0x3FF, v3  }
0x1a: {  	p0 =	sne.s32 s4, $0x4E7;
	v3 =	vor.u32 v1, v3  }
.Ltmp1:
0x1b: {  	_ = 	snop;
	(pc) =	sbr.rel @p0 .LBB2_3-.Ltmp1, $2  }
0x1c: {  	_ =	sdelay $0x2  }
0x1d: {  	s4 =	sadd.s32 $0x1, s4;
	[tilespmem:v3+s8+$0x0] =	vst.idx.add.s32.msk $0xffff, v2  }
0x1e: {  	s6 =	simm.s32 $0x0  }
0x1f: {  	s7 =	sand.u32 $0x3F0, s6  }
0x20: {  	v0 =	vlaneseq.u32;
	s4 =	simm.s32 $0x17100;
	s9 =	simm.s32 $0x10;
	v1 =	vld [tilespmem:s7+$0xF500]  }
.LBB2_5:
0x21: {  	p0 =	sne.s32 s9, $0x3F0;
	v2 =	vld [tilespmem:s8+$0x0]  }
0x22: {  	v3 =	vld [tilespmem:s7+$0xF900]  }
0x23: {  	v4 =	vld [tilespmem:s7+$0xFD00]  }
0x24: {  	v5 =	vld [tilespmem:s7+$0x10100]  }
0x25: {  	v6 =	vld [tilespmem:s7+$0x10500]  }
0x26: {  	v1 =	vadd.s32 v2, v1;
	v2 =	vld [tilespmem:s7+$0x10900]  }
0x27: {  	v1 =	vadd.s32 v3, v1;
	v3 =	vld [tilespmem:s7+$0x10D00]  }
0x28: {  	v1 =	vadd.s32 v4, v1;
	v4 =	vld [tilespmem:s7+$0x11100]  }
0x29: {  	v1 =	vadd.s32 v5, v1;
	v5 =	vld [tilespmem:s7+$0x11500]  }
0x2a: {  	v1 =	vadd.s32 v6, v1;
	v6 =	vld [tilespmem:s7+$0x11900]  }
0x2b: {  	v1 =	vadd.s32 v2, v1;
	v2 =	vld [tilespmem:s7+$0x11D00]  }
0x2c: {  	v1 =	vadd.s32 v3, v1;
	v3 =	vld [tilespmem:s7+$0x12100]  }
0x2d: {  	v1 =	vadd.s32 v4, v1;
	v4 =	vld [tilespmem:s7+$0x12500]  }
0x2e: {  	v1 =	vadd.s32 v5, v1;
	v5 =	vld [tilespmem:s7+$0x12900]  }
0x2f: {  	v1 =	vadd.s32 v6, v1;
	v6 =	vld [tilespmem:s7+$0x12D00]  }
0x30: {  	v1 =	vadd.s32 v2, v1;
	v2 =	vor.u32 s6, v0;
	s6 =	smov.u32 s9  }
0x31: {  	v1 =	vadd.s32 v3, v1  }
.Ltmp2:
0x32: {  	v1 =	vadd.s32 v4, v1;
	(pc) =	sbr.rel @p0 .LBB2_5-.Ltmp2, $4  }
0x33: {  	v1 =	vadd.s32 v5, v1  }
0x34: {  	v1 =	vadd.s32 v6, v1  }
0x35: {  	s7 =	sand.u32 $0x3F0, s9;
	[tilespmem:v2+s4+$0x0] =	vst.idx.msk $0xffff, v1  }
0x36: {  	s8 =	sadd.s32 $0x10, s8;
	s9 =	sadd.s32 $0x10, s9;
	v1 =	vld [tilespmem:s7+$0xF500]  }
0x37: {  	v2 =	vld [tilespmem:s8+$0x0]  }
0x38: {  	v3 =	vld [tilespmem:s7+$0xF900]  }
0x39: {  	v4 =	vld [tilespmem:s7+$0xFD00]  }
0x3a: {  	v5 =	vld [tilespmem:s7+$0x10100]  }
0x3b: {  	v6 =	vld [tilespmem:s7+$0x10500]  }
0x3c: {  	v1 =	vadd.s32 v2, v1;
	v2 =	vld [tilespmem:s7+$0x10900]  }
0x3d: {  	v1 =	vadd.s32 v3, v1;
	v3 =	vld [tilespmem:s7+$0x10D00]  }
0x3e: {  	v57 =	vld [tilespmem:s7+$0x11100];
	v1 =	vadd.s32 v4, v1  }
0x3f: {  	v58 =	vld [tilespmem:s7+$0x11500];
	v1 =	vadd.s32 v5, v1  }
0x40: {  	v59 =	vld [tilespmem:s7+$0x11900];
	v1 =	vadd.s32 v6, v1  }
0x41: {  	v1 =	vadd.s32 v2, v1;
	v2 =	vld [tilespmem:s7+$0x11D00]  }
0x42: {  	v1 =	vadd.s32 v3, v1;
	v3 =	vld [tilespmem:s7+$0x12100]  }
0x43: {  	v60 =	vld [tilespmem:s7+$0x12500];
	v1 =	vadd.s32 v57, v1  }
0x44: {  	v61 =	vld [tilespmem:s7+$0x12900];
	v1 =	vadd.s32 v58, v1  }
0x45: {  	v62 =	vld [tilespmem:s7+$0x12D00];
	v1 =	vadd.s32 v59, v1  }
0x46: {  	v0 =	vor.u32 s6, v0;
	v1 =	vadd.s32 v2, v1  }
0x47: {  	v1 =	vadd.s32 v3, v1  }
0x48: {  	v1 =	vadd.s32 v60, v1  }
0x49: {  	v1 =	vadd.s32 v61, v1  }
0x4a: {  	s20 =	sshll.u32 s0, $0xA;
	s22 =	simm.s32 $0x17100;
	v1 =	vadd.s32 v62, v1  }
0x4b: {  	s23 =	simm.s32 $0x2;
	s24 =	simm.s32 $0x0;
	s21 =	sadd.s32 s20, s5;
	[tilespmem:v0+s4+$0x0] =	vst.idx.msk $0xffff, v1  }
0x4c: {  	v1 =	vlaneseq.u32;
	[spmem:s21] =	stream.linear.scatter [tilespmem:s22], [sflag:$0x2], $0x400, $0x38;
	[tilespmem:$0x17500] =	vst v63  }
0x4d: {  	v2 =	vmov s24;
	v0 =	vmul.u32 $0x400, v1;
	_ =	swait.ge [sflag:s23], $0x400  }
0x4e: {  	v2 =	vshll.u32 v2, $0x7;
	s4 =	simm.s32 $0x0;
	[sflag:s23] =	ssyncset.done $0x0  }
0x4f: {  	s25 =	sand.u32 $0x7F, s4;
	v2 =	vadd.s32 v0, v2;
	[sflag:s23] =	ssyncadd.s32 $0xFFFFFC00  }
0x50: {  	s6 =	simm.s32 $0xA100;
	v2 =	vor.u32 s25, v2;
	[bflag:$0x0] =	sbarrier.arrive $0xFFFF  }
0x51: {  	[tilespmem:s6], [sflag:$0x2] =	stream.linear.gather [spmem:s5], $0x4000, $0x38;
	[tilespmem:$0x17500] =	vst v63  }
0x52: {  	_ =	swait.ge [sflag:s23], $0x4000  }
0x53: {  	[sflag:s23] =	ssyncset.done $0x0  }
0x54: {  	[sflag:s23] =	ssyncadd.s32 $0xFFFFC000  }
0x55: {  	v2 =	vld.idx.msk [tilespmem:v2+s6+$0x0], $0xffff;
	_ =	sdelay $0x4  }
0x56: {  	(xrf0) =	vadd.scan.msk.s32 $0xffff, v2;
	_ =	sdelay $0x5  }
0x57: {  	v3 =	vmov s0;
	v63, _, _ =	vpop (xrf0)  }
0x58: {  	vm0 =	veq.s32 v3, v1;
	v1 =	vsub.s32 v63, v2  }
0x59: {  	v1 =	vnsel vm0, $0x0, v1  }
0x5a: {  	(xrf0) =	vadd.scan.msk.s32 $0xffff, v1;
	_ =	sdelay $0x5  }
0x5b: {  	(v2sf) =	vpush v63, $0xF;
	v1 =	vor.u32 s4, v0;
	v2, _, _ =	vpop (xrf0)  }
0x5c: {  	(v2sf) =	vpush v2, $0xF;
	_ =	sdelay $0x2  }
0x5d: {  	s5 =	simm.s32 $0xF100  }
0x5e: {  	v1 =	vld.idx.msk [tilespmem:v1+s5+$0x0], $0xffff;
	_ =	sdelay $0x4  }
0x5f: {  	(xrf0) =	vadd.scan.msk.s32 $0xffff, v1  }
0x60: {  	s26 =	simm.s32 $0x0  }
0x61: {  	v2 =	vmov s26  }
0x62: {  	s28 =	simm.s32 $0x1;
	v2 =	vshll.u32 v2, $0x7  }
0x63: {  	s29 =	sand.u32 $0x7F, s28;
	v2 =	vadd.s32 v0, v2  }
0x64: {  	v2 =	vor.u32 s29, v2;
	s9 =	spop (v2sf)  }
0x65: {  	v3, _, _ =	vpop (xrf0);
	s30 =	spop (v2sf)  }
0x66: {  	v1 =	vsub.s32 v3, v1;
	s10 =	sadd.s32 $0x0, s30  }
0x67: {  	s8 =	simm.s32 $0x13100;
	v1 =	vadd.s32 s10, v1  }
0x68: {  	[tilespmem:s8+$0x0] =	vst v1  }
0x69: {  	v1 =	vld.idx.msk [tilespmem:v2+s6+$0x0], $0xffff;
	_ =	sdelay $0x4  }
0x6a: {  	(xrf0) =	vadd.scan.msk.s32 $0xffff, v1;
	_ =	sdelay $0x5  }
0x6b: {  	v2, _, _ =	vpop (xrf0)  }
0x6c: {  	(v2sf) =	vpush v2, $0xF;
	_ =	sdelay $0x5  }
0x6d: {  	v1 =	vsub.s32 v2, v1  }
0x6e: {  	v1 =	vnsel vm0, $0x0, v1  }
0x6f: {  	(xrf0) =	vadd.scan.msk.s32 $0xffff, v1;
	_ =	sdelay $0x5  }
0x70: {  	v3 =	vor.u32 s28, v0;
	v2, _, _ =	vpop (xrf0)  }
0x71: {  	s31 =	spop (v2sf);
	(v2sf) =	vpush v2, $0xF;
	_ =	sdelay $0x3  }
0x72: {  	v1 =	vld.idx.msk [tilespmem:v3+s5+$0x0], $0xffff;
	_ =	sdelay $0x4  }
0x73: {  	s12 =	simm.s32 $0x0;
	s10 =	sadd.s32 $0x0, s9;
	(xrf0) =	vadd.scan.msk.s32 $0xffff, v1  }
0x74: {  	s11 =	simm.s32 $0x3;
	s9 =	simm.s32 $0x2;
	s7 =	sadd.s32 s10, s31  }
.LBB2_7:
0x75: {  	p0 =	sne.s32 s11, $0x3FF;
	v2 =	vmov s12  }
0x76: {  	v2 =	vshll.u32 v2, $0x7  }
0x77: {  	s12 =	sand.u32 $0x7F, s9;
	v2 =	vadd.s32 v0, v2  }
0x78: {  	v2 =	vor.u32 s12, v2  }
0x79: {  	s12 =	spop (v2sf);
	v3, _, _ =	vpop (xrf0)  }
0x7a: {  	v1 =	vsub.s32 v3, v1;
	s12 =	sadd.s32 s10, s12;
	s10 =	smov.u32 s7  }
0x7b: {  	s8 =	sadd.s32 $0x10, s8;
	v1 =	vadd.s32 s12, v1  }
0x7c: {  	[tilespmem:s8+$0x0] =	vst v1  }
0x7d: {  	v1 =	vld.idx.msk [tilespmem:v2+s6+$0x0], $0xffff;
	_ =	sdelay $0x5  }
0x7e: {  	(xrf0) =	vadd.scan.msk.s32 $0xffff, v1;
	_ =	sdelay $0x5  }
0x7f: {  	v2, _, _ =	vpop (xrf0)  }
0x80: {  	v1 =	vsub.s32 v2, v1;
	(v2sf) =	vpush v2, $0xF  }
0x81: {  	v1 =	vnsel vm0, $0x0, v1  }
0x82: {  	(xrf0) =	vadd.scan.msk.s32 $0xffff, v1;
	_ =	sdelay $0x4  }
0x83: {  	v1 =	vor.u32 s9, v0;
	s9 =	smov.u32 s11  }
0x84: {  	v2, _, _ =	vpop (xrf0)  }
0x85: {  	(v2sf) =	vpush v2, $0xF;
	_ =	sdelay $0x2  }
0x86: {  	v1 =	vld.idx.msk [tilespmem:v1+s5+$0x0], $0xffff;
	_ =	sdelay $0x2  }
.Ltmp3:
0x87: {  	s12 =	spop (v2sf);
	(pc) =	sbr.rel @p0 .LBB2_7-.Ltmp3, $3  }
0x88: {  	s7 =	sadd.s32 s7, s12;
	_ =	sdelay $0x1  }
0x89: {  	(xrf0) =	vadd.scan.msk.s32 $0xffff, v1  }
0x8a: {  	s11 =	sadd.s32 $0x1, s11;
	s12 =	sshrl.u32 s9, $0x7  }
0x8b: {  	v2 =	vmov s12  }
0x8c: {  	v2 =	vshll.u32 v2, $0x7  }
0x8d: {  	s11 =	sand.u32 $0x7F, s9;
	v2 =	vadd.s32 v0, v2  }
0x8e: {  	v2 =	vor.u32 s11, v2  }
0x8f: {  	s29 =	spop (v2sf);
	v3, _, _ =	vpop (xrf0)  }
0x90: {  	v1 =	vsub.s32 v3, v1;
	s10 =	sadd.s32 s10, s29  }
0x91: {  	s8 =	sadd.s32 $0x10, s8;
	v1 =	vadd.s32 s10, v1  }
0x92: {  	[tilespmem:s8+$0x0] =	vst v1  }
0x93: {  	v1 =	vld.idx.msk [tilespmem:v2+s6+$0x0], $0xffff;
	_ =	sdelay $0x4  }
0x94: {  	(xrf0) =	vadd.scan.msk.s32 $0xffff, v1;
	_ =	sdelay $0x5  }
0x95: {  	v2, _, _ =	vpop (xrf0)  }
0x96: {  	v1 =	vsub.s32 v2, v1  }
0x97: {  	v1 =	vnsel vm0, $0x0, v1  }
0x98: {  	(xrf0) =	vadd.scan.msk.s32 $0xffff, v1;
	_ =	sdelay $0x5  }
0x99: {  	v0 =	vor.u32 s9, v0;
	(v2sf) =	vpush v2, $0xF;
	v1, _, _ =	vpop (xrf0)  }
0x9a: {  	(v2sf) =	vpush v1, $0xF;
	_ =	sdelay $0x3  }
0x9b: {  	v0 =	vld.idx.msk [tilespmem:v0+s5+$0x0], $0xffff;
	_ =	sdelay $0x4  }
0x9c: {  	(xrf0) =	vadd.scan.msk.s32 $0xffff, v0;
	_ =	sdelay $0x4  }
0x9d: {  	s30 =	spop (v2sf)  }
0x9e: {  	v1, _, _ =	vpop (xrf0);
	s5 =	spop (v2sf)  }
0x9f: {  	v0 =	vsub.s32 v1, v0;
	s5 =	sadd.s32 s7, s5  }
0xa0: {  	s31 =	sadd.s32 $0x10, s8;
	v1 =	vadd.s32 s5, v0;
	v0 =	vlaneseq.u32  }
0xa1: {  	[tilespmem:s31+$0x0] =	vst v1;
	v1 =	vmul.u32 $0x4E8, v0  }
0xa2: {  	s6 =	simm.s32 $0x13100;
	s7 =	simm.s32 $0xA100;
	s5 =	simm.s32 $0x400  }
.LBB2_9:
0xa3: {  	v2 =	vadd.s32 s4, v1;
	_ =	sdelay $0x4  }
0xa4: {  	v3 =	vld.idx.msk [tilespmem:v2+s5+$0x0], $0xffff;
	_ =	sdelay $0x4  }
0xa5: {  	v3 =	vshrl.u32 v3, $0x6  }
0xa6: {  	v3 =	vand.u32 $0x3FF0, v3  }
0xa7: {  	v3 =	vor.u32 v0, v3;
	_ =	sdelay $0x4  }
0xa8: {  	v4 =	vld.idx.msk [tilespmem:v3+s6+$0x0], $0xffff;
	_ =	sdelay $0x1  }
0xa9: {  	p0 =	sne.s32 s4, $0x4E7  }
.Ltmp4:
0xaa: {  	_ = 	snop;
	(pc) =	sbr.rel @p0 .LBB2_9-.Ltmp4, $4  }
0xab: {  	_ = 	snop  }
0xac: {  	v5 =	vadd.s32 $0x1, v4  }
0xad: {  	[tilespmem:v3+s6+$0x0] =	vst.idx.msk $0xffff, v5  }
0xae: {  	s4 =	sadd.s32 $0x1, s4;
	[tilespmem:v2+s7+$0x0] =	vst.idx.msk $0xffff, v4  }
0xaf: {  	s4 =	simm.s32 $0x80;
	s5 =	simm.s32 $0x400;
	s6 =	simm.s32 $0xA100  }
0xb0: {  	[hbm4b:s2+s4] =	stream.indirect.scatter [tilespmem:s5], [sflag:$0x1], $0x1, s6, s4, $0xb8;
	[tilespmem:$0x17500] =	vst v63  }
0xb1: {  	s7 =	simm.s32 $0x5280;
	s5 =	simm.s32 $0x200  }
.LBB2_11:
0xb2: {  	[hbm4b:s3+s4] =	stream.indirect.scatter [tilespmem:s7], [sflag:$0x1], $0x1, s6, s4, $0xb8;
	[tilespmem:$0x17500] =	vst v63  }
0xb3: {  	s6 =	smov.u32 s5;
	p0 =	sne.s32 s5, $0x13800  }
.Ltmp5:
0xb4: {  	s5 =	sadd.s32 $0x200, s5;
	(pc) =	sbr.rel @p0 .LBB2_11-.Ltmp5, $4  }
0xb5: {  	s7 =	sshra.s32 s6, $0x2  }
0xb6: {  	s8 =	sadd.s32 $0x400, s7;
	s6 =	sadd.s32 $0xA100, s7  }
0xb7: {  	[hbm4b:s2+s4] =	stream.indirect.scatter [tilespmem:s8], [sflag:$0x1], $0x1, s6, s4, $0xb8;
	[tilespmem:$0x17500] =	vst v63  }
0xb8: {  	s7 =	sadd.s32 $0x5280, s7  }
0xb9: {  	[hbm4b:s3+s4] =	stream.indirect.scatter [tilespmem:s7], [sflag:$0x1], $0x1, s6, s4, $0xb8;
	[tilespmem:$0x17500] =	vst v63  }
0xba: {  	s2 =	simm.s32 $0x1  }
0xbb: {  	_ =	swait.ge [sflag:s2], $0x80  }
0xbc: {  	[sflag:s2] =	ssyncset.done $0x0  }
0xbd: {  	[sflag:s2] =	ssyncadd.s32 $0xFFFFFF80  }
0xbe: {  	_ =	swait.ge [sflag:s2], $0x80  }
0xbf: {  	s3 =	simm.s32 $0x9C;
	[sflag:s2] =	ssyncset.done $0x0  }
.LBB2_13:
0xc0: {  	p0 =	sne.s32 s3, $0x1;
	s3 =	sadd.s32 $0xFFFFFFFF, s3;
	[sflag:s2] =	ssyncadd.s32 $0xFFFFFF80  }
.Ltmp6:
0xc1: {  	_ =	swait.ge [sflag:s2], $0x80;
	(pc) =	sbr.rel @p0 .LBB2_13-.Ltmp6, $4  }
0xc2: {  	[sflag:s2] =	ssyncset.done $0x0  }
0xc3: {  	[sflag:s2] =	ssyncadd.s32 $0xFFFFFF80  }
0xc4: {  	_ =	swait.ge [sflag:s2], $0x80  }
0xc5: {  	[sflag:s2] =	ssyncset.done $0x0  }
0xc6: {  	[sflag:s2] =	ssyncadd.s32 $0xFFFFFF80  }
0xc7: {  	[bflag:$0x0] =	sbarrier.arrive $0xFFFF  }
0xc8: {  	_ =	sfence.sel $0x180000  }
0xc9: {  	[bflag:$0x0] =	sbarrier.arrive $0xFFFF  }
0xca: {  	p0 =	sne.s32 s0, $0x0;
	_ =	strace $0x9000004D  }
0xcb: {  	s0 =	sadd.s32 @!p0 $0x100000, s1;
	[bflag:$0x2] =	sbarrier.arrive $0xFFFF  }
0xcc: {  	[sflag:s0] =	ssyncadd.tile.s32 @!p0 $0x1;
	_ =	shalt  }
.Lfunc_end2:
_tile_overlayer_lowered:
.L_overlay_start_2:
0xcd: {  	(tag) =	ssettag $0x2  }
0xce: {  	s0 =	rddreg [dreg:$0x0];
	s2 =	stileid.u32  }
0xcf: {  	s1 =	rddreg [dreg:$0x1];
	p0 =	sne.s32 s2, $0x0  }
0xd0: {  	s3 =	rddreg [dreg:$0x2];
	[bflag:$0x3] =	sbarrier.arrive $0xFFFF;
	s2 =	simm.s32 @!p0 $0x1C02  }
0xd1: {  	[timem:s3], [sflag:s2] =	dma.local @!p0 [hbm:s0], s1  }
0xd2: {  	s0 =	simm.s32 @!p0 $0x2  }
0xd3: {  	_ =	swait.ge @!p0 [sflag:s0], s1  }
0xd4: {  	s1 =	ssub.s32 @!p0 $0x0, s1;
	[sflag:s0] =	ssyncset.done @!p0 $0x0  }
0xd5: {  	[sflag:s0] =	ssyncadd.s32 @!p0 s1  }
0xd6: {  	[bflag:$0x3] =	sbarrier.arrive $0xFFFF  }
0xd7: {  	_ =	shalt  }

// kernel: kernel.17.cloned.1.call-start
scs
__scs_entry_jumppad:
0x0: {  	(pc) =	sbr.rel $0x88, $3  }
0x1: {  	(tag) =	ssettag $0x0;
	lr =	simm.s32 $0x1  }
0x2: {  	[smem:$0x3F9D] =	sst lr;
	_ =	strace $0xD0000000  }
0x3: {  	_ = 	snop  }
0x4: {  	_ = 	snop  }
0x5: {  	_ = 	snop  }
0x6: {  	_ = 	snop  }
0x7: {  	_ = 	snop  }
__scs_overlays_trampoline_lowered:
0x8: {  	[smem:$0x3FAC] =	sst s0  }
0x9: {  	[smem:$0x3FAD] =	sst s1  }
0xa: {  	[smem:$0x3FAE] =	sst s2  }
0xb: {  	[smem:$0x3FAF] =	sst s3  }
0xc: {  	[smem:$0x3FB0] =	sst s4  }
0xd: {  	[smem:$0x3FB1] =	sst s5  }
0xe: {  	[smem:$0x3FB2] =	sst s6  }
0xf: {  	[smem:$0x3FB3] =	sst s7  }
0x10: {  	[smem:$0x3FB4] =	sst s8  }
0x11: {  	[smem:$0x3FB5] =	sst s9;
	s0 =	simm.s32 @!p0 $0x0  }
0x12: {  	s1 =	sld [smem:$0x3F9B];
	s0 =	simm.s32 @p0 $0x1  }
0x13: {  	[smem:$0x3FB6] =	sst s0;
	s0 =	simm.s32 @!p1 $0x0  }
0x14: {  	s2 =	sld [smem:$0x3F9A];
	s0 =	simm.s32 @p1 $0x1  }
0x15: {  	[smem:$0x3FB7] =	sst s0;
	s0 =	simm.s32 @!p2 $0x0  }
0x16: {  	s3 =	sld [smem:$0x3FDB];
	s0 =	simm.s32 @p2 $0x1  }
0x17: {  	s4 =	simm.s32 $0x1BF5;
	[smem:$0x3FB9] =	sst s0  }
0x18: {  	s0 =	sld [smem:$0x3F9C];
	_ =	swait.ge [sflag:s4], $0x0  }
0x19: {  	s7 =	sld [smem:$0x3F9D]  }
0x1a: {  	s8 =	sadd.s32 $0xFFFFE003, lr  }
0x1b: {  	s9 =	sadd.s32 $0xFFFFFEF7, lr;
	s5 =	simm.s32 $0xFFFFFFFF;
	p2 =	slt.u32 s8, $0xFFFFF086  }
0x1c: {  	p1 =	slt.u32 s9, $0xF7A;
	s5 =	simm.s32 @!p2 $0x0  }
0x1d: {  	s5 =	simm.s32 @p1 $0x1;
	p0 =	seq.s32 s7, s2  }
0x1e: {  	s7 =	smul.u32 @!p0 $0xF7A, s2;
	p2 =	seq.s32 @!p0 s5, $0x0  }
0x1f: {  	s9 =	smul.u32 $0xF7A, s1;
	s8 =	simm.s32 @!p0 $0x1BF5;
	p2 =	por !p2, p0  }
0x20: {  	[sflag:s8] =	ssyncset.s32 @!p0 $0xFFFFF086;
	s6 =	sadd.s32 @!p0 s3, s7;
	s7 =	simm.s32 @!p0 $0x108  }
0x21: {  	s3 =	sadd.s32 s3, s9;
	s6 =	sadd.s32 @!p0 $0x88, s6;
	s7 =	simm.s32 @p2 $0x1082  }
0x22: {  	[simem:s7], [sflag:s8] =	dma.local @!p0 [hbm:s6], $0xF7A  }
0x23: {  	s9 =	sor.u32 $0xD0000000, s2;
	s6 =	simm.s32 $0x108;
	_ =	swait.ge @!p0 [sflag:s8], $0x0  }
0x24: {  	s3 =	sadd.s32 $0x88, s3;
	s6 =	simm.s32 @!p1 $0x1082;
	[sflag:s4] =	ssyncset.s32 $0xFFFFF086  }
0x25: {  	[simem:s6], [sflag:s4] =	dma.local [hbm:s3], $0xF7A  }
0x26: {  	[smem:$0x3F9D] =	sst s1;
	(tag) =	ssettag s2;
	_ =	strace s9  }
0x27: {  	s1 =	sld [smem:$0x3FAD]  }
0x28: {  	s2 =	sld [smem:$0x3FAE]  }
0x29: {  	s4 =	sld [smem:$0x3FB0]  }
0x2a: {  	p0 =	seq.s32 s5, $0x0;
	s5 =	sld [smem:$0x3FB1]  }
0x2b: {  	s6 =	sld [smem:$0x3FB2]  }
0x2c: {  	s7 =	sld [smem:$0x3FB3]  }
0x2d: {  	s3 =	simm.s32 $0x108;
	s8 =	sld [smem:$0x3FB4]  }
0x2e: {  	s3 =	simm.s32 @!p0 $0x1082;
	s9 =	sld [smem:$0x3FB5]  }
0x2f: {  	lr =	sadd.s32 s0, s3;
	s0 =	sld [smem:$0x3FAC]  }
0x30: {  	s3 =	sld [smem:$0x3FAF]  }
0x31: {  	[smem:$0x3FB8] =	sst s10  }
0x32: {  	s10 =	sld [smem:$0x3FB6];
	_ =	sdelay $0x3  }
0x33: {  	p0 =	seq.s32 s10, $0x1;
	s10 =	sld [smem:$0x3FB8];
	_ =	sdelay $0x3  }
0x34: {  	[smem:$0x3FB8] =	sst s10  }
0x35: {  	s10 =	sld [smem:$0x3FB7];
	_ =	sdelay $0x3  }
0x36: {  	p1 =	seq.s32 s10, $0x1;
	s10 =	sld [smem:$0x3FB8];
	_ =	sdelay $0x3  }
0x37: {  	[smem:$0x3FB8] =	sst s10  }
0x38: {  	s10 =	sld [smem:$0x3FB9]  }
0x39: {  	_ = 	snop;
	(pc) =	sbr.ind lr, $3  }
0x3a: {  	_ = 	snop  }
0x3b: {  	_ = 	snop  }
0x3c: {  	p2 =	seq.s32 s10, $0x1;
	s10 =	sld [smem:$0x3FB8]  }
0x3d: {  	_ =	shalt  }
0x3e: {  	_ =	shalt  }
0x3f: {  	_ =	shalt  }
0x40: {  	_ =	shalt  }
0x41: {  	_ =	shalt  }
0x42: {  	_ =	shalt  }
0x43: {  	_ =	shalt  }
0x44: {  	_ =	shalt  }
0x45: {  	_ =	shalt  }
0x46: {  	_ =	shalt  }
0x47: {  	_ =	shalt  }
0x48: {  	_ =	shalt  }
0x49: {  	_ =	shalt  }
0x4a: {  	_ =	shalt  }
0x4b: {  	_ =	shalt  }
0x4c: {  	_ =	shalt  }
0x4d: {  	_ =	shalt  }
0x4e: {  	_ =	shalt  }
0x4f: {  	_ =	shalt  }
0x50: {  	_ =	shalt  }
0x51: {  	_ =	shalt  }
0x52: {  	_ =	shalt  }
0x53: {  	_ =	shalt  }
0x54: {  	_ =	shalt  }
0x55: {  	_ =	shalt  }
0x56: {  	_ =	shalt  }
0x57: {  	_ =	shalt  }
0x58: {  	_ =	shalt  }
0x59: {  	_ =	shalt  }
0x5a: {  	_ =	shalt  }
0x5b: {  	_ =	shalt  }
0x5c: {  	_ =	shalt  }
0x5d: {  	_ =	shalt  }
0x5e: {  	_ =	shalt  }
0x5f: {  	_ =	shalt  }
0x60: {  	_ =	shalt  }
0x61: {  	_ =	shalt  }
0x62: {  	_ =	shalt  }
0x63: {  	_ =	shalt  }
0x64: {  	_ =	shalt  }
0x65: {  	_ =	shalt  }
0x66: {  	_ =	shalt  }
0x67: {  	_ =	shalt  }
0x68: {  	_ =	shalt  }
0x69: {  	_ =	shalt  }
0x6a: {  	_ =	shalt  }
0x6b: {  	_ =	shalt  }
0x6c: {  	_ =	shalt  }
0x6d: {  	_ =	shalt  }
0x6e: {  	_ =	shalt  }
0x6f: {  	_ =	shalt  }
0x70: {  	_ =	shalt  }
0x71: {  	_ =	shalt  }
0x72: {  	_ =	shalt  }
0x73: {  	_ =	shalt  }
0x74: {  	_ =	shalt  }
0x75: {  	_ =	shalt  }
0x76: {  	_ =	shalt  }
0x77: {  	_ =	shalt  }
0x78: {  	_ =	shalt  }
0x79: {  	_ =	shalt  }
0x7a: {  	_ =	shalt  }
0x7b: {  	_ =	shalt  }
0x7c: {  	_ =	shalt  }
0x7d: {  	_ =	shalt  }
0x7e: {  	_ =	shalt  }
0x7f: {  	_ =	shalt  }
0x80: {  	_ =	shalt  }
0x81: {  	_ =	shalt  }
0x82: {  	_ =	shalt  }
0x83: {  	_ =	shalt  }
0x84: {  	_ =	shalt  }
0x85: {  	_ =	shalt  }
0x86: {  	_ =	shalt  }
0x87: {  	_ =	shalt  }
.Lfunc_end0:
.L_simem_size_0:
called_computation.3_lowered:
.L_overlay_start_0:
0x88: {  	s0 =	sld [smem:$0x3FD9]  }
0x89: {  	s1 =	sld [smem:$0x3FFE];
	_ =	sdelay $0x3  }
0x8a: {  	s0 =	sadd.s32 s1, s0  }
0x8b: {  	[smem:$0x3FC4] =	sst s0  }
0x8c: {  	_ = 	snop  }
0x8d: {  	(tm) =	ssettm $0x1  }
0x8e: {  	s15 =	sld [smem:$0x3FFB];
	_ =	sdelay $0x3  }
0x8f: {  	_ =	strace s15  }
0x90: {  	s0 =	sld [smem:$0x3FFC];
	_ =	sdelay $0x3  }
0x91: {  	_ =	strace s0  }
0x92: {  	s0 =	sld [smem:$0x3FFD];
	_ =	sdelay $0x3  }
0x93: {  	_ =	strace s0  }
0x94: {  	_ =	strace $0x8FFFFFFF  }
0x95: {  	s16 =	sld [smem:$0x3FDB];
	_ =	sdelay $0x1  }
0x96: {  	s17 =	simm.s32 $_scs_section_size  }
0x97: {  	s2 =	simm.s32 $_size__tile_overlayer_lowered;
	s3 =	simm.s32 $_tile_overlayer_lowered  }
0x98: {  	s20 =	simm.s32 $0x1BFF;
	s19 =	sshll.u32 s3, $0x1;
	s0 =	sadd.s32 s17, s16  }
0x99: {  	s4 =	simm.s32 $0x0;
	s18 =	sshll.u32 s2, $0x1;
	s2 =	sadd.s32 s19, s0  }
0x9a: {  	[timem:s4], [sflag:s20] =	dma.local [hbm:s2], s18  }
0x9b: {  	_ =	swait.ge [sflag:s20], s18  }
0x9c: {  	s1 =	ssub.s32 $0x0, s18;
	[sflag:s20] =	ssyncset.done $0x0  }
0x9d: {  	[sflag:s20] =	ssyncadd.s32 s1;
	_ =	sdelay $0x1  }
0x9e: {  	s21 =	simm.s32 $0x1B8B  }
0x9f: {  	_ =	swait.ge [sflag:s21], $0x1  }
0xa0: {  	[sflag:s21] =	ssyncset.done $0x0  }
0xa1: {  	s23 =	simm.s32 $0x1B8E;
	s22 =	sld [smem:$0x3FFE];
	[sflag:s21] =	ssyncadd.s32 $0xFFFFFFFF  }
0xa2: {  	s24 =	simm.s32 $execute0_lowered;
	[smem:$0x3FD2] =	sst s23  }
0xa3: {  	s2 =	sshll.u32 s24, $0x1;
	_ =	strace $0x8000004F;
	[dreg:$0x1] =	wrdreg $0xFFFFFFFF  }
0xa4: {  	s25 =	simm.s32 $_size_execute0_lowered;
	s0 =	sadd.s32 s0, s2;
	[dreg:$0x0] =	wrdreg $0x0  }
0xa5: {  	s2 =	sshll.u32 s25, $0x1;
	[dreg:$0x2] =	wrdreg s0  }
0xa6: {  	[dreg:$0x3] =	wrdreg s2  }
0xa7: {  	[dreg:$0x4] =	wrdreg $0xC0  }
0xa8: {  	_ =	task [dreg:s4], $0x5FFFF  }
0xa9: {  	[dreg:$0x1] =	wrdreg $0xFFFFFFFF  }
0xaa: {  	[dreg:$0x0] =	wrdreg $0x60  }
0xab: {  	[dreg:$0x2] =	wrdreg s22  }
0xac: {  	[dreg:$0x3] =	wrdreg $0x0  }
0xad: {  	[dreg:$0x4] =	wrdreg $0x9  }
0xae: {  	_ =	task.clear_ibuf [dreg:s4], $0x5FFFF;
	_ =	strace $0x9000004F  }
0xaf: {  	s26 =	simm.s32 $0x9;
	_ =	strace $0x80000051  }
0xb0: {  	_ =	swait.ge [sflag:s26], $0x1  }
0xb1: {  	[sflag:s26] =	ssyncadd.s32 $0xFFFFFFFF  }
0xb2: {  	_ =	strace $0x90000051  }
0xb3: {  	_ =	sfence  }
0xb4: {  	s28 =	sld [smem:$0x0];
	_ =	sdelay $0x1  }
0xb5: {  	s29 =	srdreg.scid  }
0xb6: {  	s30 =	sshll.u32 s29, $0xD;
	s31 =	sshrl.u32 s29, $0x2  }
0xb7: {  	s1 =	sand.u32 $0x1, s29;
	s2 =	sand.u32 $0x4000, s30;
	s0 =	sadd.s32 s31, s28  }
0xb8: {  	s1 =	sor.u32 s2, s1;
	s0 =	sshll.u32 s0, $0x11  }
0xb9: {  	s0 =	sor.u32 s0, s1  }
0xba: {  	s0 =	sadd.s32 $0x8F2B, s0  }
0xbb: {  	[sflag:s0] =	ssyncadd.remote.s32 $0x1  }
0xbc: {  	_ =	sfence.sel $0xFFFF  }
0xbd: {  	[dreg:$0x0] =	wrdreg $0xFFFFFFFF;
	(pc) =	sbr.abs _section_cstart, $3  }
0xbe: {  	[dreg:$0x1] =	wrdreg $0xFFFFFFFF  }
0xbf: {  	_ =	task.clear_ibuf [dreg:s4], $0x2FFFF;
	_ =	strace $0x9FFFFFFF  }
0xc0: {  	(tm) =	ssettm $0x7FFFFFFF  }
0xc1: {  	_ =	shalt  }
tec
execute0_lowered:
.L_overlay_start_1:
0x0: {  	(tag) =	ssettag $0x1  }
0x1: {  	s3 =	rddreg [dreg:$0x0];
	s0 =	stileid.u32  }
0x2: {  	s5 =	rddreg [dreg:$0x1];
	s2 =	smul.u32 $0x9D0, s0  }
0x3: {  	s1 =	rddreg [dreg:$0x2];
	s4 =	simm.s32 $0x0  }
0x4: {  	s7 =	simm.s32 $0x400;
	[smem:$0x7FF] =	sst s4;
	s2 =	sadd.s32 s2, s3  }
0x5: {  	s30 =	simm.s32 $0x2;
	_ =	strace $0x80000050;
	s6 =	sadd.s32 $0x600, s2  }
0x6: {  	[tilespmem:s7], [sflag:$0x2] =	stream.linear.gather [hbm4b:s6+s4], $0x4E80, $0x38;
	[tilespmem:$0x17500] =	vst v63  }
0x7: {  	_ =	swait.ge [sflag:s30], $0x4E80  }
0x8: {  	[sflag:s30] =	ssyncset.done $0x0  }
0x9: {  	s31 =	simm.s32 $0x5280;
	s2 =	sadd.s32 $0x1E000, s2;
	[sflag:s30] =	ssyncadd.s32 $0xFFFFB180  }
0xa: {  	[tilespmem:s31], [sflag:$0x2] =	stream.linear.gather [hbm4b:s2+s4], $0x4E80, $0x38;
	[tilespmem:$0x17500] =	vst v63  }
0xb: {  	_ =	swait.ge [sflag:s30], $0x4E80  }
0xc: {  	s6 =	simm.s32 $0x0;
	[sflag:s30] =	ssyncset.done $0x0  }
0xd: {  	v0 =	vimm.s32 $0x0;
	s2 =	sadd.s32 $0x14200, s3;
	s3 =	sadd.s32 $0xA400, s3;
	[sflag:s30] =	ssyncadd.s32 $0xFFFFB180  }
.LBB2_1:
0xe: {  	p0 =	sne.s32 s6, $0xFFC0  }
.Ltmp0:
0xf: {  	_ = 	snop;
	(pc) =	sbr.rel @p0 .LBB2_1-.Ltmp0, $3  }
0x10: {  	_ =	sdelay $0x1  }
0x11: {  	s7 =	sshra.s32 s6, $0x2  }
0x12: {  	s6 =	sadd.s32 $0x40, s6;
	[tilespmem:s7+$0xF100] =	vst v0  }
0x13: {  	v1 =	vlaneseq.u32  }
0x14: {  	v0 =	vmul.u32 $0x4E8, v1  }
0x15: {  	s6 =	simm.s32 $0x400;
	v2 =	vimm.s32 $0x1;
	s8 =	simm.s32 $0xF100;
	v1 =	vmul.u32 $0x400, v1  }
.LBB2_3:
0x16: {  	v3 =	vadd.s32 s4, v0;
	_ =	sdelay $0x4  }
0x17: {  	v3 =	vld.idx.msk [tilespmem:v3+s6+$0x0], $0xffff;
	_ =	sdelay $0x4  }
0x18: {  	v3 =	vshrl.u32 v3, $0x14  }
0x19: {  	v3 =	vand.u32 $0x3FF, v3  }
0x1a: {  	p0 =	sne.s32 s4, $0x4E7;
	v3 =	vor.u32 v1, v3  }
.Ltmp1:
0x1b: {  	_ = 	snop;
	(pc) =	sbr.rel @p0 .LBB2_3-.Ltmp1, $2  }
0x1c: {  	_ =	sdelay $0x2  }
0x1d: {  	s4 =	sadd.s32 $0x1, s4;
	[tilespmem:v3+s8+$0x0] =	vst.idx.add.s32.msk $0xffff, v2  }
0x1e: {  	s6 =	simm.s32 $0x0  }
0x1f: {  	s7 =	sand.u32 $0x3F0, s6  }
0x20: {  	v0 =	vlaneseq.u32;
	s4 =	simm.s32 $0x17100;
	s9 =	simm.s32 $0x10;
	v1 =	vld [tilespmem:s7+$0xF500]  }
.LBB2_5:
0x21: {  	p0 =	sne.s32 s9, $0x3F0;
	v2 =	vld [tilespmem:s8+$0x0]  }
0x22: {  	v3 =	vld [tilespmem:s7+$0xF900]  }
0x23: {  	v4 =	vld [tilespmem:s7+$0xFD00]  }
0x24: {  	v5 =	vld [tilespmem:s7+$0x10100]  }
0x25: {  	v6 =	vld [tilespmem:s7+$0x10500]  }
0x26: {  	v1 =	vadd.s32 v2, v1;
	v2 =	vld [tilespmem:s7+$0x10900]  }
0x27: {  	v1 =	vadd.s32 v3, v1;
	v3 =	vld [tilespmem:s7+$0x10D00]  }
0x28: {  	v1 =	vadd.s32 v4, v1;
	v4 =	vld [tilespmem:s7+$0x11100]  }
0x29: {  	v1 =	vadd.s32 v5, v1;
	v5 =	vld [tilespmem:s7+$0x11500]  }
0x2a: {  	v1 =	vadd.s32 v6, v1;
	v6 =	vld [tilespmem:s7+$0x11900]  }
0x2b: {  	v1 =	vadd.s32 v2, v1;
	v2 =	vld [tilespmem:s7+$0x11D00]  }
0x2c: {  	v1 =	vadd.s32 v3, v1;
	v3 =	vld [tilespmem:s7+$0x12100]  }
0x2d: {  	v1 =	vadd.s32 v4, v1;
	v4 =	vld [tilespmem:s7+$0x12500]  }
0x2e: {  	v1 =	vadd.s32 v5, v1;
	v5 =	vld [tilespmem:s7+$0x12900]  }
0x2f: {  	v1 =	vadd.s32 v6, v1;
	v6 =	vld [tilespmem:s7+$0x12D00]  }
0x30: {  	v1 =	vadd.s32 v2, v1;
	v2 =	vor.u32 s6, v0;
	s6 =	smov.u32 s9  }
0x31: {  	v1 =	vadd.s32 v3, v1  }
.Ltmp2:
0x32: {  	v1 =	vadd.s32 v4, v1;
	(pc) =	sbr.rel @p0 .LBB2_5-.Ltmp2, $4  }
0x33: {  	v1 =	vadd.s32 v5, v1  }
0x34: {  	v1 =	vadd.s32 v6, v1  }
0x35: {  	s7 =	sand.u32 $0x3F0, s9;
	[tilespmem:v2+s4+$0x0] =	vst.idx.msk $0xffff, v1  }
0x36: {  	s8 =	sadd.s32 $0x10, s8;
	s9 =	sadd.s32 $0x10, s9;
	v1 =	vld [tilespmem:s7+$0xF500]  }
0x37: {  	v2 =	vld [tilespmem:s8+$0x0]  }
0x38: {  	v3 =	vld [tilespmem:s7+$0xF900]  }
0x39: {  	v4 =	vld [tilespmem:s7+$0xFD00]  }
0x3a: {  	v5 =	vld [tilespmem:s7+$0x10100]  }
0x3b: {  	v6 =	vld [tilespmem:s7+$0x10500]  }
0x3c: {  	v1 =	vadd.s32 v2, v1;
	v2 =	vld [tilespmem:s7+$0x10900]  }
0x3d: {  	v1 =	vadd.s32 v3, v1;
	v3 =	vld [tilespmem:s7+$0x10D00]  }
0x3e: {  	v57 =	vld [tilespmem:s7+$0x11100];
	v1 =	vadd.s32 v4, v1  }
0x3f: {  	v58 =	vld [tilespmem:s7+$0x11500];
	v1 =	vadd.s32 v5, v1  }
0x40: {  	v59 =	vld [tilespmem:s7+$0x11900];
	v1 =	vadd.s32 v6, v1  }
0x41: {  	v1 =	vadd.s32 v2, v1;
	v2 =	vld [tilespmem:s7+$0x11D00]  }
0x42: {  	v1 =	vadd.s32 v3, v1;
	v3 =	vld [tilespmem:s7+$0x12100]  }
0x43: {  	v60 =	vld [tilespmem:s7+$0x12500];
	v1 =	vadd.s32 v57, v1  }
0x44: {  	v61 =	vld [tilespmem:s7+$0x12900];
	v1 =	vadd.s32 v58, v1  }
0x45: {  	v62 =	vld [tilespmem:s7+$0x12D00];
	v1 =	vadd.s32 v59, v1  }
0x46: {  	v0 =	vor.u32 s6, v0;
	v1 =	vadd.s32 v2, v1  }
0x47: {  	v1 =	vadd.s32 v3, v1  }
0x48: {  	v1 =	vadd.s32 v60, v1  }
0x49: {  	v1 =	vadd.s32 v61, v1  }
0x4a: {  	s20 =	sshll.u32 s0, $0xA;
	s22 =	simm.s32 $0x17100;
	v1 =	vadd.s32 v62, v1  }
0x4b: {  	s23 =	simm.s32 $0x2;
	s24 =	simm.s32 $0x0;
	s21 =	sadd.s32 s20, s5;
	[tilespmem:v0+s4+$0x0] =	vst.idx.msk $0xffff, v1  }
0x4c: {  	v1 =	vlaneseq.u32;
	[spmem:s21] =	stream.linear.scatter [tilespmem:s22], [sflag:$0x2], $0x400, $0x38;
	[tilespmem:$0x17500] =	vst v63  }
0x4d: {  	v2 =	vmov s24;
	v0 =	vmul.u32 $0x400, v1;
	_ =	swait.ge [sflag:s23], $0x400  }
0x4e: {  	v2 =	vshll.u32 v2, $0x7;
	s4 =	simm.s32 $0x0;
	[sflag:s23] =	ssyncset.done $0x0  }
0x4f: {  	s25 =	sand.u32 $0x7F, s4;
	v2 =	vadd.s32 v0, v2;
	[sflag:s23] =	ssyncadd.s32 $0xFFFFFC00  }
0x50: {  	s6 =	simm.s32 $0xA100;
	v2 =	vor.u32 s25, v2;
	[bflag:$0x0] =	sbarrier.arrive $0xFFFF  }
0x51: {  	[tilespmem:s6], [sflag:$0x2] =	stream.linear.gather [spmem:s5], $0x4000, $0x38;
	[tilespmem:$0x17500] =	vst v63  }
0x52: {  	_ =	swait.ge [sflag:s23], $0x4000  }
0x53: {  	[sflag:s23] =	ssyncset.done $0x0  }
0x54: {  	[sflag:s23] =	ssyncadd.s32 $0xFFFFC000  }
0x55: {  	v2 =	vld.idx.msk [tilespmem:v2+s6+$0x0], $0xffff;
	_ =	sdelay $0x4  }
0x56: {  	(xrf0) =	vadd.scan.msk.s32 $0xffff, v2;
	_ =	sdelay $0x5  }
0x57: {  	v3 =	vmov s0;
	v63, _, _ =	vpop (xrf0)  }
0x58: {  	vm0 =	veq.s32 v3, v1;
	v1 =	vsub.s32 v63, v2  }
0x59: {  	v1 =	vnsel vm0, $0x0, v1  }
0x5a: {  	(xrf0) =	vadd.scan.msk.s32 $0xffff, v1;
	_ =	sdelay $0x5  }
0x5b: {  	(v2sf) =	vpush v63, $0xF;
	v1 =	vor.u32 s4, v0;
	v2, _, _ =	vpop (xrf0)  }
0x5c: {  	(v2sf) =	vpush v2, $0xF;
	_ =	sdelay $0x2  }
0x5d: {  	s5 =	simm.s32 $0xF100  }
0x5e: {  	v1 =	vld.idx.msk [tilespmem:v1+s5+$0x0], $0xffff;
	_ =	sdelay $0x4  }
0x5f: {  	(xrf0) =	vadd.scan.msk.s32 $0xffff, v1  }
0x60: {  	s26 =	simm.s32 $0x0  }
0x61: {  	v2 =	vmov s26  }
0x62: {  	s28 =	simm.s32 $0x1;
	v2 =	vshll.u32 v2, $0x7  }
0x63: {  	s29 =	sand.u32 $0x7F, s28;
	v2 =	vadd.s32 v0, v2  }
0x64: {  	v2 =	vor.u32 s29, v2;
	s9 =	spop (v2sf)  }
0x65: {  	v3, _, _ =	vpop (xrf0);
	s30 =	spop (v2sf)  }
0x66: {  	v1 =	vsub.s32 v3, v1;
	s10 =	sadd.s32 $0x0, s30  }
0x67: {  	s8 =	simm.s32 $0x13100;
	v1 =	vadd.s32 s10, v1  }
0x68: {  	[tilespmem:s8+$0x0] =	vst v1  }
0x69: {  	v1 =	vld.idx.msk [tilespmem:v2+s6+$0x0], $0xffff;
	_ =	sdelay $0x4  }
0x6a: {  	(xrf0) =	vadd.scan.msk.s32 $0xffff, v1;
	_ =	sdelay $0x5  }
0x6b: {  	v2, _, _ =	vpop (xrf0)  }
0x6c: {  	(v2sf) =	vpush v2, $0xF;
	_ =	sdelay $0x5  }
0x6d: {  	v1 =	vsub.s32 v2, v1  }
0x6e: {  	v1 =	vnsel vm0, $0x0, v1  }
0x6f: {  	(xrf0) =	vadd.scan.msk.s32 $0xffff, v1;
	_ =	sdelay $0x5  }
0x70: {  	v3 =	vor.u32 s28, v0;
	v2, _, _ =	vpop (xrf0)  }
0x71: {  	s31 =	spop (v2sf);
	(v2sf) =	vpush v2, $0xF;
	_ =	sdelay $0x3  }
0x72: {  	v1 =	vld.idx.msk [tilespmem:v3+s5+$0x0], $0xffff;
	_ =	sdelay $0x4  }
0x73: {  	s12 =	simm.s32 $0x0;
	s10 =	sadd.s32 $0x0, s9;
	(xrf0) =	vadd.scan.msk.s32 $0xffff, v1  }
0x74: {  	s11 =	simm.s32 $0x3;
	s9 =	simm.s32 $0x2;
	s7 =	sadd.s32 s10, s31  }
.LBB2_7:
0x75: {  	p0 =	sne.s32 s11, $0x3FF;
	v2 =	vmov s12  }
0x76: {  	v2 =	vshll.u32 v2, $0x7  }
0x77: {  	s12 =	sand.u32 $0x7F, s9;
	v2 =	vadd.s32 v0, v2  }
0x78: {  	v2 =	vor.u32 s12, v2  }
0x79: {  	s12 =	spop (v2sf);
	v3, _, _ =	vpop (xrf0)  }
0x7a: {  	v1 =	vsub.s32 v3, v1;
	s12 =	sadd.s32 s10, s12;
	s10 =	smov.u32 s7  }
0x7b: {  	s8 =	sadd.s32 $0x10, s8;
	v1 =	vadd.s32 s12, v1  }
0x7c: {  	[tilespmem:s8+$0x0] =	vst v1  }
0x7d: {  	v1 =	vld.idx.msk [tilespmem:v2+s6+$0x0], $0xffff;
	_ =	sdelay $0x5  }
0x7e: {  	(xrf0) =	vadd.scan.msk.s32 $0xffff, v1;
	_ =	sdelay $0x5  }
0x7f: {  	v2, _, _ =	vpop (xrf0)  }
0x80: {  	v1 =	vsub.s32 v2, v1;
	(v2sf) =	vpush v2, $0xF  }
0x81: {  	v1 =	vnsel vm0, $0x0, v1  }
0x82: {  	(xrf0) =	vadd.scan.msk.s32 $0xffff, v1;
	_ =	sdelay $0x4  }
0x83: {  	v1 =	vor.u32 s9, v0;
	s9 =	smov.u32 s11  }
0x84: {  	v2, _, _ =	vpop (xrf0)  }
0x85: {  	(v2sf) =	vpush v2, $0xF;
	_ =	sdelay $0x2  }
0x86: {  	v1 =	vld.idx.msk [tilespmem:v1+s5+$0x0], $0xffff;
	_ =	sdelay $0x2  }
.Ltmp3:
0x87: {  	s12 =	spop (v2sf);
	(pc) =	sbr.rel @p0 .LBB2_7-.Ltmp3, $3  }
0x88: {  	s7 =	sadd.s32 s7, s12;
	_ =	sdelay $0x1  }
0x89: {  	(xrf0) =	vadd.scan.msk.s32 $0xffff, v1  }
0x8a: {  	s11 =	sadd.s32 $0x1, s11;
	s12 =	sshrl.u32 s9, $0x7  }
0x8b: {  	v2 =	vmov s12  }
0x8c: {  	v2 =	vshll.u32 v2, $0x7  }
0x8d: {  	s11 =	sand.u32 $0x7F, s9;
	v2 =	vadd.s32 v0, v2  }
0x8e: {  	v2 =	vor.u32 s11, v2  }
0x8f: {  	s29 =	spop (v2sf);
	v3, _, _ =	vpop (xrf0)  }
0x90: {  	v1 =	vsub.s32 v3, v1;
	s10 =	sadd.s32 s10, s29  }
0x91: {  	s8 =	sadd.s32 $0x10, s8;
	v1 =	vadd.s32 s10, v1  }
0x92: {  	[tilespmem:s8+$0x0] =	vst v1  }
0x93: {  	v1 =	vld.idx.msk [tilespmem:v2+s6+$0x0], $0xffff;
	_ =	sdelay $0x4  }
0x94: {  	(xrf0) =	vadd.scan.msk.s32 $0xffff, v1;
	_ =	sdelay $0x5  }
0x95: {  	v2, _, _ =	vpop (xrf0)  }
0x96: {  	v1 =	vsub.s32 v2, v1  }
0x97: {  	v1 =	vnsel vm0, $0x0, v1  }
0x98: {  	(xrf0) =	vadd.scan.msk.s32 $0xffff, v1;
	_ =	sdelay $0x5  }
0x99: {  	v0 =	vor.u32 s9, v0;
	(v2sf) =	vpush v2, $0xF;
	v1, _, _ =	vpop (xrf0)  }
0x9a: {  	(v2sf) =	vpush v1, $0xF;
	_ =	sdelay $0x3  }
0x9b: {  	v0 =	vld.idx.msk [tilespmem:v0+s5+$0x0], $0xffff;
	_ =	sdelay $0x4  }
0x9c: {  	(xrf0) =	vadd.scan.msk.s32 $0xffff, v0;
	_ =	sdelay $0x4  }
0x9d: {  	s30 =	spop (v2sf)  }
0x9e: {  	v1, _, _ =	vpop (xrf0);
	s5 =	spop (v2sf)  }
0x9f: {  	v0 =	vsub.s32 v1, v0;
	s5 =	sadd.s32 s7, s5  }
0xa0: {  	s31 =	sadd.s32 $0x10, s8;
	v1 =	vadd.s32 s5, v0;
	v0 =	vlaneseq.u32  }
0xa1: {  	[tilespmem:s31+$0x0] =	vst v1;
	v1 =	vmul.u32 $0x4E8, v0  }
0xa2: {  	s6 =	simm.s32 $0x13100;
	s7 =	simm.s32 $0xA100;
	s5 =	simm.s32 $0x400  }
.LBB2_9:
0xa3: {  	v2 =	vadd.s32 s4, v1;
	_ =	sdelay $0x4  }
0xa4: {  	v3 =	vld.idx.msk [tilespmem:v2+s5+$0x0], $0xffff;
	_ =	sdelay $0x4  }
0xa5: {  	v3 =	vshrl.u32 v3, $0x10  }
0xa6: {  	v3 =	vand.u32 $0x3FF0, v3  }
0xa7: {  	v3 =	vor.u32 v0, v3;
	_ =	sdelay $0x4  }
0xa8: {  	v4 =	vld.idx.msk [tilespmem:v3+s6+$0x0], $0xffff;
	_ =	sdelay $0x1  }
0xa9: {  	p0 =	sne.s32 s4, $0x4E7  }
.Ltmp4:
0xaa: {  	_ = 	snop;
	(pc) =	sbr.rel @p0 .LBB2_9-.Ltmp4, $4  }
0xab: {  	_ = 	snop  }
0xac: {  	v5 =	vadd.s32 $0x1, v4  }
0xad: {  	[tilespmem:v3+s6+$0x0] =	vst.idx.msk $0xffff, v5  }
0xae: {  	s4 =	sadd.s32 $0x1, s4;
	[tilespmem:v2+s7+$0x0] =	vst.idx.msk $0xffff, v4  }
0xaf: {  	s4 =	simm.s32 $0x80;
	s5 =	simm.s32 $0x400;
	s6 =	simm.s32 $0xA100  }
0xb0: {  	[hbm4b:s2+s4] =	stream.indirect.scatter [tilespmem:s5], [sflag:$0x1], $0x1, s6, s4, $0xb8;
	[tilespmem:$0x17500] =	vst v63  }
0xb1: {  	s7 =	simm.s32 $0x5280;
	s5 =	simm.s32 $0x200  }
.LBB2_11:
0xb2: {  	[hbm4b:s3+s4] =	stream.indirect.scatter [tilespmem:s7], [sflag:$0x1], $0x1, s6, s4, $0xb8;
	[tilespmem:$0x17500] =	vst v63  }
0xb3: {  	s6 =	smov.u32 s5;
	p0 =	sne.s32 s5, $0x13800  }
.Ltmp5:
0xb4: {  	s5 =	sadd.s32 $0x200, s5;
	(pc) =	sbr.rel @p0 .LBB2_11-.Ltmp5, $4  }
0xb5: {  	s7 =	sshra.s32 s6, $0x2  }
0xb6: {  	s8 =	sadd.s32 $0x400, s7;
	s6 =	sadd.s32 $0xA100, s7  }
0xb7: {  	[hbm4b:s2+s4] =	stream.indirect.scatter [tilespmem:s8], [sflag:$0x1], $0x1, s6, s4, $0xb8;
	[tilespmem:$0x17500] =	vst v63  }
0xb8: {  	s7 =	sadd.s32 $0x5280, s7  }
0xb9: {  	[hbm4b:s3+s4] =	stream.indirect.scatter [tilespmem:s7], [sflag:$0x1], $0x1, s6, s4, $0xb8;
	[tilespmem:$0x17500] =	vst v63  }
0xba: {  	s2 =	simm.s32 $0x1  }
0xbb: {  	_ =	swait.ge [sflag:s2], $0x80  }
0xbc: {  	[sflag:s2] =	ssyncset.done $0x0  }
0xbd: {  	[sflag:s2] =	ssyncadd.s32 $0xFFFFFF80  }
0xbe: {  	_ =	swait.ge [sflag:s2], $0x80  }
0xbf: {  	s3 =	simm.s32 $0x9C;
	[sflag:s2] =	ssyncset.done $0x0  }
.LBB2_13:
0xc0: {  	p0 =	sne.s32 s3, $0x1;
	s3 =	sadd.s32 $0xFFFFFFFF, s3;
	[sflag:s2] =	ssyncadd.s32 $0xFFFFFF80  }
.Ltmp6:
0xc1: {  	_ =	swait.ge [sflag:s2], $0x80;
	(pc) =	sbr.rel @p0 .LBB2_13-.Ltmp6, $4  }
0xc2: {  	[sflag:s2] =	ssyncset.done $0x0  }
0xc3: {  	[sflag:s2] =	ssyncadd.s32 $0xFFFFFF80  }
0xc4: {  	_ =	swait.ge [sflag:s2], $0x80  }
0xc5: {  	[sflag:s2] =	ssyncset.done $0x0  }
0xc6: {  	[sflag:s2] =	ssyncadd.s32 $0xFFFFFF80  }
0xc7: {  	[bflag:$0x0] =	sbarrier.arrive $0xFFFF  }
0xc8: {  	_ =	sfence.sel $0x180000  }
0xc9: {  	[bflag:$0x0] =	sbarrier.arrive $0xFFFF  }
0xca: {  	p0 =	sne.s32 s0, $0x0;
	_ =	strace $0x90000050  }
0xcb: {  	s0 =	sadd.s32 @!p0 $0x100000, s1;
	[bflag:$0x2] =	sbarrier.arrive $0xFFFF  }
0xcc: {  	[sflag:s0] =	ssyncadd.tile.s32 @!p0 $0x1;
	_ =	shalt  }
.Lfunc_end2:
_tile_overlayer_lowered:
.L_overlay_start_2:
0xcd: {  	(tag) =	ssettag $0x2  }
0xce: {  	s0 =	rddreg [dreg:$0x0];
	s2 =	stileid.u32  }
0xcf: {  	s1 =	rddreg [dreg:$0x1];
	p0 =	sne.s32 s2, $0x0  }
0xd0: {  	s3 =	rddreg [dreg:$0x2];
	[bflag:$0x3] =	sbarrier.arrive $0xFFFF;
	s2 =	simm.s32 @!p0 $0x1C02  }
0xd1: {  	[timem:s3], [sflag:s2] =	dma.local @!p0 [hbm:s0], s1  }
0xd2: {  	s0 =	simm.s32 @!p0 $0x2  }
0xd3: {  	_ =	swait.ge @!p0 [sflag:s0], s1  }
0xd4: {  	s1 =	ssub.s32 @!p0 $0x0, s1;
	[sflag:s0] =	ssyncset.done @!p0 $0x0  }
0xd5: {  	[sflag:s0] =	ssyncadd.s32 @!p0 s1  }
0xd6: {  	[bflag:$0x3] =	sbarrier.arrive $0xFFFF  }
0xd7: {  	_ =	shalt  }

// kernel: kernel.8.cloned.1.call-start
scs
__scs_entry_jumppad:
0x0: {  	(pc) =	sbr.rel $0x88, $3  }
0x1: {  	(tag) =	ssettag $0x0;
	lr =	simm.s32 $0x1  }
0x2: {  	[smem:$0x3F9D] =	sst lr;
	_ =	strace $0xD0000000  }
0x3: {  	_ = 	snop  }
0x4: {  	_ = 	snop  }
0x5: {  	_ = 	snop  }
0x6: {  	_ = 	snop  }
0x7: {  	_ = 	snop  }
__scs_overlays_trampoline_lowered:
0x8: {  	[smem:$0x3FAC] =	sst s0  }
0x9: {  	[smem:$0x3FAD] =	sst s1  }
0xa: {  	[smem:$0x3FAE] =	sst s2  }
0xb: {  	[smem:$0x3FAF] =	sst s3  }
0xc: {  	[smem:$0x3FB0] =	sst s4  }
0xd: {  	[smem:$0x3FB1] =	sst s5  }
0xe: {  	[smem:$0x3FB2] =	sst s6  }
0xf: {  	[smem:$0x3FB3] =	sst s7  }
0x10: {  	[smem:$0x3FB4] =	sst s8  }
0x11: {  	[smem:$0x3FB5] =	sst s9;
	s0 =	simm.s32 @!p0 $0x0  }
0x12: {  	s1 =	sld [smem:$0x3F9B];
	s0 =	simm.s32 @p0 $0x1  }
0x13: {  	[smem:$0x3FB6] =	sst s0;
	s0 =	simm.s32 @!p1 $0x0  }
0x14: {  	s2 =	sld [smem:$0x3F9A];
	s0 =	simm.s32 @p1 $0x1  }
0x15: {  	[smem:$0x3FB7] =	sst s0;
	s0 =	simm.s32 @!p2 $0x0  }
0x16: {  	s3 =	sld [smem:$0x3FDB];
	s0 =	simm.s32 @p2 $0x1  }
0x17: {  	s4 =	simm.s32 $0x1BF5;
	[smem:$0x3FB9] =	sst s0  }
0x18: {  	s0 =	sld [smem:$0x3F9C];
	_ =	swait.ge [sflag:s4], $0x0  }
0x19: {  	s7 =	sld [smem:$0x3F9D]  }
0x1a: {  	s8 =	sadd.s32 $0xFFFFE003, lr  }
0x1b: {  	s9 =	sadd.s32 $0xFFFFFEF7, lr;
	s5 =	simm.s32 $0xFFFFFFFF;
	p2 =	slt.u32 s8, $0xFFFFF086  }
0x1c: {  	p1 =	slt.u32 s9, $0xF7A;
	s5 =	simm.s32 @!p2 $0x0  }
0x1d: {  	s5 =	simm.s32 @p1 $0x1;
	p0 =	seq.s32 s7, s2  }
0x1e: {  	s7 =	smul.u32 @!p0 $0xF7A, s2;
	p2 =	seq.s32 @!p0 s5, $0x0  }
0x1f: {  	s9 =	smul.u32 $0xF7A, s1;
	s8 =	simm.s32 @!p0 $0x1BF5;
	p2 =	por !p2, p0  }
0x20: {  	[sflag:s8] =	ssyncset.s32 @!p0 $0xFFFFF086;
	s6 =	sadd.s32 @!p0 s3, s7;
	s7 =	simm.s32 @!p0 $0x108  }
0x21: {  	s3 =	sadd.s32 s3, s9;
	s6 =	sadd.s32 @!p0 $0x88, s6;
	s7 =	simm.s32 @p2 $0x1082  }
0x22: {  	[simem:s7], [sflag:s8] =	dma.local @!p0 [hbm:s6], $0xF7A  }
0x23: {  	s9 =	sor.u32 $0xD0000000, s2;
	s6 =	simm.s32 $0x108;
	_ =	swait.ge @!p0 [sflag:s8], $0x0  }
0x24: {  	s3 =	sadd.s32 $0x88, s3;
	s6 =	simm.s32 @!p1 $0x1082;
	[sflag:s4] =	ssyncset.s32 $0xFFFFF086  }
0x25: {  	[simem:s6], [sflag:s4] =	dma.local [hbm:s3], $0xF7A  }
0x26: {  	[smem:$0x3F9D] =	sst s1;
	(tag) =	ssettag s2;
	_ =	strace s9  }
0x27: {  	s1 =	sld [smem:$0x3FAD]  }
0x28: {  	s2 =	sld [smem:$0x3FAE]  }
0x29: {  	s4 =	sld [smem:$0x3FB0]  }
0x2a: {  	p0 =	seq.s32 s5, $0x0;
	s5 =	sld [smem:$0x3FB1]  }
0x2b: {  	s6 =	sld [smem:$0x3FB2]  }
0x2c: {  	s7 =	sld [smem:$0x3FB3]  }
0x2d: {  	s3 =	simm.s32 $0x108;
	s8 =	sld [smem:$0x3FB4]  }
0x2e: {  	s3 =	simm.s32 @!p0 $0x1082;
	s9 =	sld [smem:$0x3FB5]  }
0x2f: {  	lr =	sadd.s32 s0, s3;
	s0 =	sld [smem:$0x3FAC]  }
0x30: {  	s3 =	sld [smem:$0x3FAF]  }
0x31: {  	[smem:$0x3FB8] =	sst s10  }
0x32: {  	s10 =	sld [smem:$0x3FB6];
	_ =	sdelay $0x3  }
0x33: {  	p0 =	seq.s32 s10, $0x1;
	s10 =	sld [smem:$0x3FB8];
	_ =	sdelay $0x3  }
0x34: {  	[smem:$0x3FB8] =	sst s10  }
0x35: {  	s10 =	sld [smem:$0x3FB7];
	_ =	sdelay $0x3  }
0x36: {  	p1 =	seq.s32 s10, $0x1;
	s10 =	sld [smem:$0x3FB8];
	_ =	sdelay $0x3  }
0x37: {  	[smem:$0x3FB8] =	sst s10  }
0x38: {  	s10 =	sld [smem:$0x3FB9]  }
0x39: {  	_ = 	snop;
	(pc) =	sbr.ind lr, $3  }
0x3a: {  	_ = 	snop  }
0x3b: {  	_ = 	snop  }
0x3c: {  	p2 =	seq.s32 s10, $0x1;
	s10 =	sld [smem:$0x3FB8]  }
0x3d: {  	_ =	shalt  }
0x3e: {  	_ =	shalt  }
0x3f: {  	_ =	shalt  }
0x40: {  	_ =	shalt  }
0x41: {  	_ =	shalt  }
0x42: {  	_ =	shalt  }
0x43: {  	_ =	shalt  }
0x44: {  	_ =	shalt  }
0x45: {  	_ =	shalt  }
0x46: {  	_ =	shalt  }
0x47: {  	_ =	shalt  }
0x48: {  	_ =	shalt  }
0x49: {  	_ =	shalt  }
0x4a: {  	_ =	shalt  }
0x4b: {  	_ =	shalt  }
0x4c: {  	_ =	shalt  }
0x4d: {  	_ =	shalt  }
0x4e: {  	_ =	shalt  }
0x4f: {  	_ =	shalt  }
0x50: {  	_ =	shalt  }
0x51: {  	_ =	shalt  }
0x52: {  	_ =	shalt  }
0x53: {  	_ =	shalt  }
0x54: {  	_ =	shalt  }
0x55: {  	_ =	shalt  }
0x56: {  	_ =	shalt  }
0x57: {  	_ =	shalt  }
0x58: {  	_ =	shalt  }
0x59: {  	_ =	shalt  }
0x5a: {  	_ =	shalt  }
0x5b: {  	_ =	shalt  }
0x5c: {  	_ =	shalt  }
0x5d: {  	_ =	shalt  }
0x5e: {  	_ =	shalt  }
0x5f: {  	_ =	shalt  }
0x60: {  	_ =	shalt  }
0x61: {  	_ =	shalt  }
0x62: {  	_ =	shalt  }
0x63: {  	_ =	shalt  }
0x64: {  	_ =	shalt  }
0x65: {  	_ =	shalt  }
0x66: {  	_ =	shalt  }
0x67: {  	_ =	shalt  }
0x68: {  	_ =	shalt  }
0x69: {  	_ =	shalt  }
0x6a: {  	_ =	shalt  }
0x6b: {  	_ =	shalt  }
0x6c: {  	_ =	shalt  }
0x6d: {  	_ =	shalt  }
0x6e: {  	_ =	shalt  }
0x6f: {  	_ =	shalt  }
0x70: {  	_ =	shalt  }
0x71: {  	_ =	shalt  }
0x72: {  	_ =	shalt  }
0x73: {  	_ =	shalt  }
0x74: {  	_ =	shalt  }
0x75: {  	_ =	shalt  }
0x76: {  	_ =	shalt  }
0x77: {  	_ =	shalt  }
0x78: {  	_ =	shalt  }
0x79: {  	_ =	shalt  }
0x7a: {  	_ =	shalt  }
0x7b: {  	_ =	shalt  }
0x7c: {  	_ =	shalt  }
0x7d: {  	_ =	shalt  }
0x7e: {  	_ =	shalt  }
0x7f: {  	_ =	shalt  }
0x80: {  	_ =	shalt  }
0x81: {  	_ =	shalt  }
0x82: {  	_ =	shalt  }
0x83: {  	_ =	shalt  }
0x84: {  	_ =	shalt  }
0x85: {  	_ =	shalt  }
0x86: {  	_ =	shalt  }
0x87: {  	_ =	shalt  }
.Lfunc_end0:
.L_simem_size_0:
called_computation_lowered:
.L_overlay_start_0:
0x88: {  	s2 =	sld [smem:$0x3FD9]  }
0x89: {  	s3 =	sld [smem:$0x3FFE];
	_ =	sdelay $0x1  }
0x8a: {  	s1 =	srdreg.scid  }
0x8b: {  	s0 =	sand.u32 $0x1, s1  }
0x8c: {  	s17 =	sshll.u32 s0, $0xA;
	s2 =	sadd.s32 s3, s2  }
0x8d: {  	s2 =	sadd.s32 s2, s17  }
0x8e: {  	[smem:$0x3FC4] =	sst s2  }
0x8f: {  	_ = 	snop  }
0x90: {  	s2 =	sld [smem:$0x3FC8];
	(tm) =	ssettm $0x1  }
0x91: {  	s18 =	sld [smem:$0x3FFB];
	_ =	sdelay $0x3  }
0x92: {  	_ =	strace s18  }
0x93: {  	s3 =	sld [smem:$0x3FFC];
	_ =	sdelay $0x3  }
0x94: {  	_ =	strace s3  }
0x95: {  	s3 =	sld [smem:$0x3FFD];
	_ =	sdelay $0x3  }
0x96: {  	_ =	strace s3  }
0x97: {  	_ =	strace $0x8FFFFFFF  }
0x98: {  	s19 =	sld [smem:$0x3FDB];
	_ =	sdelay $0x1  }
0x99: {  	s4 =	simm.s32 $_scs_section_size  }
0x9a: {  	s5 =	simm.s32 $_size__tile_overlayer_lowered;
	s6 =	simm.s32 $_tile_overlayer_lowered  }
0x9b: {  	s22 =	simm.s32 $0x1BFF;
	s21 =	sshll.u32 s6, $0x1;
	s3 =	sadd.s32 s4, s19  }
0x9c: {  	s7 =	simm.s32 $0x0;
	s20 =	sshll.u32 s5, $0x1;
	s5 =	sadd.s32 s21, s3  }
0x9d: {  	[timem:s7], [sflag:s22] =	dma.local [hbm:s5], s20  }
0x9e: {  	_ =	swait.ge [sflag:s22], s20  }
0x9f: {  	s4 =	ssub.s32 $0x0, s20;
	[sflag:s22] =	ssyncset.done $0x0  }
0xa0: {  	[sflag:s22] =	ssyncadd.s32 s4;
	_ =	sdelay $0x1  }
0xa1: {  	s23 =	simm.s32 $0x1B8B  }
0xa2: {  	_ =	swait.ge [sflag:s23], $0x1  }
0xa3: {  	[sflag:s23] =	ssyncset.done $0x0  }
0xa4: {  	s25 =	simm.s32 $0x1B8E;
	s24 =	sld [smem:$0x3FFE];
	[sflag:s23] =	ssyncadd.s32 $0xFFFFFFFF  }
0xa5: {  	s26 =	simm.s32 $execute0_lowered;
	[smem:$0x3FD2] =	sst s25  }
0xa6: {  	s5 =	sshll.u32 s26, $0x1;
	_ =	strace $0x80000046;
	[dreg:$0x1] =	wrdreg $0xFFFFFFFF  }
0xa7: {  	s28 =	simm.s32 $_size_execute0_lowered;
	s3 =	sadd.s32 s3, s5;
	[dreg:$0x0] =	wrdreg $0x0  }
0xa8: {  	s5 =	sshll.u32 s28, $0x1;
	[dreg:$0x2] =	wrdreg s3  }
0xa9: {  	[dreg:$0x3] =	wrdreg s5  }
0xaa: {  	[dreg:$0x4] =	wrdreg $0xC0  }
0xab: {  	_ =	task [dreg:s7], $0x5FFFF  }
0xac: {  	[dreg:$0x1] =	wrdreg $0xFFFFFFFF  }
0xad: {  	[dreg:$0x0] =	wrdreg $0x60  }
0xae: {  	[dreg:$0x2] =	wrdreg s24  }
0xaf: {  	[dreg:$0x3] =	wrdreg s2  }
0xb0: {  	[dreg:$0x4] =	wrdreg $0x9  }
0xb1: {  	_ =	task.clear_ibuf [dreg:s7], $0x5FFFF;
	_ =	strace $0x90000046  }
0xb2: {  	s29 =	simm.s32 $0x9;
	_ =	strace $0x80000048  }
0xb3: {  	_ =	swait.ge [sflag:s29], $0x1  }
0xb4: {  	[sflag:s29] =	ssyncadd.s32 $0xFFFFFFFF  }
0xb5: {  	_ =	strace $0x90000048  }
0xb6: {  	_ =	sfence  }
0xb7: {  	s30 =	sld [smem:$0x0];
	_ =	sdelay $0x2  }
0xb8: {  	s31 =	sshll.u32 s1, $0xD;
	s1 =	sshrl.u32 s1, $0x2  }
0xb9: {  	s3 =	sand.u32 $0x4000, s31;
	s1 =	sadd.s32 s1, s30  }
0xba: {  	s0 =	sor.u32 s3, s0;
	s1 =	sshll.u32 s1, $0x11  }
0xbb: {  	s0 =	sor.u32 s1, s0  }
0xbc: {  	s0 =	sadd.s32 $0x8F2B, s0  }
0xbd: {  	[sflag:s0] =	ssyncadd.remote.s32 $0x1  }
0xbe: {  	_ =	sfence.sel $0xFFFF  }
0xbf: {  	[dreg:$0x0] =	wrdreg $0xFFFFFFFF;
	(pc) =	sbr.abs _section_cstart, $3  }
0xc0: {  	[dreg:$0x1] =	wrdreg $0xFFFFFFFF  }
0xc1: {  	_ =	task.clear_ibuf [dreg:s7], $0x2FFFF;
	_ =	strace $0x9FFFFFFF  }
0xc2: {  	(tm) =	ssettm $0x7FFFFFFF  }
0xc3: {  	_ =	shalt  }
tec
execute0_lowered:
.L_overlay_start_1:
0x0: {  	(tag) =	ssettag $0x1  }
0x1: {  	s1 =	srdreg.scid;
	s0 =	stileid.u32  }
0x2: {  	s9 =	rddreg [dreg:$0x0];
	s25 =	sand.u32 $0x1, s1;
	s31 =	sshll.u32 s0, $0x1  }
0x3: {  	s3 =	rddreg [dreg:$0x1];
	s6 =	sor.u32 s25, s31  }
0x4: {  	s2 =	simm.s32 $0x0;
	s1 =	rddreg [dreg:$0x2];
	s4 =	smul.u32 $0x4E2, s6  }
0x5: {  	[smem:$0x7FF] =	sst s2  }
0x6: {  	_ =	strace $0x80000047;
	s4 =	sadd.s32 s3, s4;
	s3 =	simm.s32 $0x2  }
0x7: {  	[tilespmem:s2], [sflag:$0x2] =	stream.linear.gather [hbm4b:s4+s2], $0x2710, $0x38;
	[tilespmem:$0x6590] =	vst v63  }
0x8: {  	s7 =	simm.s32 $0x2710;
	_ =	swait.ge [sflag:s3], $0x2710  }
0x9: {  	s8 =	simm.s32 $0x1;
	s5 =	sadd.s32 $0x4E2600, s9;
	[sflag:s3] =	ssyncset.done $0x0  }
0xa: {  	s10 =	smul.u32 $0x4E20, s6;
	s6 =	simm.s32 $0x3E8;
	[sflag:s3] =	ssyncadd.s32 $0xFFFFD8F0  }
0xb: {  	[tilespmem:s7], [sflag:$0x1] =	stream.indirect.gather [hbm4b:s5+s6], $0x10, s2, s6, $0xb8;
	[tilespmem:$0x6590] =	vst v63  }
0xc: {  	_ =	swait.ge [sflag:s8], $0x3E80  }
0xd: {  	s26 =	sadd.s32 s10, s9;
	[sflag:s8] =	ssyncset.done $0x0  }
0xe: {  	s9 =	sadd.s32 $0x600, s26;
	[sflag:s8] =	ssyncadd.s32 $0xFFFFC180  }
0xf: {  	[hbm4b:s9+s2] =	stream.linear.scatter [tilespmem:s7], [sflag:$0x2], $0x3E80, $0x38;
	[tilespmem:$0x6590] =	vst v63  }
0x10: {  	_ =	swait.ge [sflag:s3], $0x3E80  }
0x11: {  	[sflag:s3] =	ssyncset.done $0x0  }
0x12: {  	[sflag:s3] =	ssyncadd.s32 $0xFFFFC180  }
0x13: {  	[tilespmem:s7], [sflag:$0x1] =	stream.indirect.gather [hbm4b:s5+s6], $0x10, s6, s6, $0xb8;
	[tilespmem:$0x6590] =	vst v63  }
0x14: {  	_ =	swait.ge [sflag:s8], $0x3E80  }
0x15: {  	[sflag:s8] =	ssyncset.done $0x0  }
0x16: {  	s10 =	sadd.s32 $0xDD0, s26;
	[sflag:s8] =	ssyncadd.s32 $0xFFFFC180  }
0x17: {  	[hbm4b:s10+s2] =	stream.linear.scatter [tilespmem:s7], [sflag:$0x2], $0x3E80, $0x38;
	[tilespmem:$0x6590] =	vst v63  }
0x18: {  	_ =	swait.ge [sflag:s3], $0x3E80  }
0x19: {  	[sflag:s3] =	ssyncset.done $0x0  }
0x1a: {  	s11 =	simm.s32 $0x7D0;
	[sflag:s3] =	ssyncadd.s32 $0xFFFFC180  }
0x1b: {  	[tilespmem:s7], [sflag:$0x1] =	stream.indirect.gather [hbm4b:s5+s6], $0x10, s11, s6, $0xb8;
	[tilespmem:$0x6590] =	vst v63  }
0x1c: {  	_ =	swait.ge [sflag:s8], $0x3E80  }
0x1d: {  	[sflag:s8] =	ssyncset.done $0x0  }
0x1e: {  	s12 =	sadd.s32 $0x15A0, s26;
	[sflag:s8] =	ssyncadd.s32 $0xFFFFC180  }
0x1f: {  	[hbm4b:s12+s2] =	stream.linear.scatter [tilespmem:s7], [sflag:$0x2], $0x3E80, $0x38;
	[tilespmem:$0x6590] =	vst v63  }
0x20: {  	_ =	swait.ge [sflag:s3], $0x3E80  }
0x21: {  	[sflag:s3] =	ssyncset.done $0x0  }
0x22: {  	s13 =	simm.s32 $0xBB8;
	[sflag:s3] =	ssyncadd.s32 $0xFFFFC180  }
0x23: {  	[tilespmem:s7], [sflag:$0x1] =	stream.indirect.gather [hbm4b:s5+s6], $0x10, s13, s6, $0xb8;
	[tilespmem:$0x6590] =	vst v63  }
0x24: {  	_ =	swait.ge [sflag:s8], $0x3E80  }
0x25: {  	[sflag:s8] =	ssyncset.done $0x0  }
0x26: {  	s14 =	sadd.s32 $0x1D70, s26;
	[sflag:s8] =	ssyncadd.s32 $0xFFFFC180  }
0x27: {  	[hbm4b:s14+s2] =	stream.linear.scatter [tilespmem:s7], [sflag:$0x2], $0x3E80, $0x38;
	[tilespmem:$0x6590] =	vst v63  }
0x28: {  	_ =	swait.ge [sflag:s3], $0x3E80  }
0x29: {  	[sflag:s3] =	ssyncset.done $0x0  }
0x2a: {  	s15 =	simm.s32 $0xFA0;
	[sflag:s3] =	ssyncadd.s32 $0xFFFFC180  }
0x2b: {  	[tilespmem:s7], [sflag:$0x1] =	stream.indirect.gather [hbm4b:s5+s6], $0x10, s15, s6, $0xb8;
	[tilespmem:$0x6590] =	vst v63  }
0x2c: {  	_ =	swait.ge [sflag:s8], $0x3E80  }
0x2d: {  	[sflag:s8] =	ssyncset.done $0x0  }
0x2e: {  	s16 =	sadd.s32 $0x2540, s26;
	[sflag:s8] =	ssyncadd.s32 $0xFFFFC180  }
0x2f: {  	[hbm4b:s16+s2] =	stream.linear.scatter [tilespmem:s7], [sflag:$0x2], $0x3E80, $0x38;
	[tilespmem:$0x6590] =	vst v63  }
0x30: {  	_ =	swait.ge [sflag:s3], $0x3E80  }
0x31: {  	[sflag:s3] =	ssyncset.done $0x0  }
0x32: {  	s17 =	simm.s32 $0x1388;
	[sflag:s3] =	ssyncadd.s32 $0xFFFFC180  }
0x33: {  	[tilespmem:s7], [sflag:$0x1] =	stream.indirect.gather [hbm4b:s5+s6], $0x10, s17, s6, $0xb8;
	[tilespmem:$0x6590] =	vst v63  }
0x34: {  	_ =	swait.ge [sflag:s8], $0x3E80  }
0x35: {  	[sflag:s8] =	ssyncset.done $0x0  }
0x36: {  	s18 =	sadd.s32 $0x2D10, s26;
	[sflag:s8] =	ssyncadd.s32 $0xFFFFC180  }
0x37: {  	[hbm4b:s18+s2] =	stream.linear.scatter [tilespmem:s7], [sflag:$0x2], $0x3E80, $0x38;
	[tilespmem:$0x6590] =	vst v63  }
0x38: {  	_ =	swait.ge [sflag:s3], $0x3E80  }
0x39: {  	[sflag:s3] =	ssyncset.done $0x0  }
0x3a: {  	s19 =	simm.s32 $0x1770;
	[sflag:s3] =	ssyncadd.s32 $0xFFFFC180  }
0x3b: {  	[tilespmem:s7], [sflag:$0x1] =	stream.indirect.gather [hbm4b:s5+s6], $0x10, s19, s6, $0xb8;
	[tilespmem:$0x6590] =	vst v63  }
0x3c: {  	_ =	swait.ge [sflag:s8], $0x3E80  }
0x3d: {  	[sflag:s8] =	ssyncset.done $0x0  }
0x3e: {  	s20 =	sadd.s32 $0x34E0, s26;
	[sflag:s8] =	ssyncadd.s32 $0xFFFFC180  }
0x3f: {  	[hbm4b:s20+s2] =	stream.linear.scatter [tilespmem:s7], [sflag:$0x2], $0x3E80, $0x38;
	[tilespmem:$0x6590] =	vst v63  }
0x40: {  	_ =	swait.ge [sflag:s3], $0x3E80  }
0x41: {  	[sflag:s3] =	ssyncset.done $0x0  }
0x42: {  	s21 =	simm.s32 $0x1B58;
	[sflag:s3] =	ssyncadd.s32 $0xFFFFC180  }
0x43: {  	[tilespmem:s7], [sflag:$0x1] =	stream.indirect.gather [hbm4b:s5+s6], $0x10, s21, s6, $0xb8;
	[tilespmem:$0x6590] =	vst v63  }
0x44: {  	_ =	swait.ge [sflag:s8], $0x3E80  }
0x45: {  	[sflag:s8] =	ssyncset.done $0x0  }
0x46: {  	s22 =	sadd.s32 $0x3CB0, s26;
	[sflag:s8] =	ssyncadd.s32 $0xFFFFC180  }
0x47: {  	[hbm4b:s22+s2] =	stream.linear.scatter [tilespmem:s7], [sflag:$0x2], $0x3E80, $0x38;
	[tilespmem:$0x6590] =	vst v63  }
0x48: {  	_ =	swait.ge [sflag:s3], $0x3E80  }
0x49: {  	[sflag:s3] =	ssyncset.done $0x0  }
0x4a: {  	s23 =	simm.s32 $0x1F40;
	[sflag:s3] =	ssyncadd.s32 $0xFFFFC180  }
0x4b: {  	[tilespmem:s7], [sflag:$0x1] =	stream.indirect.gather [hbm4b:s5+s6], $0x10, s23, s6, $0xb8;
	[tilespmem:$0x6590] =	vst v63  }
0x4c: {  	_ =	swait.ge [sflag:s8], $0x3E80  }
0x4d: {  	[sflag:s8] =	ssyncset.done $0x0  }
0x4e: {  	s28 =	ssub.s32 $0x2, s25;
	s24 =	sadd.s32 $0x4480, s26;
	[sflag:s8] =	ssyncadd.s32 $0xFFFFC180  }
0x4f: {  	[hbm4b:s24+s2] =	stream.linear.scatter [tilespmem:s7], [sflag:$0x2], $0x3E80, $0x38;
	[tilespmem:$0x6590] =	vst v63  }
0x50: {  	s29 =	sshrl.u32 s28, $0x1;
	_ =	swait.ge [sflag:s3], $0x3E80  }
0x51: {  	s28 =	ssub.s32 s28, s29;
	[sflag:s3] =	ssyncset.done $0x0  }
0x52: {  	s25 =	simm.s32 $0x2328;
	s28 =	smax.u32 s28, $0x1;
	[sflag:s3] =	ssyncadd.s32 $0xFFFFC180  }
0x53: {  	[tilespmem:s7], [sflag:$0x1] =	stream.indirect.gather [hbm4b:s5+s6], $0x10, s25, s6, $0xb8;
	[tilespmem:$0x6590] =	vst v63  }
0x54: {  	p0 =	sne.s32 s28, $0x1;
	_ =	swait.ge [sflag:s8], $0x3E80  }
.Ltmp0:
0x55: {  	[sflag:s8] =	ssyncset.done $0x0;
	(pc) =	sbr.rel @!p0 .LBB2_2-.Ltmp0, $4  }
0x56: {  	s26 =	sadd.s32 $0x4C50, s26;
	[sflag:s8] =	ssyncadd.s32 $0xFFFFC180  }
0x57: {  	[hbm4b:s26+s2] =	stream.linear.scatter [tilespmem:s7], [sflag:$0x2], $0x3E80, $0x38;
	[tilespmem:$0x6590] =	vst v63  }
0x58: {  	_ =	swait.ge [sflag:s3], $0x3E80  }
0x59: {  	s28 =	sadd.s32 $0xFFFFFFFF, s28;
	[sflag:s3] =	ssyncset.done $0x0  }
.LBB2_1:
0x5a: {  	p0 =	sne.s32 s28, $0x1;
	s28 =	sadd.s32 $0xFFFFFFFF, s28;
	[sflag:s3] =	ssyncadd.s32 $0xFFFFC180  }
0x5b: {  	[tilespmem:s2], [sflag:$0x2] =	stream.linear.gather [hbm4b:s4+s2], $0x2710, $0x38;
	[tilespmem:$0x6590] =	vst v63  }
0x5c: {  	_ =	swait.ge [sflag:s3], $0x2710  }
0x5d: {  	[sflag:s3] =	ssyncset.done $0x0  }
0x5e: {  	[sflag:s3] =	ssyncadd.s32 $0xFFFFD8F0  }
0x5f: {  	[tilespmem:s7], [sflag:$0x1] =	stream.indirect.gather [hbm4b:s5+s6], $0x10, s2, s6, $0xb8;
	[tilespmem:$0x6590] =	vst v63  }
0x60: {  	_ =	swait.ge [sflag:s8], $0x3E80  }
0x61: {  	[sflag:s8] =	ssyncset.done $0x0  }
0x62: {  	[sflag:s8] =	ssyncadd.s32 $0xFFFFC180  }
0x63: {  	[hbm4b:s9+s2] =	stream.linear.scatter [tilespmem:s7], [sflag:$0x2], $0x3E80, $0x38;
	[tilespmem:$0x6590] =	vst v63  }
0x64: {  	_ =	swait.ge [sflag:s3], $0x3E80  }
0x65: {  	[sflag:s3] =	ssyncset.done $0x0  }
0x66: {  	[sflag:s3] =	ssyncadd.s32 $0xFFFFC180  }
0x67: {  	[tilespmem:s7], [sflag:$0x1] =	stream.indirect.gather [hbm4b:s5+s6], $0x10, s6, s6, $0xb8;
	[tilespmem:$0x6590] =	vst v63  }
0x68: {  	_ =	swait.ge [sflag:s8], $0x3E80  }
0x69: {  	[sflag:s8] =	ssyncset.done $0x0  }
0x6a: {  	[sflag:s8] =	ssyncadd.s32 $0xFFFFC180  }
0x6b: {  	[hbm4b:s10+s2] =	stream.linear.scatter [tilespmem:s7], [sflag:$0x2], $0x3E80, $0x38;
	[tilespmem:$0x6590] =	vst v63  }
0x6c: {  	_ =	swait.ge [sflag:s3], $0x3E80  }
0x6d: {  	[sflag:s3] =	ssyncset.done $0x0  }
0x6e: {  	[sflag:s3] =	ssyncadd.s32 $0xFFFFC180  }
0x6f: {  	[tilespmem:s7], [sflag:$0x1] =	stream.indirect.gather [hbm4b:s5+s6], $0x10, s11, s6, $0xb8;
	[tilespmem:$0x6590] =	vst v63  }
0x70: {  	_ =	swait.ge [sflag:s8], $0x3E80  }
0x71: {  	[sflag:s8] =	ssyncset.done $0x0  }
0x72: {  	[sflag:s8] =	ssyncadd.s32 $0xFFFFC180  }
0x73: {  	[hbm4b:s12+s2] =	stream.linear.scatter [tilespmem:s7], [sflag:$0x2], $0x3E80, $0x38;
	[tilespmem:$0x6590] =	vst v63  }
0x74: {  	_ =	swait.ge [sflag:s3], $0x3E80  }
0x75: {  	[sflag:s3] =	ssyncset.done $0x0  }
0x76: {  	[sflag:s3] =	ssyncadd.s32 $0xFFFFC180  }
0x77: {  	[tilespmem:s7], [sflag:$0x1] =	stream.indirect.gather [hbm4b:s5+s6], $0x10, s13, s6, $0xb8;
	[tilespmem:$0x6590] =	vst v63  }
0x78: {  	_ =	swait.ge [sflag:s8], $0x3E80  }
0x79: {  	[sflag:s8] =	ssyncset.done $0x0  }
0x7a: {  	[sflag:s8] =	ssyncadd.s32 $0xFFFFC180  }
0x7b: {  	[hbm4b:s14+s2] =	stream.linear.scatter [tilespmem:s7], [sflag:$0x2], $0x3E80, $0x38;
	[tilespmem:$0x6590] =	vst v63  }
0x7c: {  	_ =	swait.ge [sflag:s3], $0x3E80  }
0x7d: {  	[sflag:s3] =	ssyncset.done $0x0  }
0x7e: {  	[sflag:s3] =	ssyncadd.s32 $0xFFFFC180  }
0x7f: {  	[tilespmem:s7], [sflag:$0x1] =	stream.indirect.gather [hbm4b:s5+s6], $0x10, s15, s6, $0xb8;
	[tilespmem:$0x6590] =	vst v63  }
0x80: {  	_ =	swait.ge [sflag:s8], $0x3E80  }
0x81: {  	[sflag:s8] =	ssyncset.done $0x0  }
0x82: {  	[sflag:s8] =	ssyncadd.s32 $0xFFFFC180  }
0x83: {  	[hbm4b:s16+s2] =	stream.linear.scatter [tilespmem:s7], [sflag:$0x2], $0x3E80, $0x38;
	[tilespmem:$0x6590] =	vst v63  }
0x84: {  	_ =	swait.ge [sflag:s3], $0x3E80  }
0x85: {  	[sflag:s3] =	ssyncset.done $0x0  }
0x86: {  	[sflag:s3] =	ssyncadd.s32 $0xFFFFC180  }
0x87: {  	[tilespmem:s7], [sflag:$0x1] =	stream.indirect.gather [hbm4b:s5+s6], $0x10, s17, s6, $0xb8;
	[tilespmem:$0x6590] =	vst v63  }
0x88: {  	_ =	swait.ge [sflag:s8], $0x3E80  }
0x89: {  	[sflag:s8] =	ssyncset.done $0x0  }
0x8a: {  	[sflag:s8] =	ssyncadd.s32 $0xFFFFC180  }
0x8b: {  	[hbm4b:s18+s2] =	stream.linear.scatter [tilespmem:s7], [sflag:$0x2], $0x3E80, $0x38;
	[tilespmem:$0x6590] =	vst v63  }
0x8c: {  	_ =	swait.ge [sflag:s3], $0x3E80  }
0x8d: {  	[sflag:s3] =	ssyncset.done $0x0  }
0x8e: {  	[sflag:s3] =	ssyncadd.s32 $0xFFFFC180  }
0x8f: {  	[tilespmem:s7], [sflag:$0x1] =	stream.indirect.gather [hbm4b:s5+s6], $0x10, s19, s6, $0xb8;
	[tilespmem:$0x6590] =	vst v63  }
0x90: {  	_ =	swait.ge [sflag:s8], $0x3E80  }
0x91: {  	[sflag:s8] =	ssyncset.done $0x0  }
0x92: {  	[sflag:s8] =	ssyncadd.s32 $0xFFFFC180  }
0x93: {  	[hbm4b:s20+s2] =	stream.linear.scatter [tilespmem:s7], [sflag:$0x2], $0x3E80, $0x38;
	[tilespmem:$0x6590] =	vst v63  }
0x94: {  	_ =	swait.ge [sflag:s3], $0x3E80  }
0x95: {  	[sflag:s3] =	ssyncset.done $0x0  }
0x96: {  	[sflag:s3] =	ssyncadd.s32 $0xFFFFC180  }
0x97: {  	[tilespmem:s7], [sflag:$0x1] =	stream.indirect.gather [hbm4b:s5+s6], $0x10, s21, s6, $0xb8;
	[tilespmem:$0x6590] =	vst v63  }
0x98: {  	_ =	swait.ge [sflag:s8], $0x3E80  }
0x99: {  	[sflag:s8] =	ssyncset.done $0x0  }
0x9a: {  	[sflag:s8] =	ssyncadd.s32 $0xFFFFC180  }
0x9b: {  	[hbm4b:s22+s2] =	stream.linear.scatter [tilespmem:s7], [sflag:$0x2], $0x3E80, $0x38;
	[tilespmem:$0x6590] =	vst v63  }
0x9c: {  	_ =	swait.ge [sflag:s3], $0x3E80  }
0x9d: {  	[sflag:s3] =	ssyncset.done $0x0  }
0x9e: {  	[sflag:s3] =	ssyncadd.s32 $0xFFFFC180  }
0x9f: {  	[tilespmem:s7], [sflag:$0x1] =	stream.indirect.gather [hbm4b:s5+s6], $0x10, s23, s6, $0xb8;
	[tilespmem:$0x6590] =	vst v63  }
0xa0: {  	_ =	swait.ge [sflag:s8], $0x3E80  }
0xa1: {  	[sflag:s8] =	ssyncset.done $0x0  }
0xa2: {  	[sflag:s8] =	ssyncadd.s32 $0xFFFFC180  }
0xa3: {  	[hbm4b:s24+s2] =	stream.linear.scatter [tilespmem:s7], [sflag:$0x2], $0x3E80, $0x38;
	[tilespmem:$0x6590] =	vst v63  }
0xa4: {  	_ =	swait.ge [sflag:s3], $0x3E80  }
0xa5: {  	[sflag:s3] =	ssyncset.done $0x0  }
0xa6: {  	[sflag:s3] =	ssyncadd.s32 $0xFFFFC180  }
0xa7: {  	[tilespmem:s7], [sflag:$0x1] =	stream.indirect.gather [hbm4b:s5+s6], $0x10, s25, s6, $0xb8;
	[tilespmem:$0x6590] =	vst v63  }
0xa8: {  	_ =	swait.ge [sflag:s8], $0x3E80  }
.Ltmp1:
0xa9: {  	[sflag:s8] =	ssyncset.done $0x0;
	(pc) =	sbr.rel @p0 .LBB2_1-.Ltmp1, $4  }
0xaa: {  	[sflag:s8] =	ssyncadd.s32 $0xFFFFC180  }
0xab: {  	[hbm4b:s26+s2] =	stream.linear.scatter [tilespmem:s7], [sflag:$0x2], $0x3E80, $0x38;
	[tilespmem:$0x6590] =	vst v63  }
0xac: {  	_ =	swait.ge [sflag:s3], $0x3E80  }
0xad: {  	[sflag:s3] =	ssyncset.done $0x0  }
.LBB2_2:
0xae: {  	[sflag:s3] =	ssyncadd.s32 $0xFFFFC180  }
0xaf: {  	_ =	sfence.sel $0x180000  }
0xb0: {  	[bflag:$0x0] =	sbarrier.arrive $0xFFFF  }
0xb1: {  	p0 =	sne.s32 s0, $0x0;
	_ =	strace $0x90000047  }
0xb2: {  	s0 =	sadd.s32 @!p0 $0x100000, s1;
	[bflag:$0x2] =	sbarrier.arrive $0xFFFF  }
0xb3: {  	[sflag:s0] =	ssyncadd.tile.s32 @!p0 $0x1;
	_ =	shalt  }
.Lfunc_end2:
_tile_overlayer_lowered:
.L_overlay_start_2:
0xb4: {  	(tag) =	ssettag $0x2  }
0xb5: {  	s0 =	rddreg [dreg:$0x0];
	s2 =	stileid.u32  }
0xb6: {  	s1 =	rddreg [dreg:$0x1];
	p0 =	sne.s32 s2, $0x0  }
0xb7: {  	s3 =	rddreg [dreg:$0x2];
	[bflag:$0x3] =	sbarrier.arrive $0xFFFF;
	s2 =	simm.s32 @!p0 $0x1C02  }
0xb8: {  	[timem:s3], [sflag:s2] =	dma.local @!p0 [hbm:s0], s1  }
0xb9: {  	s0 =	simm.s32 @!p0 $0x2  }
0xba: {  	_ =	swait.ge @!p0 [sflag:s0], s1  }
0xbb: {  	s1 =	ssub.s32 @!p0 $0x0, s1;
	[sflag:s0] =	ssyncset.done @!p0 $0x0  }
0xbc: {  	[sflag:s0] =	ssyncadd.s32 @!p0 s1  }
0xbd: {  	[bflag:$0x3] =	sbarrier.arrive $0xFFFF  }
0xbe: {  	_ =	shalt  }

</sc_bundles>
